<compile_context>
chip_gen: v7x
topology: tpu7x:2x2x1
jax: 0.10.2.dev20260603
libtpu: 0.0.44.dev20260713+nightly
codegen_flags: <defaults>
</compile_context>

<pallas_src>
import functools

import jax
import jax.numpy as jnp
from jax import lax
from jax.experimental import pallas as pl
from jax.experimental.pallas import tpu as pltpu
from jax.experimental.pallas import tpu_sc as plsc

VOCAB = 100000
WORD_DIM = 128
CHAR_VOCAB = 262
CHAR_DIM = 16
NUM_FILTERS = 128
KERNEL = 5
W = 16



def _make_sc_gather(B, D, nw):
    b_per_w = B // nw
    CH = 80
    n_ch = b_per_w // CH
    mesh = plsc.VectorSubcoreMesh(core_axis_name="c", subcore_axis_name="s")

    @functools.partial(
        pl.kernel,
        mesh=mesh,
        out_type=jax.ShapeDtypeStruct((B, 2 * D), jnp.float32),
        scratch_types=[
            pltpu.VMEM((n_ch, CH), jnp.int32),
            pltpu.VMEM((CH, D), jnp.float32),
            pltpu.VMEM((CH, D), jnp.float32),
            pltpu.SemaphoreType.DMA,
            pltpu.SemaphoreType.DMA,
        ],
    )
    def sc_gather(table_hbm, idx_hbm, out_hbm, idx_v, buf0, buf1, sem0, sem1):
        wid = lax.axis_index("s") * 2 + lax.axis_index("c")
        base = wid * b_per_w
        pltpu.sync_copy(idx_hbm.at[wid], idx_v)
        bufs = (buf0, buf1)
        sems = (sem0, sem1)
        copies = [None] * n_ch
        for j in range(n_ch):
            copies[j] = pltpu.async_copy(
                table_hbm.at[idx_v.at[j]], bufs[j % 2], sems[j % 2])
            if j >= 1:
                copies[j - 1].wait()
                pltpu.sync_copy(
                    bufs[(j - 1) % 2],
                    out_hbm.at[pl.ds(base + (j - 1) * CH, CH), pl.ds(0, D)])
        copies[n_ch - 1].wait()
        pltpu.sync_copy(
            bufs[(n_ch - 1) % 2],
            out_hbm.at[pl.ds(base + (n_ch - 1) * CH, CH), pl.ds(0, D)])

    return sc_gather



def _tc_body(w_ref, cT_ref, tab_ref, w80_ref, b_ref, out_ref):
    del w_ref
    T = out_ref.shape[0]
    N = T * W

    G = T // 128
    c = cT_ref[...]
    idx_row = jnp.concatenate(
        [c[W * g + p: W * g + p + 1, :]
         for p in range(W) for g in range(G)], axis=1)
    tabT = lax.transpose(tab_ref[...], (1, 0)).astype(jnp.bfloat16)
    wcT = jnp.concatenate(
        [w80_ref[...], b_ref[...]], axis=0).astype(jnp.bfloat16)
    iota_s = lax.broadcasted_iota(jnp.int16, (CHAR_VOCAB, N), 0)
    one = jnp.ones((), jnp.bfloat16)
    zero = jnp.zeros((), jnp.bfloat16)
    ohT = jnp.where(idx_row == iota_s, one, zero)
    ceT = jnp.dot(tabT, ohT,
                  preferred_element_type=jnp.float32
                  ).astype(jnp.bfloat16)

    z2 = jnp.zeros((CHAR_DIM, 2 * T), jnp.bfloat16)
    rows = []
    for k in range(KERNEL):
        d = (k - 2) * T
        if d < 0:
            rows.append(jnp.concatenate([z2[:, :-d], ceT[:, :N + d]], axis=1))
        elif d == 0:
            rows.append(ceT)
        else:
            rows.append(jnp.concatenate([ceT[:, d:], z2[:, :d]], axis=1))
    rows.append(jnp.ones((1, N), jnp.bfloat16))
    xT = jnp.concatenate(rows, axis=0)
    yT = lax.dot_general(wcT, xT, (((0,), (0,)), ((), ())),
                         preferred_element_type=jnp.float32)

    acc = yT[:, :T]
    for p in range(1, W):
        acc = jnp.maximum(acc, yT[:, p * T:(p + 1) * T])
    m = jnp.maximum(acc, 0.0)
    out_ref[...] = lax.transpose(m, (1, 0))


def _make_tc(B, T):
    grid = (B // T,)
    return pl.pallas_call(
        _tc_body,
        grid=grid,
        in_specs=[
            pl.BlockSpec(memory_space=pltpu.MemorySpace.HBM),
            pl.BlockSpec((T // 8, 128), lambda i: (i, 0)),
            pl.BlockSpec((CHAR_VOCAB, CHAR_DIM), lambda i: (0, 0)),
            pl.BlockSpec((KERNEL * CHAR_DIM, NUM_FILTERS), lambda i: (0, 0)),
            pl.BlockSpec((1, NUM_FILTERS), lambda i: (0, 0)),
        ],
        out_specs=pl.BlockSpec((T, NUM_FILTERS), lambda i: (i, 1)),
        out_shape=jax.ShapeDtypeStruct((B, WORD_DIM + NUM_FILTERS),
                                       jnp.float32),
        input_output_aliases={0: 0},
    )



@jax.jit
def _run(words, chars, word_table, char_table, conv_w, conv_b):
    Bt, L = words.shape
    B = Bt * L
    nw = 32
    idx = words.astype(jnp.int32).reshape(nw, (B // nw) // 80, 80)
    sc_gather = _make_sc_gather(B, WORD_DIM, nw)
    w_filled = sc_gather(word_table, idx)

    T = 2560
    chars_f = (chars.reshape(B // 128, 128, W).astype(jnp.int16)
               .transpose(0, 2, 1).reshape(B // 8, 128))
    w80 = conv_w.reshape(KERNEL * CHAR_DIM, NUM_FILTERS)
    b2 = conv_b.reshape(1, NUM_FILTERS)
    out = _make_tc(B, T)(w_filled, chars_f, char_table, w80, b2)
    return out.reshape(Bt, L, WORD_DIM + NUM_FILTERS)


def kernel(words, chars, word_table, char_table, conv_w, conv_b):
    return _run(words, chars, word_table, char_table, conv_w, conv_b)

# --- scband reference (transcript-rebuilt; emitter-appended) ---
"""Pipeline reference for scband-token-embedding-57002805953247 (READ-ONLY COPY).

The authoritative reference and input builder live on the scoring server;
editing this copy changes nothing except your own understanding.
"""

import jax, jax.numpy as jnp
import numpy as np

VOCAB = 100000
WORD_DIM = 128
CHAR_VOCAB = 262
CHAR_DIM = 16
NUM_FILTERS = 128
KERNEL = 5


def setup_inputs(seed: int = 0) -> dict:
    key = jax.random.key(seed)
    k1, k2, k3, k4, k5 = jax.random.split(key, 5)
    words = jax.random.randint(k1, (1024, 50), 0, VOCAB)
    chars = jax.random.randint(k2, (1024, 50, 16), 0, CHAR_VOCAB)
    # frozen pretrained word embedding table (stands in for np.load(embedding_npy))
    word_table = jax.random.normal(k3, (VOCAB, WORD_DIM), dtype=jnp.float32) * 0.02
    # CharEmbedding params: char table + 1D conv (char-CNN with max-over-time pooling)
    char_table = jax.random.normal(k4, (CHAR_VOCAB, CHAR_DIM), dtype=jnp.float32) * 0.02
    conv_w = jax.random.normal(k5, (KERNEL, CHAR_DIM, NUM_FILTERS), dtype=jnp.float32) * 0.05
    conv_b = jnp.zeros((NUM_FILTERS,), dtype=jnp.float32)
    return {"words": words, "chars": chars, "word_table": word_table,
            "char_table": char_table, "conv_w": conv_w, "conv_b": conv_b}


def reference(words, chars, word_table, char_table, conv_w, conv_b):
    # frozen word embedding lookup (torch.no_grad + freeze=True)
    word_embed = jax.lax.stop_gradient(jnp.take(word_table, words, axis=0))  # [B, L, WORD_DIM]
    B, L, W = chars.shape
    # char embedding lookup
    ce = jnp.take(char_table, chars.reshape(B * L, W), axis=0)  # [B*L, W, CHAR_DIM]
    # char CNN: conv over char positions, relu, max-over-time pooling
    conv = jax.lax.conv_general_dilated(
        ce, conv_w, window_strides=(1,), padding='SAME',
        dimension_numbers=('NWC', 'WIO', 'NWC'))
    conv = jax.nn.relu(conv + conv_b)
    char_embed = jnp.max(conv, axis=1).reshape(B, L, NUM_FILTERS)  # [B, L, NUM_FILTERS]
    return jnp.concatenate([word_embed, char_embed], axis=2)  # [B, L, WORD_DIM + NUM_FILTERS]

if __name__ == "__main__":
    import jax
    _d = setup_inputs()
    print(jax.jit(kernel)(*tuple(_d.values())))

</pallas_src>

<mosaic_0001>
#map = affine_map<(d0, d1) -> (0, 0)>
#map1 = affine_map<(d0, d1) -> (0, 0, 0)>
module attributes {stable_mosaic.version = 14 : i64} {
  func.func @sc_gather(%arg0: i32, %arg1: i32, %arg2: memref<100000x128xf32, #tpu.memory_space<hbm>>, %arg3: memref<32x20x80xi32, #tpu.memory_space<hbm>>, %arg4: memref<51200x256xf32, #tpu.memory_space<hbm>>, %arg5: memref<20x80xi32, #tpu.memory_space<vmem>>, %arg6: memref<80x128xf32, #tpu.memory_space<vmem>>, %arg7: memref<80x128xf32, #tpu.memory_space<vmem>>, %arg8: memref<!tpu.dma_semaphore, #tpu.memory_space<semaphore_mem>>, %arg9: memref<!tpu.dma_semaphore, #tpu.memory_space<semaphore_mem>>) attributes {dimension_semantics = [#tpu.dimension_semantics<core_parallel>, #tpu.dimension_semantics<subcore_parallel>], iteration_bounds = array<i64: 2, 16>, scalar_prefetch = 0 : i64, scratch_operands = 5 : i64, tpu.core_type = #tpu.core_type<sc_vector_subcore>, window_params = [{transform_indices = #map}, {transform_indices = #map1}, {transform_indices = #map}]} {
    %mul3A = arith.constant 2 : i32
    %mul3A_0 = arith.muli %arg1, %mul3A : i32
    %add3A = arith.addi %mul3A_0, %arg0 : i32
    %mul3A_1 = arith.constant 1600 : i32
    %mul3A_2 = arith.muli %add3A, %mul3A_1 : i32
    "tpu.region"() ({
      %run_scoped3A = tpu.sem_alloc : memref<!tpu.dma_semaphore, #tpu.memory_space<semaphore_mem>>
      %dma_start3A_321 = arith.constant 0 : i32
      %dma_start3A_322 = arith.constant 0 : i32
      %dma_start3A_323 = tpu.memref_slice %arg3[%add3A, %dma_start3A_321, %dma_start3A_322] : memref<32x20x80xi32, #tpu.memory_space<hbm>> -> memref<1x20x80xi32, #tpu.memory_space<hbm>>
      %dma_start3A_324 = tpu.memref_squeeze %dma_start3A_323 : memref<1x20x80xi32, #tpu.memory_space<hbm>> -> memref<20x80xi32, #tpu.memory_space<hbm>>
      %dma_start3A_325 = arith.constant 0 : i32
      %dma_start3A_326 = arith.constant 0 : i32
      %dma_start3A_327 = tpu.memref_slice %arg3[%add3A, %dma_start3A_325, %dma_start3A_326] : memref<32x20x80xi32, #tpu.memory_space<hbm>> -> memref<1x20x80xi32, #tpu.memory_space<hbm>>
      %dma_start3A_328 = tpu.memref_squeeze %dma_start3A_327 : memref<1x20x80xi32, #tpu.memory_space<hbm>> -> memref<20x80xi32, #tpu.memory_space<hbm>>
      tpu.enqueue_dma source(%dma_start3A_328 : memref<20x80xi32, #tpu.memory_space<hbm>>) target(%arg5 : memref<20x80xi32, #tpu.memory_space<vmem>>) target_semaphore(%run_scoped3A : memref<!tpu.dma_semaphore, #tpu.memory_space<semaphore_mem>>)
      %dma_wait3A_329 = arith.constant 0 : i32
      %dma_wait3A_330 = arith.constant 0 : i32
      %dma_wait3A_331 = tpu.memref_slice %arg3[%add3A, %dma_wait3A_329, %dma_wait3A_330] : memref<32x20x80xi32, #tpu.memory_space<hbm>> -> memref<1x20x80xi32, #tpu.memory_space<hbm>>
      %dma_wait3A_332 = tpu.memref_squeeze %dma_wait3A_331 : memref<1x20x80xi32, #tpu.memory_space<hbm>> -> memref<20x80xi32, #tpu.memory_space<hbm>>
      %dma_wait3A_333 = arith.constant 0 : i32
      %dma_wait3A_334 = arith.constant 0 : i32
      %dma_wait3A_335 = tpu.memref_slice %arg3[%add3A, %dma_wait3A_333, %dma_wait3A_334] : memref<32x20x80xi32, #tpu.memory_space<hbm>> -> memref<1x20x80xi32, #tpu.memory_space<hbm>>
      %dma_wait3A_336 = tpu.memref_squeeze %dma_wait3A_335 : memref<1x20x80xi32, #tpu.memory_space<hbm>> -> memref<20x80xi32, #tpu.memory_space<hbm>>
      tpu.wait_dma2 semaphore(%run_scoped3A : memref<!tpu.dma_semaphore, #tpu.memory_space<semaphore_mem>>) src(%dma_wait3A_336 : memref<20x80xi32, #tpu.memory_space<hbm>>) dst(%arg5 : memref<20x80xi32, #tpu.memory_space<vmem>>)
      tpu.yield
    }) : () -> ()
    %dma_start3A = arith.constant 0 : i32
    %dma_start3A_3 = arith.constant 0 : i32
    %dma_start3A_4 = tpu.memref_slice %arg5[%dma_start3A, %dma_start3A_3] : memref<20x80xi32, #tpu.memory_space<vmem>> -> memref<1x80xi32, #tpu.memory_space<vmem>>
    %dma_start3A_5 = tpu.memref_squeeze %dma_start3A_4 : memref<1x80xi32, #tpu.memory_space<vmem>> -> memref<80xi32, #tpu.memory_space<vmem>>
    %dma_start3A_6 = arith.constant 0 : i32
    %dma_start3A_7 = arith.constant 0 : i32
    %dma_start3A_8 = tpu.memref_slice %arg2[%dma_start3A_6, %dma_start3A_7] : memref<100000x128xf32, #tpu.memory_space<hbm>> -> memref<100000x128xf32, #tpu.memory_space<hbm>>
    tpu.enqueue_indirect_dma source(%dma_start3A_8 : memref<100000x128xf32, #tpu.memory_space<hbm>>) target(%arg6 : memref<80x128xf32, #tpu.memory_space<vmem>>) offsets(%dma_start3A_5 : memref<80xi32, #tpu.memory_space<vmem>>) semaphore(%arg8 : memref<!tpu.dma_semaphore, #tpu.memory_space<semaphore_mem>>)
    %dma_start3A_9 = arith.constant 1 : i32
    %dma_start3A_10 = arith.constant 0 : i32
    %dma_start3A_11 = tpu.memref_slice %arg5[%dma_start3A_9, %dma_start3A_10] : memref<20x80xi32, #tpu.memory_space<vmem>> -> memref<1x80xi32, #tpu.memory_space<vmem>>
    %dma_start3A_12 = tpu.memref_squeeze %dma_start3A_11 : memref<1x80xi32, #tpu.memory_space<vmem>> -> memref<80xi32, #tpu.memory_space<vmem>>
    %dma_start3A_13 = arith.constant 0 : i32
    %dma_start3A_14 = arith.constant 0 : i32
    %dma_start3A_15 = tpu.memref_slice %arg2[%dma_start3A_13, %dma_start3A_14] : memref<100000x128xf32, #tpu.memory_space<hbm>> -> memref<100000x128xf32, #tpu.memory_space<hbm>>
    tpu.enqueue_indirect_dma source(%dma_start3A_15 : memref<100000x128xf32, #tpu.memory_space<hbm>>) target(%arg7 : memref<80x128xf32, #tpu.memory_space<vmem>>) offsets(%dma_start3A_12 : memref<80xi32, #tpu.memory_space<vmem>>) semaphore(%arg9 : memref<!tpu.dma_semaphore, #tpu.memory_space<semaphore_mem>>)
    %dma_wait3A = arith.constant 0 : i32
    %dma_wait3A_16 = arith.constant 0 : i32
    %dma_wait3A_17 = tpu.memref_slice %arg5[%dma_wait3A, %dma_wait3A_16] : memref<20x80xi32, #tpu.memory_space<vmem>> -> memref<1x80xi32, #tpu.memory_space<vmem>>
    %dma_wait3A_18 = tpu.memref_squeeze %dma_wait3A_17 : memref<1x80xi32, #tpu.memory_space<vmem>> -> memref<80xi32, #tpu.memory_space<vmem>>
    %dma_wait3A_19 = arith.constant 0 : i32
    %dma_wait3A_20 = arith.constant 0 : i32
    %dma_wait3A_21 = tpu.memref_slice %arg2[%dma_wait3A_19, %dma_wait3A_20] : memref<100000x128xf32, #tpu.memory_space<hbm>> -> memref<100000x128xf32, #tpu.memory_space<hbm>>
    tpu.wait_indirect_dma semaphore(%arg8 : memref<!tpu.dma_semaphore, #tpu.memory_space<semaphore_mem>>) src(%dma_wait3A_21 : memref<100000x128xf32, #tpu.memory_space<hbm>>) dst(%arg6 : memref<80x128xf32, #tpu.memory_space<vmem>>)
    %add3A_22 = arith.constant 0 : i32
    %add3A_23 = arith.addi %mul3A_2, %add3A_22 : i32
    "tpu.region"() ({
      %run_scoped3A = tpu.sem_alloc : memref<!tpu.dma_semaphore, #tpu.memory_space<semaphore_mem>>
      %dma_start3A_321 = arith.constant 0 : i32
      %dma_start3A_322 = tpu.memref_slice %arg4[%add3A_23, %dma_start3A_321] : memref<51200x256xf32, #tpu.memory_space<hbm>> -> memref<80x128xf32, #tpu.memory_space<hbm>>
      %dma_start3A_323 = arith.constant 0 : i32
      %dma_start3A_324 = tpu.memref_slice %arg4[%add3A_23, %dma_start3A_323] : memref<51200x256xf32, #tpu.memory_space<hbm>> -> memref<80x128xf32, #tpu.memory_space<hbm>>
      tpu.enqueue_dma source(%arg6 : memref<80x128xf32, #tpu.memory_space<vmem>>) target(%dma_start3A_324 : memref<80x128xf32, #tpu.memory_space<hbm>>) target_semaphore(%run_scoped3A : memref<!tpu.dma_semaphore, #tpu.memory_space<semaphore_mem>>)
      %dma_wait3A_325 = arith.constant 0 : i32
      %dma_wait3A_326 = tpu.memref_slice %arg4[%add3A_23, %dma_wait3A_325] : memref<51200x256xf32, #tpu.memory_space<hbm>> -> memref<80x128xf32, #tpu.memory_space<hbm>>
      %dma_wait3A_327 = arith.constant 0 : i32
      %dma_wait3A_328 = tpu.memref_slice %arg4[%add3A_23, %dma_wait3A_327] : memref<51200x256xf32, #tpu.memory_space<hbm>> -> memref<80x128xf32, #tpu.memory_space<hbm>>
      tpu.wait_dma2 semaphore(%run_scoped3A : memref<!tpu.dma_semaphore, #tpu.memory_space<semaphore_mem>>) src(%arg6 : memref<80x128xf32, #tpu.memory_space<vmem>>) dst(%dma_wait3A_328 : memref<80x128xf32, #tpu.memory_space<hbm>>)
      tpu.yield
    }) : () -> ()
    %dma_start3A_24 = arith.constant 2 : i32
    %dma_start3A_25 = arith.constant 0 : i32
    %dma_start3A_26 = tpu.memref_slice %arg5[%dma_start3A_24, %dma_start3A_25] : memref<20x80xi32, #tpu.memory_space<vmem>> -> memref<1x80xi32, #tpu.memory_space<vmem>>
    %dma_start3A_27 = tpu.memref_squeeze %dma_start3A_26 : memref<1x80xi32, #tpu.memory_space<vmem>> -> memref<80xi32, #tpu.memory_space<vmem>>
    %dma_start3A_28 = arith.constant 0 : i32
    %dma_start3A_29 = arith.constant 0 : i32
    %dma_start3A_30 = tpu.memref_slice %arg2[%dma_start3A_28, %dma_start3A_29] : memref<100000x128xf32, #tpu.memory_space<hbm>> -> memref<100000x128xf32, #tpu.memory_space<hbm>>
    tpu.enqueue_indirect_dma source(%dma_start3A_30 : memref<100000x128xf32, #tpu.memory_space<hbm>>) target(%arg6 : memref<80x128xf32, #tpu.memory_space<vmem>>) offsets(%dma_start3A_27 : memref<80xi32, #tpu.memory_space<vmem>>) semaphore(%arg8 : memref<!tpu.dma_semaphore, #tpu.memory_space<semaphore_mem>>)
    %dma_wait3A_31 = arith.constant 1 : i32
    %dma_wait3A_32 = arith.constant 0 : i32
    %dma_wait3A_33 = tpu.memref_slice %arg5[%dma_wait3A_31, %dma_wait3A_32] : memref<20x80xi32, #tpu.memory_space<vmem>> -> memref<1x80xi32, #tpu.memory_space<vmem>>
    %dma_wait3A_34 = tpu.memref_squeeze %dma_wait3A_33 : memref<1x80xi32, #tpu.memory_space<vmem>> -> memref<80xi32, #tpu.memory_space<vmem>>
    %dma_wait3A_35 = arith.constant 0 : i32
    %dma_wait3A_36 = arith.constant 0 : i32
    %dma_wait3A_37 = tpu.memref_slice %arg2[%dma_wait3A_35, %dma_wait3A_36] : memref<100000x128xf32, #tpu.memory_space<hbm>> -> memref<100000x128xf32, #tpu.memory_space<hbm>>
    tpu.wait_indirect_dma semaphore(%arg9 : memref<!tpu.dma_semaphore, #tpu.memory_space<semaphore_mem>>) src(%dma_wait3A_37 : memref<100000x128xf32, #tpu.memory_space<hbm>>) dst(%arg7 : memref<80x128xf32, #tpu.memory_space<vmem>>)
    %add3A_38 = arith.constant 80 : i32
    %add3A_39 = arith.addi %mul3A_2, %add3A_38 : i32
    "tpu.region"() ({
      %run_scoped3A = tpu.sem_alloc : memref<!tpu.dma_semaphore, #tpu.memory_space<semaphore_mem>>
      %dma_start3A_321 = arith.constant 0 : i32
      %dma_start3A_322 = tpu.memref_slice %arg4[%add3A_39, %dma_start3A_321] : memref<51200x256xf32, #tpu.memory_space<hbm>> -> memref<80x128xf32, #tpu.memory_space<hbm>>
      %dma_start3A_323 = arith.constant 0 : i32
      %dma_start3A_324 = tpu.memref_slice %arg4[%add3A_39, %dma_start3A_323] : memref<51200x256xf32, #tpu.memory_space<hbm>> -> memref<80x128xf32, #tpu.memory_space<hbm>>
      tpu.enqueue_dma source(%arg7 : memref<80x128xf32, #tpu.memory_space<vmem>>) target(%dma_start3A_324 : memref<80x128xf32, #tpu.memory_space<hbm>>) target_semaphore(%run_scoped3A : memref<!tpu.dma_semaphore, #tpu.memory_space<semaphore_mem>>)
      %dma_wait3A_325 = arith.constant 0 : i32
      %dma_wait3A_326 = tpu.memref_slice %arg4[%add3A_39, %dma_wait3A_325] : memref<51200x256xf32, #tpu.memory_space<hbm>> -> memref<80x128xf32, #tpu.memory_space<hbm>>
      %dma_wait3A_327 = arith.constant 0 : i32
      %dma_wait3A_328 = tpu.memref_slice %arg4[%add3A_39, %dma_wait3A_327] : memref<51200x256xf32, #tpu.memory_space<hbm>> -> memref<80x128xf32, #tpu.memory_space<hbm>>
      tpu.wait_dma2 semaphore(%run_scoped3A : memref<!tpu.dma_semaphore, #tpu.memory_space<semaphore_mem>>) src(%arg7 : memref<80x128xf32, #tpu.memory_space<vmem>>) dst(%dma_wait3A_328 : memref<80x128xf32, #tpu.memory_space<hbm>>)
      tpu.yield
    }) : () -> ()
    %dma_start3A_40 = arith.constant 3 : i32
    %dma_start3A_41 = arith.constant 0 : i32
    %dma_start3A_42 = tpu.memref_slice %arg5[%dma_start3A_40, %dma_start3A_41] : memref<20x80xi32, #tpu.memory_space<vmem>> -> memref<1x80xi32, #tpu.memory_space<vmem>>
    %dma_start3A_43 = tpu.memref_squeeze %dma_start3A_42 : memref<1x80xi32, #tpu.memory_space<vmem>> -> memref<80xi32, #tpu.memory_space<vmem>>
    %dma_start3A_44 = arith.constant 0 : i32
    %dma_start3A_45 = arith.constant 0 : i32
    %dma_start3A_46 = tpu.memref_slice %arg2[%dma_start3A_44, %dma_start3A_45] : memref<100000x128xf32, #tpu.memory_space<hbm>> -> memref<100000x128xf32, #tpu.memory_space<hbm>>
    tpu.enqueue_indirect_dma source(%dma_start3A_46 : memref<100000x128xf32, #tpu.memory_space<hbm>>) target(%arg7 : memref<80x128xf32, #tpu.memory_space<vmem>>) offsets(%dma_start3A_43 : memref<80xi32, #tpu.memory_space<vmem>>) semaphore(%arg9 : memref<!tpu.dma_semaphore, #tpu.memory_space<semaphore_mem>>)
    %dma_wait3A_47 = arith.constant 2 : i32
    %dma_wait3A_48 = arith.constant 0 : i32
    %dma_wait3A_49 = tpu.memref_slice %arg5[%dma_wait3A_47, %dma_wait3A_48] : memref<20x80xi32, #tpu.memory_space<vmem>> -> memref<1x80xi32, #tpu.memory_space<vmem>>
    %dma_wait3A_50 = tpu.memref_squeeze %dma_wait3A_49 : memref<1x80xi32, #tpu.memory_space<vmem>> -> memref<80xi32, #tpu.memory_space<vmem>>
    %dma_wait3A_51 = arith.constant 0 : i32
    %dma_wait3A_52 = arith.constant 0 : i32
    %dma_wait3A_53 = tpu.memref_slice %arg2[%dma_wait3A_51, %dma_wait3A_52] : memref<100000x128xf32, #tpu.memory_space<hbm>> -> memref<100000x128xf32, #tpu.memory_space<hbm>>
    tpu.wait_indirect_dma semaphore(%arg8 : memref<!tpu.dma_semaphore, #tpu.memory_space<semaphore_mem>>) src(%dma_wait3A_53 : memref<100000x128xf32, #tpu.memory_space<hbm>>) dst(%arg6 : memref<80x128xf32, #tpu.memory_space<vmem>>)
    %add3A_54 = arith.constant 160 : i32
    %add3A_55 = arith.addi %mul3A_2, %add3A_54 : i32
    "tpu.region"() ({
      %run_scoped3A = tpu.sem_alloc : memref<!tpu.dma_semaphore, #tpu.memory_space<semaphore_mem>>
      %dma_start3A_321 = arith.constant 0 : i32
      %dma_start3A_322 = tpu.memref_slice %arg4[%add3A_55, %dma_start3A_321] : memref<51200x256xf32, #tpu.memory_space<hbm>> -> memref<80x128xf32, #tpu.memory_space<hbm>>
      %dma_start3A_323 = arith.constant 0 : i32
      %dma_start3A_324 = tpu.memref_slice %arg4[%add3A_55, %dma_start3A_323] : memref<51200x256xf32, #tpu.memory_space<hbm>> -> memref<80x128xf32, #tpu.memory_space<hbm>>
      tpu.enqueue_dma source(%arg6 : memref<80x128xf32, #tpu.memory_space<vmem>>) target(%dma_start3A_324 : memref<80x128xf32, #tpu.memory_space<hbm>>) target_semaphore(%run_scoped3A : memref<!tpu.dma_semaphore, #tpu.memory_space<semaphore_mem>>)
      %dma_wait3A_325 = arith.constant 0 : i32
      %dma_wait3A_326 = tpu.memref_slice %arg4[%add3A_55, %dma_wait3A_325] : memref<51200x256xf32, #tpu.memory_space<hbm>> -> memref<80x128xf32, #tpu.memory_space<hbm>>
      %dma_wait3A_327 = arith.constant 0 : i32
      %dma_wait3A_328 = tpu.memref_slice %arg4[%add3A_55, %dma_wait3A_327] : memref<51200x256xf32, #tpu.memory_space<hbm>> -> memref<80x128xf32, #tpu.memory_space<hbm>>
      tpu.wait_dma2 semaphore(%run_scoped3A : memref<!tpu.dma_semaphore, #tpu.memory_space<semaphore_mem>>) src(%arg6 : memref<80x128xf32, #tpu.memory_space<vmem>>) dst(%dma_wait3A_328 : memref<80x128xf32, #tpu.memory_space<hbm>>)
      tpu.yield
    }) : () -> ()
    %dma_start3A_56 = arith.constant 4 : i32
    %dma_start3A_57 = arith.constant 0 : i32
    %dma_start3A_58 = tpu.memref_slice %arg5[%dma_start3A_56, %dma_start3A_57] : memref<20x80xi32, #tpu.memory_space<vmem>> -> memref<1x80xi32, #tpu.memory_space<vmem>>
    %dma_start3A_59 = tpu.memref_squeeze %dma_start3A_58 : memref<1x80xi32, #tpu.memory_space<vmem>> -> memref<80xi32, #tpu.memory_space<vmem>>
    %dma_start3A_60 = arith.constant 0 : i32
    %dma_start3A_61 = arith.constant 0 : i32
    %dma_start3A_62 = tpu.memref_slice %arg2[%dma_start3A_60, %dma_start3A_61] : memref<100000x128xf32, #tpu.memory_space<hbm>> -> memref<100000x128xf32, #tpu.memory_space<hbm>>
    tpu.enqueue_indirect_dma source(%dma_start3A_62 : memref<100000x128xf32, #tpu.memory_space<hbm>>) target(%arg6 : memref<80x128xf32, #tpu.memory_space<vmem>>) offsets(%dma_start3A_59 : memref<80xi32, #tpu.memory_space<vmem>>) semaphore(%arg8 : memref<!tpu.dma_semaphore, #tpu.memory_space<semaphore_mem>>)
    %dma_wait3A_63 = arith.constant 3 : i32
    %dma_wait3A_64 = arith.constant 0 : i32
    %dma_wait3A_65 = tpu.memref_slice %arg5[%dma_wait3A_63, %dma_wait3A_64] : memref<20x80xi32, #tpu.memory_space<vmem>> -> memref<1x80xi32, #tpu.memory_space<vmem>>
    %dma_wait3A_66 = tpu.memref_squeeze %dma_wait3A_65 : memref<1x80xi32, #tpu.memory_space<vmem>> -> memref<80xi32, #tpu.memory_space<vmem>>
    %dma_wait3A_67 = arith.constant 0 : i32
    %dma_wait3A_68 = arith.constant 0 : i32
    %dma_wait3A_69 = tpu.memref_slice %arg2[%dma_wait3A_67, %dma_wait3A_68] : memref<100000x128xf32, #tpu.memory_space<hbm>> -> memref<100000x128xf32, #tpu.memory_space<hbm>>
    tpu.wait_indirect_dma semaphore(%arg9 : memref<!tpu.dma_semaphore, #tpu.memory_space<semaphore_mem>>) src(%dma_wait3A_69 : memref<100000x128xf32, #tpu.memory_space<hbm>>) dst(%arg7 : memref<80x128xf32, #tpu.memory_space<vmem>>)
    %add3A_70 = arith.constant 240 : i32
    %add3A_71 = arith.addi %mul3A_2, %add3A_70 : i32
    "tpu.region"() ({
      %run_scoped3A = tpu.sem_alloc : memref<!tpu.dma_semaphore, #tpu.memory_space<semaphore_mem>>
      %dma_start3A_321 = arith.constant 0 : i32
      %dma_start3A_322 = tpu.memref_slice %arg4[%add3A_71, %dma_start3A_321] : memref<51200x256xf32, #tpu.memory_space<hbm>> -> memref<80x128xf32, #tpu.memory_space<hbm>>
      %dma_start3A_323 = arith.constant 0 : i32
      %dma_start3A_324 = tpu.memref_slice %arg4[%add3A_71, %dma_start3A_323] : memref<51200x256xf32, #tpu.memory_space<hbm>> -> memref<80x128xf32, #tpu.memory_space<hbm>>
      tpu.enqueue_dma source(%arg7 : memref<80x128xf32, #tpu.memory_space<vmem>>) target(%dma_start3A_324 : memref<80x128xf32, #tpu.memory_space<hbm>>) target_semaphore(%run_scoped3A : memref<!tpu.dma_semaphore, #tpu.memory_space<semaphore_mem>>)
      %dma_wait3A_325 = arith.constant 0 : i32
      %dma_wait3A_326 = tpu.memref_slice %arg4[%add3A_71, %dma_wait3A_325] : memref<51200x256xf32, #tpu.memory_space<hbm>> -> memref<80x128xf32, #tpu.memory_space<hbm>>
      %dma_wait3A_327 = arith.constant 0 : i32
      %dma_wait3A_328 = tpu.memref_slice %arg4[%add3A_71, %dma_wait3A_327] : memref<51200x256xf32, #tpu.memory_space<hbm>> -> memref<80x128xf32, #tpu.memory_space<hbm>>
      tpu.wait_dma2 semaphore(%run_scoped3A : memref<!tpu.dma_semaphore, #tpu.memory_space<semaphore_mem>>) src(%arg7 : memref<80x128xf32, #tpu.memory_space<vmem>>) dst(%dma_wait3A_328 : memref<80x128xf32, #tpu.memory_space<hbm>>)
      tpu.yield
    }) : () -> ()
    %dma_start3A_72 = arith.constant 5 : i32
    %dma_start3A_73 = arith.constant 0 : i32
    %dma_start3A_74 = tpu.memref_slice %arg5[%dma_start3A_72, %dma_start3A_73] : memref<20x80xi32, #tpu.memory_space<vmem>> -> memref<1x80xi32, #tpu.memory_space<vmem>>
    %dma_start3A_75 = tpu.memref_squeeze %dma_start3A_74 : memref<1x80xi32, #tpu.memory_space<vmem>> -> memref<80xi32, #tpu.memory_space<vmem>>
    %dma_start3A_76 = arith.constant 0 : i32
    %dma_start3A_77 = arith.constant 0 : i32
    %dma_start3A_78 = tpu.memref_slice %arg2[%dma_start3A_76, %dma_start3A_77] : memref<100000x128xf32, #tpu.memory_space<hbm>> -> memref<100000x128xf32, #tpu.memory_space<hbm>>
    tpu.enqueue_indirect_dma source(%dma_start3A_78 : memref<100000x128xf32, #tpu.memory_space<hbm>>) target(%arg7 : memref<80x128xf32, #tpu.memory_space<vmem>>) offsets(%dma_start3A_75 : memref<80xi32, #tpu.memory_space<vmem>>) semaphore(%arg9 : memref<!tpu.dma_semaphore, #tpu.memory_space<semaphore_mem>>)
    %dma_wait3A_79 = arith.constant 4 : i32
    %dma_wait3A_80 = arith.constant 0 : i32
    %dma_wait3A_81 = tpu.memref_slice %arg5[%dma_wait3A_79, %dma_wait3A_80] : memref<20x80xi32, #tpu.memory_space<vmem>> -> memref<1x80xi32, #tpu.memory_space<vmem>>
    %dma_wait3A_82 = tpu.memref_squeeze %dma_wait3A_81 : memref<1x80xi32, #tpu.memory_space<vmem>> -> memref<80xi32, #tpu.memory_space<vmem>>
    %dma_wait3A_83 = arith.constant 0 : i32
    %dma_wait3A_84 = arith.constant 0 : i32
    %dma_wait3A_85 = tpu.memref_slice %arg2[%dma_wait3A_83, %dma_wait3A_84] : memref<100000x128xf32, #tpu.memory_space<hbm>> -> memref<100000x128xf32, #tpu.memory_space<hbm>>
    tpu.wait_indirect_dma semaphore(%arg8 : memref<!tpu.dma_semaphore, #tpu.memory_space<semaphore_mem>>) src(%dma_wait3A_85 : memref<100000x128xf32, #tpu.memory_space<hbm>>) dst(%arg6 : memref<80x128xf32, #tpu.memory_space<vmem>>)
    %add3A_86 = arith.constant 320 : i32
    %add3A_87 = arith.addi %mul3A_2, %add3A_86 : i32
    "tpu.region"() ({
      %run_scoped3A = tpu.sem_alloc : memref<!tpu.dma_semaphore, #tpu.memory_space<semaphore_mem>>
      %dma_start3A_321 = arith.constant 0 : i32
      %dma_start3A_322 = tpu.memref_slice %arg4[%add3A_87, %dma_start3A_321] : memref<51200x256xf32, #tpu.memory_space<hbm>> -> memref<80x128xf32, #tpu.memory_space<hbm>>
      %dma_start3A_323 = arith.constant 0 : i32
      %dma_start3A_324 = tpu.memref_slice %arg4[%add3A_87, %dma_start3A_323] : memref<51200x256xf32, #tpu.memory_space<hbm>> -> memref<80x128xf32, #tpu.memory_space<hbm>>
      tpu.enqueue_dma source(%arg6 : memref<80x128xf32, #tpu.memory_space<vmem>>) target(%dma_start3A_324 : memref<80x128xf32, #tpu.memory_space<hbm>>) target_semaphore(%run_scoped3A : memref<!tpu.dma_semaphore, #tpu.memory_space<semaphore_mem>>)
      %dma_wait3A_325 = arith.constant 0 : i32
      %dma_wait3A_326 = tpu.memref_slice %arg4[%add3A_87, %dma_wait3A_325] : memref<51200x256xf32, #tpu.memory_space<hbm>> -> memref<80x128xf32, #tpu.memory_space<hbm>>
      %dma_wait3A_327 = arith.constant 0 : i32
      %dma_wait3A_328 = tpu.memref_slice %arg4[%add3A_87, %dma_wait3A_327] : memref<51200x256xf32, #tpu.memory_space<hbm>> -> memref<80x128xf32, #tpu.memory_space<hbm>>
      tpu.wait_dma2 semaphore(%run_scoped3A : memref<!tpu.dma_semaphore, #tpu.memory_space<semaphore_mem>>) src(%arg6 : memref<80x128xf32, #tpu.memory_space<vmem>>) dst(%dma_wait3A_328 : memref<80x128xf32, #tpu.memory_space<hbm>>)
      tpu.yield
    }) : () -> ()
    %dma_start3A_88 = arith.constant 6 : i32
    %dma_start3A_89 = arith.constant 0 : i32
    %dma_start3A_90 = tpu.memref_slice %arg5[%dma_start3A_88, %dma_start3A_89] : memref<20x80xi32, #tpu.memory_space<vmem>> -> memref<1x80xi32, #tpu.memory_space<vmem>>
    %dma_start3A_91 = tpu.memref_squeeze %dma_start3A_90 : memref<1x80xi32, #tpu.memory_space<vmem>> -> memref<80xi32, #tpu.memory_space<vmem>>
    %dma_start3A_92 = arith.constant 0 : i32
    %dma_start3A_93 = arith.constant 0 : i32
    %dma_start3A_94 = tpu.memref_slice %arg2[%dma_start3A_92, %dma_start3A_93] : memref<100000x128xf32, #tpu.memory_space<hbm>> -> memref<100000x128xf32, #tpu.memory_space<hbm>>
    tpu.enqueue_indirect_dma source(%dma_start3A_94 : memref<100000x128xf32, #tpu.memory_space<hbm>>) target(%arg6 : memref<80x128xf32, #tpu.memory_space<vmem>>) offsets(%dma_start3A_91 : memref<80xi32, #tpu.memory_space<vmem>>) semaphore(%arg8 : memref<!tpu.dma_semaphore, #tpu.memory_space<semaphore_mem>>)
    %dma_wait3A_95 = arith.constant 5 : i32
    %dma_wait3A_96 = arith.constant 0 : i32
    %dma_wait3A_97 = tpu.memref_slice %arg5[%dma_wait3A_95, %dma_wait3A_96] : memref<20x80xi32, #tpu.memory_space<vmem>> -> memref<1x80xi32, #tpu.memory_space<vmem>>
    %dma_wait3A_98 = tpu.memref_squeeze %dma_wait3A_97 : memref<1x80xi32, #tpu.memory_space<vmem>> -> memref<80xi32, #tpu.memory_space<vmem>>
    %dma_wait3A_99 = arith.constant 0 : i32
    %dma_wait3A_100 = arith.constant 0 : i32
    %dma_wait3A_101 = tpu.memref_slice %arg2[%dma_wait3A_99, %dma_wait3A_100] : memref<100000x128xf32, #tpu.memory_space<hbm>> -> memref<100000x128xf32, #tpu.memory_space<hbm>>
    tpu.wait_indirect_dma semaphore(%arg9 : memref<!tpu.dma_semaphore, #tpu.memory_space<semaphore_mem>>) src(%dma_wait3A_101 : memref<100000x128xf32, #tpu.memory_space<hbm>>) dst(%arg7 : memref<80x128xf32, #tpu.memory_space<vmem>>)
    %add3A_102 = arith.constant 400 : i32
    %add3A_103 = arith.addi %mul3A_2, %add3A_102 : i32
    "tpu.region"() ({
      %run_scoped3A = tpu.sem_alloc : memref<!tpu.dma_semaphore, #tpu.memory_space<semaphore_mem>>
      %dma_start3A_321 = arith.constant 0 : i32
      %dma_start3A_322 = tpu.memref_slice %arg4[%add3A_103, %dma_start3A_321] : memref<51200x256xf32, #tpu.memory_space<hbm>> -> memref<80x128xf32, #tpu.memory_space<hbm>>
      %dma_start3A_323 = arith.constant 0 : i32
      %dma_start3A_324 = tpu.memref_slice %arg4[%add3A_103, %dma_start3A_323] : memref<51200x256xf32, #tpu.memory_space<hbm>> -> memref<80x128xf32, #tpu.memory_space<hbm>>
      tpu.enqueue_dma source(%arg7 : memref<80x128xf32, #tpu.memory_space<vmem>>) target(%dma_start3A_324 : memref<80x128xf32, #tpu.memory_space<hbm>>) target_semaphore(%run_scoped3A : memref<!tpu.dma_semaphore, #tpu.memory_space<semaphore_mem>>)
      %dma_wait3A_325 = arith.constant 0 : i32
      %dma_wait3A_326 = tpu.memref_slice %arg4[%add3A_103, %dma_wait3A_325] : memref<51200x256xf32, #tpu.memory_space<hbm>> -> memref<80x128xf32, #tpu.memory_space<hbm>>
      %dma_wait3A_327 = arith.constant 0 : i32
      %dma_wait3A_328 = tpu.memref_slice %arg4[%add3A_103, %dma_wait3A_327] : memref<51200x256xf32, #tpu.memory_space<hbm>> -> memref<80x128xf32, #tpu.memory_space<hbm>>
      tpu.wait_dma2 semaphore(%run_scoped3A : memref<!tpu.dma_semaphore, #tpu.memory_space<semaphore_mem>>) src(%arg7 : memref<80x128xf32, #tpu.memory_space<vmem>>) dst(%dma_wait3A_328 : memref<80x128xf32, #tpu.memory_space<hbm>>)
      tpu.yield
    }) : () -> ()
    %dma_start3A_104 = arith.constant 7 : i32
    %dma_start3A_105 = arith.constant 0 : i32
    %dma_start3A_106 = tpu.memref_slice %arg5[%dma_start3A_104, %dma_start3A_105] : memref<20x80xi32, #tpu.memory_space<vmem>> -> memref<1x80xi32, #tpu.memory_space<vmem>>
    %dma_start3A_107 = tpu.memref_squeeze %dma_start3A_106 : memref<1x80xi32, #tpu.memory_space<vmem>> -> memref<80xi32, #tpu.memory_space<vmem>>
    %dma_start3A_108 = arith.constant 0 : i32
    %dma_start3A_109 = arith.constant 0 : i32
    %dma_start3A_110 = tpu.memref_slice %arg2[%dma_start3A_108, %dma_start3A_109] : memref<100000x128xf32, #tpu.memory_space<hbm>> -> memref<100000x128xf32, #tpu.memory_space<hbm>>
    tpu.enqueue_indirect_dma source(%dma_start3A_110 : memref<100000x128xf32, #tpu.memory_space<hbm>>) target(%arg7 : memref<80x128xf32, #tpu.memory_space<vmem>>) offsets(%dma_start3A_107 : memref<80xi32, #tpu.memory_space<vmem>>) semaphore(%arg9 : memref<!tpu.dma_semaphore, #tpu.memory_space<semaphore_mem>>)
    %dma_wait3A_111 = arith.constant 6 : i32
    %dma_wait3A_112 = arith.constant 0 : i32
    %dma_wait3A_113 = tpu.memref_slice %arg5[%dma_wait3A_111, %dma_wait3A_112] : memref<20x80xi32, #tpu.memory_space<vmem>> -> memref<1x80xi32, #tpu.memory_space<vmem>>
    %dma_wait3A_114 = tpu.memref_squeeze %dma_wait3A_113 : memref<1x80xi32, #tpu.memory_space<vmem>> -> memref<80xi32, #tpu.memory_space<vmem>>
    %dma_wait3A_115 = arith.constant 0 : i32
    %dma_wait3A_116 = arith.constant 0 : i32
    %dma_wait3A_117 = tpu.memref_slice %arg2[%dma_wait3A_115, %dma_wait3A_116] : memref<100000x128xf32, #tpu.memory_space<hbm>> -> memref<100000x128xf32, #tpu.memory_space<hbm>>
    tpu.wait_indirect_dma semaphore(%arg8 : memref<!tpu.dma_semaphore, #tpu.memory_space<semaphore_mem>>) src(%dma_wait3A_117 : memref<100000x128xf32, #tpu.memory_space<hbm>>) dst(%arg6 : memref<80x128xf32, #tpu.memory_space<vmem>>)
    %add3A_118 = arith.constant 480 : i32
    %add3A_119 = arith.addi %mul3A_2, %add3A_118 : i32
    "tpu.region"() ({
      %run_scoped3A = tpu.sem_alloc : memref<!tpu.dma_semaphore, #tpu.memory_space<semaphore_mem>>
      %dma_start3A_321 = arith.constant 0 : i32
      %dma_start3A_322 = tpu.memref_slice %arg4[%add3A_119, %dma_start3A_321] : memref<51200x256xf32, #tpu.memory_space<hbm>> -> memref<80x128xf32, #tpu.memory_space<hbm>>
      %dma_start3A_323 = arith.constant 0 : i32
      %dma_start3A_324 = tpu.memref_slice %arg4[%add3A_119, %dma_start3A_323] : memref<51200x256xf32, #tpu.memory_space<hbm>> -> memref<80x128xf32, #tpu.memory_space<hbm>>
      tpu.enqueue_dma source(%arg6 : memref<80x128xf32, #tpu.memory_space<vmem>>) target(%dma_start3A_324 : memref<80x128xf32, #tpu.memory_space<hbm>>) target_semaphore(%run_scoped3A : memref<!tpu.dma_semaphore, #tpu.memory_space<semaphore_mem>>)
      %dma_wait3A_325 = arith.constant 0 : i32
      %dma_wait3A_326 = tpu.memref_slice %arg4[%add3A_119, %dma_wait3A_325] : memref<51200x256xf32, #tpu.memory_space<hbm>> -> memref<80x128xf32, #tpu.memory_space<hbm>>
      %dma_wait3A_327 = arith.constant 0 : i32
      %dma_wait3A_328 = tpu.memref_slice %arg4[%add3A_119, %dma_wait3A_327] : memref<51200x256xf32, #tpu.memory_space<hbm>> -> memref<80x128xf32, #tpu.memory_space<hbm>>
      tpu.wait_dma2 semaphore(%run_scoped3A : memref<!tpu.dma_semaphore, #tpu.memory_space<semaphore_mem>>) src(%arg6 : memref<80x128xf32, #tpu.memory_space<vmem>>) dst(%dma_wait3A_328 : memref<80x128xf32, #tpu.memory_space<hbm>>)
      tpu.yield
    }) : () -> ()
    %dma_start3A_120 = arith.constant 8 : i32
    %dma_start3A_121 = arith.constant 0 : i32
    %dma_start3A_122 = tpu.memref_slice %arg5[%dma_start3A_120, %dma_start3A_121] : memref<20x80xi32, #tpu.memory_space<vmem>> -> memref<1x80xi32, #tpu.memory_space<vmem>>
    %dma_start3A_123 = tpu.memref_squeeze %dma_start3A_122 : memref<1x80xi32, #tpu.memory_space<vmem>> -> memref<80xi32, #tpu.memory_space<vmem>>
    %dma_start3A_124 = arith.constant 0 : i32
    %dma_start3A_125 = arith.constant 0 : i32
    %dma_start3A_126 = tpu.memref_slice %arg2[%dma_start3A_124, %dma_start3A_125] : memref<100000x128xf32, #tpu.memory_space<hbm>> -> memref<100000x128xf32, #tpu.memory_space<hbm>>
    tpu.enqueue_indirect_dma source(%dma_start3A_126 : memref<100000x128xf32, #tpu.memory_space<hbm>>) target(%arg6 : memref<80x128xf32, #tpu.memory_space<vmem>>) offsets(%dma_start3A_123 : memref<80xi32, #tpu.memory_space<vmem>>) semaphore(%arg8 : memref<!tpu.dma_semaphore, #tpu.memory_space<semaphore_mem>>)
    %dma_wait3A_127 = arith.constant 7 : i32
    %dma_wait3A_128 = arith.constant 0 : i32
    %dma_wait3A_129 = tpu.memref_slice %arg5[%dma_wait3A_127, %dma_wait3A_128] : memref<20x80xi32, #tpu.memory_space<vmem>> -> memref<1x80xi32, #tpu.memory_space<vmem>>
    %dma_wait3A_130 = tpu.memref_squeeze %dma_wait3A_129 : memref<1x80xi32, #tpu.memory_space<vmem>> -> memref<80xi32, #tpu.memory_space<vmem>>
    %dma_wait3A_131 = arith.constant 0 : i32
    %dma_wait3A_132 = arith.constant 0 : i32
    %dma_wait3A_133 = tpu.memref_slice %arg2[%dma_wait3A_131, %dma_wait3A_132] : memref<100000x128xf32, #tpu.memory_space<hbm>> -> memref<100000x128xf32, #tpu.memory_space<hbm>>
    tpu.wait_indirect_dma semaphore(%arg9 : memref<!tpu.dma_semaphore, #tpu.memory_space<semaphore_mem>>) src(%dma_wait3A_133 : memref<100000x128xf32, #tpu.memory_space<hbm>>) dst(%arg7 : memref<80x128xf32, #tpu.memory_space<vmem>>)
    %add3A_134 = arith.constant 560 : i32
    %add3A_135 = arith.addi %mul3A_2, %add3A_134 : i32
    "tpu.region"() ({
      %run_scoped3A = tpu.sem_alloc : memref<!tpu.dma_semaphore, #tpu.memory_space<semaphore_mem>>
      %dma_start3A_321 = arith.constant 0 : i32
      %dma_start3A_322 = tpu.memref_slice %arg4[%add3A_135, %dma_start3A_321] : memref<51200x256xf32, #tpu.memory_space<hbm>> -> memref<80x128xf32, #tpu.memory_space<hbm>>
      %dma_start3A_323 = arith.constant 0 : i32
      %dma_start3A_324 = tpu.memref_slice %arg4[%add3A_135, %dma_start3A_323] : memref<51200x256xf32, #tpu.memory_space<hbm>> -> memref<80x128xf32, #tpu.memory_space<hbm>>
      tpu.enqueue_dma source(%arg7 : memref<80x128xf32, #tpu.memory_space<vmem>>) target(%dma_start3A_324 : memref<80x128xf32, #tpu.memory_space<hbm>>) target_semaphore(%run_scoped3A : memref<!tpu.dma_semaphore, #tpu.memory_space<semaphore_mem>>)
      %dma_wait3A_325 = arith.constant 0 : i32
      %dma_wait3A_326 = tpu.memref_slice %arg4[%add3A_135, %dma_wait3A_325] : memref<51200x256xf32, #tpu.memory_space<hbm>> -> memref<80x128xf32, #tpu.memory_space<hbm>>
      %dma_wait3A_327 = arith.constant 0 : i32
      %dma_wait3A_328 = tpu.memref_slice %arg4[%add3A_135, %dma_wait3A_327] : memref<51200x256xf32, #tpu.memory_space<hbm>> -> memref<80x128xf32, #tpu.memory_space<hbm>>
      tpu.wait_dma2 semaphore(%run_scoped3A : memref<!tpu.dma_semaphore, #tpu.memory_space<semaphore_mem>>) src(%arg7 : memref<80x128xf32, #tpu.memory_space<vmem>>) dst(%dma_wait3A_328 : memref<80x128xf32, #tpu.memory_space<hbm>>)
      tpu.yield
    }) : () -> ()
    %dma_start3A_136 = arith.constant 9 : i32
    %dma_start3A_137 = arith.constant 0 : i32
    %dma_start3A_138 = tpu.memref_slice %arg5[%dma_start3A_136, %dma_start3A_137] : memref<20x80xi32, #tpu.memory_space<vmem>> -> memref<1x80xi32, #tpu.memory_space<vmem>>
    %dma_start3A_139 = tpu.memref_squeeze %dma_start3A_138 : memref<1x80xi32, #tpu.memory_space<vmem>> -> memref<80xi32, #tpu.memory_space<vmem>>
    %dma_start3A_140 = arith.constant 0 : i32
    %dma_start3A_141 = arith.constant 0 : i32
    %dma_start3A_142 = tpu.memref_slice %arg2[%dma_start3A_140, %dma_start3A_141] : memref<100000x128xf32, #tpu.memory_space<hbm>> -> memref<100000x128xf32, #tpu.memory_space<hbm>>
    tpu.enqueue_indirect_dma source(%dma_start3A_142 : memref<100000x128xf32, #tpu.memory_space<hbm>>) target(%arg7 : memref<80x128xf32, #tpu.memory_space<vmem>>) offsets(%dma_start3A_139 : memref<80xi32, #tpu.memory_space<vmem>>) semaphore(%arg9 : memref<!tpu.dma_semaphore, #tpu.memory_space<semaphore_mem>>)
    %dma_wait3A_143 = arith.constant 8 : i32
    %dma_wait3A_144 = arith.constant 0 : i32
    %dma_wait3A_145 = tpu.memref_slice %arg5[%dma_wait3A_143, %dma_wait3A_144] : memref<20x80xi32, #tpu.memory_space<vmem>> -> memref<1x80xi32, #tpu.memory_space<vmem>>
    %dma_wait3A_146 = tpu.memref_squeeze %dma_wait3A_145 : memref<1x80xi32, #tpu.memory_space<vmem>> -> memref<80xi32, #tpu.memory_space<vmem>>
    %dma_wait3A_147 = arith.constant 0 : i32
    %dma_wait3A_148 = arith.constant 0 : i32
    %dma_wait3A_149 = tpu.memref_slice %arg2[%dma_wait3A_147, %dma_wait3A_148] : memref<100000x128xf32, #tpu.memory_space<hbm>> -> memref<100000x128xf32, #tpu.memory_space<hbm>>
    tpu.wait_indirect_dma semaphore(%arg8 : memref<!tpu.dma_semaphore, #tpu.memory_space<semaphore_mem>>) src(%dma_wait3A_149 : memref<100000x128xf32, #tpu.memory_space<hbm>>) dst(%arg6 : memref<80x128xf32, #tpu.memory_space<vmem>>)
    %add3A_150 = arith.constant 640 : i32
    %add3A_151 = arith.addi %mul3A_2, %add3A_150 : i32
    "tpu.region"() ({
      %run_scoped3A = tpu.sem_alloc : memref<!tpu.dma_semaphore, #tpu.memory_space<semaphore_mem>>
      %dma_start3A_321 = arith.constant 0 : i32
      %dma_start3A_322 = tpu.memref_slice %arg4[%add3A_151, %dma_start3A_321] : memref<51200x256xf32, #tpu.memory_space<hbm>> -> memref<80x128xf32, #tpu.memory_space<hbm>>
      %dma_start3A_323 = arith.constant 0 : i32
      %dma_start3A_324 = tpu.memref_slice %arg4[%add3A_151, %dma_start3A_323] : memref<51200x256xf32, #tpu.memory_space<hbm>> -> memref<80x128xf32, #tpu.memory_space<hbm>>
      tpu.enqueue_dma source(%arg6 : memref<80x128xf32, #tpu.memory_space<vmem>>) target(%dma_start3A_324 : memref<80x128xf32, #tpu.memory_space<hbm>>) target_semaphore(%run_scoped3A : memref<!tpu.dma_semaphore, #tpu.memory_space<semaphore_mem>>)
      %dma_wait3A_325 = arith.constant 0 : i32
      %dma_wait3A_326 = tpu.memref_slice %arg4[%add3A_151, %dma_wait3A_325] : memref<51200x256xf32, #tpu.memory_space<hbm>> -> memref<80x128xf32, #tpu.memory_space<hbm>>
      %dma_wait3A_327 = arith.constant 0 : i32
      %dma_wait3A_328 = tpu.memref_slice %arg4[%add3A_151, %dma_wait3A_327] : memref<51200x256xf32, #tpu.memory_space<hbm>> -> memref<80x128xf32, #tpu.memory_space<hbm>>
      tpu.wait_dma2 semaphore(%run_scoped3A : memref<!tpu.dma_semaphore, #tpu.memory_space<semaphore_mem>>) src(%arg6 : memref<80x128xf32, #tpu.memory_space<vmem>>) dst(%dma_wait3A_328 : memref<80x128xf32, #tpu.memory_space<hbm>>)
      tpu.yield
    }) : () -> ()
    %dma_start3A_152 = arith.constant 10 : i32
    %dma_start3A_153 = arith.constant 0 : i32
    %dma_start3A_154 = tpu.memref_slice %arg5[%dma_start3A_152, %dma_start3A_153] : memref<20x80xi32, #tpu.memory_space<vmem>> -> memref<1x80xi32, #tpu.memory_space<vmem>>
    %dma_start3A_155 = tpu.memref_squeeze %dma_start3A_154 : memref<1x80xi32, #tpu.memory_space<vmem>> -> memref<80xi32, #tpu.memory_space<vmem>>
    %dma_start3A_156 = arith.constant 0 : i32
    %dma_start3A_157 = arith.constant 0 : i32
    %dma_start3A_158 = tpu.memref_slice %arg2[%dma_start3A_156, %dma_start3A_157] : memref<100000x128xf32, #tpu.memory_space<hbm>> -> memref<100000x128xf32, #tpu.memory_space<hbm>>
    tpu.enqueue_indirect_dma source(%dma_start3A_158 : memref<100000x128xf32, #tpu.memory_space<hbm>>) target(%arg6 : memref<80x128xf32, #tpu.memory_space<vmem>>) offsets(%dma_start3A_155 : memref<80xi32, #tpu.memory_space<vmem>>) semaphore(%arg8 : memref<!tpu.dma_semaphore, #tpu.memory_space<semaphore_mem>>)
    %dma_wait3A_159 = arith.constant 9 : i32
    %dma_wait3A_160 = arith.constant 0 : i32
    %dma_wait3A_161 = tpu.memref_slice %arg5[%dma_wait3A_159, %dma_wait3A_160] : memref<20x80xi32, #tpu.memory_space<vmem>> -> memref<1x80xi32, #tpu.memory_space<vmem>>
    %dma_wait3A_162 = tpu.memref_squeeze %dma_wait3A_161 : memref<1x80xi32, #tpu.memory_space<vmem>> -> memref<80xi32, #tpu.memory_space<vmem>>
    %dma_wait3A_163 = arith.constant 0 : i32
    %dma_wait3A_164 = arith.constant 0 : i32
    %dma_wait3A_165 = tpu.memref_slice %arg2[%dma_wait3A_163, %dma_wait3A_164] : memref<100000x128xf32, #tpu.memory_space<hbm>> -> memref<100000x128xf32, #tpu.memory_space<hbm>>
    tpu.wait_indirect_dma semaphore(%arg9 : memref<!tpu.dma_semaphore, #tpu.memory_space<semaphore_mem>>) src(%dma_wait3A_165 : memref<100000x128xf32, #tpu.memory_space<hbm>>) dst(%arg7 : memref<80x128xf32, #tpu.memory_space<vmem>>)
    %add3A_166 = arith.constant 720 : i32
    %add3A_167 = arith.addi %mul3A_2, %add3A_166 : i32
    "tpu.region"() ({
      %run_scoped3A = tpu.sem_alloc : memref<!tpu.dma_semaphore, #tpu.memory_space<semaphore_mem>>
      %dma_start3A_321 = arith.constant 0 : i32
      %dma_start3A_322 = tpu.memref_slice %arg4[%add3A_167, %dma_start3A_321] : memref<51200x256xf32, #tpu.memory_space<hbm>> -> memref<80x128xf32, #tpu.memory_space<hbm>>
      %dma_start3A_323 = arith.constant 0 : i32
      %dma_start3A_324 = tpu.memref_slice %arg4[%add3A_167, %dma_start3A_323] : memref<51200x256xf32, #tpu.memory_space<hbm>> -> memref<80x128xf32, #tpu.memory_space<hbm>>
      tpu.enqueue_dma source(%arg7 : memref<80x128xf32, #tpu.memory_space<vmem>>) target(%dma_start3A_324 : memref<80x128xf32, #tpu.memory_space<hbm>>) target_semaphore(%run_scoped3A : memref<!tpu.dma_semaphore, #tpu.memory_space<semaphore_mem>>)
      %dma_wait3A_325 = arith.constant 0 : i32
      %dma_wait3A_326 = tpu.memref_slice %arg4[%add3A_167, %dma_wait3A_325] : memref<51200x256xf32, #tpu.memory_space<hbm>> -> memref<80x128xf32, #tpu.memory_space<hbm>>
      %dma_wait3A_327 = arith.constant 0 : i32
      %dma_wait3A_328 = tpu.memref_slice %arg4[%add3A_167, %dma_wait3A_327] : memref<51200x256xf32, #tpu.memory_space<hbm>> -> memref<80x128xf32, #tpu.memory_space<hbm>>
      tpu.wait_dma2 semaphore(%run_scoped3A : memref<!tpu.dma_semaphore, #tpu.memory_space<semaphore_mem>>) src(%arg7 : memref<80x128xf32, #tpu.memory_space<vmem>>) dst(%dma_wait3A_328 : memref<80x128xf32, #tpu.memory_space<hbm>>)
      tpu.yield
    }) : () -> ()
    %dma_start3A_168 = arith.constant 11 : i32
    %dma_start3A_169 = arith.constant 0 : i32
    %dma_start3A_170 = tpu.memref_slice %arg5[%dma_start3A_168, %dma_start3A_169] : memref<20x80xi32, #tpu.memory_space<vmem>> -> memref<1x80xi32, #tpu.memory_space<vmem>>
    %dma_start3A_171 = tpu.memref_squeeze %dma_start3A_170 : memref<1x80xi32, #tpu.memory_space<vmem>> -> memref<80xi32, #tpu.memory_space<vmem>>
    %dma_start3A_172 = arith.constant 0 : i32
    %dma_start3A_173 = arith.constant 0 : i32
    %dma_start3A_174 = tpu.memref_slice %arg2[%dma_start3A_172, %dma_start3A_173] : memref<100000x128xf32, #tpu.memory_space<hbm>> -> memref<100000x128xf32, #tpu.memory_space<hbm>>
    tpu.enqueue_indirect_dma source(%dma_start3A_174 : memref<100000x128xf32, #tpu.memory_space<hbm>>) target(%arg7 : memref<80x128xf32, #tpu.memory_space<vmem>>) offsets(%dma_start3A_171 : memref<80xi32, #tpu.memory_space<vmem>>) semaphore(%arg9 : memref<!tpu.dma_semaphore, #tpu.memory_space<semaphore_mem>>)
    %dma_wait3A_175 = arith.constant 10 : i32
    %dma_wait3A_176 = arith.constant 0 : i32
    %dma_wait3A_177 = tpu.memref_slice %arg5[%dma_wait3A_175, %dma_wait3A_176] : memref<20x80xi32, #tpu.memory_space<vmem>> -> memref<1x80xi32, #tpu.memory_space<vmem>>
    %dma_wait3A_178 = tpu.memref_squeeze %dma_wait3A_177 : memref<1x80xi32, #tpu.memory_space<vmem>> -> memref<80xi32, #tpu.memory_space<vmem>>
    %dma_wait3A_179 = arith.constant 0 : i32
    %dma_wait3A_180 = arith.constant 0 : i32
    %dma_wait3A_181 = tpu.memref_slice %arg2[%dma_wait3A_179, %dma_wait3A_180] : memref<100000x128xf32, #tpu.memory_space<hbm>> -> memref<100000x128xf32, #tpu.memory_space<hbm>>
    tpu.wait_indirect_dma semaphore(%arg8 : memref<!tpu.dma_semaphore, #tpu.memory_space<semaphore_mem>>) src(%dma_wait3A_181 : memref<100000x128xf32, #tpu.memory_space<hbm>>) dst(%arg6 : memref<80x128xf32, #tpu.memory_space<vmem>>)
    %add3A_182 = arith.constant 800 : i32
    %add3A_183 = arith.addi %mul3A_2, %add3A_182 : i32
    "tpu.region"() ({
      %run_scoped3A = tpu.sem_alloc : memref<!tpu.dma_semaphore, #tpu.memory_space<semaphore_mem>>
      %dma_start3A_321 = arith.constant 0 : i32
      %dma_start3A_322 = tpu.memref_slice %arg4[%add3A_183, %dma_start3A_321] : memref<51200x256xf32, #tpu.memory_space<hbm>> -> memref<80x128xf32, #tpu.memory_space<hbm>>
      %dma_start3A_323 = arith.constant 0 : i32
      %dma_start3A_324 = tpu.memref_slice %arg4[%add3A_183, %dma_start3A_323] : memref<51200x256xf32, #tpu.memory_space<hbm>> -> memref<80x128xf32, #tpu.memory_space<hbm>>
      tpu.enqueue_dma source(%arg6 : memref<80x128xf32, #tpu.memory_space<vmem>>) target(%dma_start3A_324 : memref<80x128xf32, #tpu.memory_space<hbm>>) target_semaphore(%run_scoped3A : memref<!tpu.dma_semaphore, #tpu.memory_space<semaphore_mem>>)
      %dma_wait3A_325 = arith.constant 0 : i32
      %dma_wait3A_326 = tpu.memref_slice %arg4[%add3A_183, %dma_wait3A_325] : memref<51200x256xf32, #tpu.memory_space<hbm>> -> memref<80x128xf32, #tpu.memory_space<hbm>>
      %dma_wait3A_327 = arith.constant 0 : i32
      %dma_wait3A_328 = tpu.memref_slice %arg4[%add3A_183, %dma_wait3A_327] : memref<51200x256xf32, #tpu.memory_space<hbm>> -> memref<80x128xf32, #tpu.memory_space<hbm>>
      tpu.wait_dma2 semaphore(%run_scoped3A : memref<!tpu.dma_semaphore, #tpu.memory_space<semaphore_mem>>) src(%arg6 : memref<80x128xf32, #tpu.memory_space<vmem>>) dst(%dma_wait3A_328 : memref<80x128xf32, #tpu.memory_space<hbm>>)
      tpu.yield
    }) : () -> ()
    %dma_start3A_184 = arith.constant 12 : i32
    %dma_start3A_185 = arith.constant 0 : i32
    %dma_start3A_186 = tpu.memref_slice %arg5[%dma_start3A_184, %dma_start3A_185] : memref<20x80xi32, #tpu.memory_space<vmem>> -> memref<1x80xi32, #tpu.memory_space<vmem>>
    %dma_start3A_187 = tpu.memref_squeeze %dma_start3A_186 : memref<1x80xi32, #tpu.memory_space<vmem>> -> memref<80xi32, #tpu.memory_space<vmem>>
    %dma_start3A_188 = arith.constant 0 : i32
    %dma_start3A_189 = arith.constant 0 : i32
    %dma_start3A_190 = tpu.memref_slice %arg2[%dma_start3A_188, %dma_start3A_189] : memref<100000x128xf32, #tpu.memory_space<hbm>> -> memref<100000x128xf32, #tpu.memory_space<hbm>>
    tpu.enqueue_indirect_dma source(%dma_start3A_190 : memref<100000x128xf32, #tpu.memory_space<hbm>>) target(%arg6 : memref<80x128xf32, #tpu.memory_space<vmem>>) offsets(%dma_start3A_187 : memref<80xi32, #tpu.memory_space<vmem>>) semaphore(%arg8 : memref<!tpu.dma_semaphore, #tpu.memory_space<semaphore_mem>>)
    %dma_wait3A_191 = arith.constant 11 : i32
    %dma_wait3A_192 = arith.constant 0 : i32
    %dma_wait3A_193 = tpu.memref_slice %arg5[%dma_wait3A_191, %dma_wait3A_192] : memref<20x80xi32, #tpu.memory_space<vmem>> -> memref<1x80xi32, #tpu.memory_space<vmem>>
    %dma_wait3A_194 = tpu.memref_squeeze %dma_wait3A_193 : memref<1x80xi32, #tpu.memory_space<vmem>> -> memref<80xi32, #tpu.memory_space<vmem>>
    %dma_wait3A_195 = arith.constant 0 : i32
    %dma_wait3A_196 = arith.constant 0 : i32
    %dma_wait3A_197 = tpu.memref_slice %arg2[%dma_wait3A_195, %dma_wait3A_196] : memref<100000x128xf32, #tpu.memory_space<hbm>> -> memref<100000x128xf32, #tpu.memory_space<hbm>>
    tpu.wait_indirect_dma semaphore(%arg9 : memref<!tpu.dma_semaphore, #tpu.memory_space<semaphore_mem>>) src(%dma_wait3A_197 : memref<100000x128xf32, #tpu.memory_space<hbm>>) dst(%arg7 : memref<80x128xf32, #tpu.memory_space<vmem>>)
    %add3A_198 = arith.constant 880 : i32
    %add3A_199 = arith.addi %mul3A_2, %add3A_198 : i32
    "tpu.region"() ({
      %run_scoped3A = tpu.sem_alloc : memref<!tpu.dma_semaphore, #tpu.memory_space<semaphore_mem>>
      %dma_start3A_321 = arith.constant 0 : i32
      %dma_start3A_322 = tpu.memref_slice %arg4[%add3A_199, %dma_start3A_321] : memref<51200x256xf32, #tpu.memory_space<hbm>> -> memref<80x128xf32, #tpu.memory_space<hbm>>
      %dma_start3A_323 = arith.constant 0 : i32
      %dma_start3A_324 = tpu.memref_slice %arg4[%add3A_199, %dma_start3A_323] : memref<51200x256xf32, #tpu.memory_space<hbm>> -> memref<80x128xf32, #tpu.memory_space<hbm>>
      tpu.enqueue_dma source(%arg7 : memref<80x128xf32, #tpu.memory_space<vmem>>) target(%dma_start3A_324 : memref<80x128xf32, #tpu.memory_space<hbm>>) target_semaphore(%run_scoped3A : memref<!tpu.dma_semaphore, #tpu.memory_space<semaphore_mem>>)
      %dma_wait3A_325 = arith.constant 0 : i32
      %dma_wait3A_326 = tpu.memref_slice %arg4[%add3A_199, %dma_wait3A_325] : memref<51200x256xf32, #tpu.memory_space<hbm>> -> memref<80x128xf32, #tpu.memory_space<hbm>>
      %dma_wait3A_327 = arith.constant 0 : i32
      %dma_wait3A_328 = tpu.memref_slice %arg4[%add3A_199, %dma_wait3A_327] : memref<51200x256xf32, #tpu.memory_space<hbm>> -> memref<80x128xf32, #tpu.memory_space<hbm>>
      tpu.wait_dma2 semaphore(%run_scoped3A : memref<!tpu.dma_semaphore, #tpu.memory_space<semaphore_mem>>) src(%arg7 : memref<80x128xf32, #tpu.memory_space<vmem>>) dst(%dma_wait3A_328 : memref<80x128xf32, #tpu.memory_space<hbm>>)
      tpu.yield
    }) : () -> ()
    %dma_start3A_200 = arith.constant 13 : i32
    %dma_start3A_201 = arith.constant 0 : i32
    %dma_start3A_202 = tpu.memref_slice %arg5[%dma_start3A_200, %dma_start3A_201] : memref<20x80xi32, #tpu.memory_space<vmem>> -> memref<1x80xi32, #tpu.memory_space<vmem>>
    %dma_start3A_203 = tpu.memref_squeeze %dma_start3A_202 : memref<1x80xi32, #tpu.memory_space<vmem>> -> memref<80xi32, #tpu.memory_space<vmem>>
    %dma_start3A_204 = arith.constant 0 : i32
    %dma_start3A_205 = arith.constant 0 : i32
    %dma_start3A_206 = tpu.memref_slice %arg2[%dma_start3A_204, %dma_start3A_205] : memref<100000x128xf32, #tpu.memory_space<hbm>> -> memref<100000x128xf32, #tpu.memory_space<hbm>>
    tpu.enqueue_indirect_dma source(%dma_start3A_206 : memref<100000x128xf32, #tpu.memory_space<hbm>>) target(%arg7 : memref<80x128xf32, #tpu.memory_space<vmem>>) offsets(%dma_start3A_203 : memref<80xi32, #tpu.memory_space<vmem>>) semaphore(%arg9 : memref<!tpu.dma_semaphore, #tpu.memory_space<semaphore_mem>>)
    %dma_wait3A_207 = arith.constant 12 : i32
    %dma_wait3A_208 = arith.constant 0 : i32
    %dma_wait3A_209 = tpu.memref_slice %arg5[%dma_wait3A_207, %dma_wait3A_208] : memref<20x80xi32, #tpu.memory_space<vmem>> -> memref<1x80xi32, #tpu.memory_space<vmem>>
    %dma_wait3A_210 = tpu.memref_squeeze %dma_wait3A_209 : memref<1x80xi32, #tpu.memory_space<vmem>> -> memref<80xi32, #tpu.memory_space<vmem>>
    %dma_wait3A_211 = arith.constant 0 : i32
    %dma_wait3A_212 = arith.constant 0 : i32
    %dma_wait3A_213 = tpu.memref_slice %arg2[%dma_wait3A_211, %dma_wait3A_212] : memref<100000x128xf32, #tpu.memory_space<hbm>> -> memref<100000x128xf32, #tpu.memory_space<hbm>>
    tpu.wait_indirect_dma semaphore(%arg8 : memref<!tpu.dma_semaphore, #tpu.memory_space<semaphore_mem>>) src(%dma_wait3A_213 : memref<100000x128xf32, #tpu.memory_space<hbm>>) dst(%arg6 : memref<80x128xf32, #tpu.memory_space<vmem>>)
    %add3A_214 = arith.constant 960 : i32
    %add3A_215 = arith.addi %mul3A_2, %add3A_214 : i32
    "tpu.region"() ({
      %run_scoped3A = tpu.sem_alloc : memref<!tpu.dma_semaphore, #tpu.memory_space<semaphore_mem>>
      %dma_start3A_321 = arith.constant 0 : i32
      %dma_start3A_322 = tpu.memref_slice %arg4[%add3A_215, %dma_start3A_321] : memref<51200x256xf32, #tpu.memory_space<hbm>> -> memref<80x128xf32, #tpu.memory_space<hbm>>
      %dma_start3A_323 = arith.constant 0 : i32
      %dma_start3A_324 = tpu.memref_slice %arg4[%add3A_215, %dma_start3A_323] : memref<51200x256xf32, #tpu.memory_space<hbm>> -> memref<80x128xf32, #tpu.memory_space<hbm>>
      tpu.enqueue_dma source(%arg6 : memref<80x128xf32, #tpu.memory_space<vmem>>) target(%dma_start3A_324 : memref<80x128xf32, #tpu.memory_space<hbm>>) target_semaphore(%run_scoped3A : memref<!tpu.dma_semaphore, #tpu.memory_space<semaphore_mem>>)
      %dma_wait3A_325 = arith.constant 0 : i32
      %dma_wait3A_326 = tpu.memref_slice %arg4[%add3A_215, %dma_wait3A_325] : memref<51200x256xf32, #tpu.memory_space<hbm>> -> memref<80x128xf32, #tpu.memory_space<hbm>>
      %dma_wait3A_327 = arith.constant 0 : i32
      %dma_wait3A_328 = tpu.memref_slice %arg4[%add3A_215, %dma_wait3A_327] : memref<51200x256xf32, #tpu.memory_space<hbm>> -> memref<80x128xf32, #tpu.memory_space<hbm>>
      tpu.wait_dma2 semaphore(%run_scoped3A : memref<!tpu.dma_semaphore, #tpu.memory_space<semaphore_mem>>) src(%arg6 : memref<80x128xf32, #tpu.memory_space<vmem>>) dst(%dma_wait3A_328 : memref<80x128xf32, #tpu.memory_space<hbm>>)
      tpu.yield
    }) : () -> ()
    %dma_start3A_216 = arith.constant 14 : i32
    %dma_start3A_217 = arith.constant 0 : i32
    %dma_start3A_218 = tpu.memref_slice %arg5[%dma_start3A_216, %dma_start3A_217] : memref<20x80xi32, #tpu.memory_space<vmem>> -> memref<1x80xi32, #tpu.memory_space<vmem>>
    %dma_start3A_219 = tpu.memref_squeeze %dma_start3A_218 : memref<1x80xi32, #tpu.memory_space<vmem>> -> memref<80xi32, #tpu.memory_space<vmem>>
    %dma_start3A_220 = arith.constant 0 : i32
    %dma_start3A_221 = arith.constant 0 : i32
    %dma_start3A_222 = tpu.memref_slice %arg2[%dma_start3A_220, %dma_start3A_221] : memref<100000x128xf32, #tpu.memory_space<hbm>> -> memref<100000x128xf32, #tpu.memory_space<hbm>>
    tpu.enqueue_indirect_dma source(%dma_start3A_222 : memref<100000x128xf32, #tpu.memory_space<hbm>>) target(%arg6 : memref<80x128xf32, #tpu.memory_space<vmem>>) offsets(%dma_start3A_219 : memref<80xi32, #tpu.memory_space<vmem>>) semaphore(%arg8 : memref<!tpu.dma_semaphore, #tpu.memory_space<semaphore_mem>>)
    %dma_wait3A_223 = arith.constant 13 : i32
    %dma_wait3A_224 = arith.constant 0 : i32
    %dma_wait3A_225 = tpu.memref_slice %arg5[%dma_wait3A_223, %dma_wait3A_224] : memref<20x80xi32, #tpu.memory_space<vmem>> -> memref<1x80xi32, #tpu.memory_space<vmem>>
    %dma_wait3A_226 = tpu.memref_squeeze %dma_wait3A_225 : memref<1x80xi32, #tpu.memory_space<vmem>> -> memref<80xi32, #tpu.memory_space<vmem>>
    %dma_wait3A_227 = arith.constant 0 : i32
    %dma_wait3A_228 = arith.constant 0 : i32
    %dma_wait3A_229 = tpu.memref_slice %arg2[%dma_wait3A_227, %dma_wait3A_228] : memref<100000x128xf32, #tpu.memory_space<hbm>> -> memref<100000x128xf32, #tpu.memory_space<hbm>>
    tpu.wait_indirect_dma semaphore(%arg9 : memref<!tpu.dma_semaphore, #tpu.memory_space<semaphore_mem>>) src(%dma_wait3A_229 : memref<100000x128xf32, #tpu.memory_space<hbm>>) dst(%arg7 : memref<80x128xf32, #tpu.memory_space<vmem>>)
    %add3A_230 = arith.constant 1040 : i32
    %add3A_231 = arith.addi %mul3A_2, %add3A_230 : i32
    "tpu.region"() ({
      %run_scoped3A = tpu.sem_alloc : memref<!tpu.dma_semaphore, #tpu.memory_space<semaphore_mem>>
      %dma_start3A_321 = arith.constant 0 : i32
      %dma_start3A_322 = tpu.memref_slice %arg4[%add3A_231, %dma_start3A_321] : memref<51200x256xf32, #tpu.memory_space<hbm>> -> memref<80x128xf32, #tpu.memory_space<hbm>>
      %dma_start3A_323 = arith.constant 0 : i32
      %dma_start3A_324 = tpu.memref_slice %arg4[%add3A_231, %dma_start3A_323] : memref<51200x256xf32, #tpu.memory_space<hbm>> -> memref<80x128xf32, #tpu.memory_space<hbm>>
      tpu.enqueue_dma source(%arg7 : memref<80x128xf32, #tpu.memory_space<vmem>>) target(%dma_start3A_324 : memref<80x128xf32, #tpu.memory_space<hbm>>) target_semaphore(%run_scoped3A : memref<!tpu.dma_semaphore, #tpu.memory_space<semaphore_mem>>)
      %dma_wait3A_325 = arith.constant 0 : i32
      %dma_wait3A_326 = tpu.memref_slice %arg4[%add3A_231, %dma_wait3A_325] : memref<51200x256xf32, #tpu.memory_space<hbm>> -> memref<80x128xf32, #tpu.memory_space<hbm>>
      %dma_wait3A_327 = arith.constant 0 : i32
      %dma_wait3A_328 = tpu.memref_slice %arg4[%add3A_231, %dma_wait3A_327] : memref<51200x256xf32, #tpu.memory_space<hbm>> -> memref<80x128xf32, #tpu.memory_space<hbm>>
      tpu.wait_dma2 semaphore(%run_scoped3A : memref<!tpu.dma_semaphore, #tpu.memory_space<semaphore_mem>>) src(%arg7 : memref<80x128xf32, #tpu.memory_space<vmem>>) dst(%dma_wait3A_328 : memref<80x128xf32, #tpu.memory_space<hbm>>)
      tpu.yield
    }) : () -> ()
    %dma_start3A_232 = arith.constant 15 : i32
    %dma_start3A_233 = arith.constant 0 : i32
    %dma_start3A_234 = tpu.memref_slice %arg5[%dma_start3A_232, %dma_start3A_233] : memref<20x80xi32, #tpu.memory_space<vmem>> -> memref<1x80xi32, #tpu.memory_space<vmem>>
    %dma_start3A_235 = tpu.memref_squeeze %dma_start3A_234 : memref<1x80xi32, #tpu.memory_space<vmem>> -> memref<80xi32, #tpu.memory_space<vmem>>
    %dma_start3A_236 = arith.constant 0 : i32
    %dma_start3A_237 = arith.constant 0 : i32
    %dma_start3A_238 = tpu.memref_slice %arg2[%dma_start3A_236, %dma_start3A_237] : memref<100000x128xf32, #tpu.memory_space<hbm>> -> memref<100000x128xf32, #tpu.memory_space<hbm>>
    tpu.enqueue_indirect_dma source(%dma_start3A_238 : memref<100000x128xf32, #tpu.memory_space<hbm>>) target(%arg7 : memref<80x128xf32, #tpu.memory_space<vmem>>) offsets(%dma_start3A_235 : memref<80xi32, #tpu.memory_space<vmem>>) semaphore(%arg9 : memref<!tpu.dma_semaphore, #tpu.memory_space<semaphore_mem>>)
    %dma_wait3A_239 = arith.constant 14 : i32
    %dma_wait3A_240 = arith.constant 0 : i32
    %dma_wait3A_241 = tpu.memref_slice %arg5[%dma_wait3A_239, %dma_wait3A_240] : memref<20x80xi32, #tpu.memory_space<vmem>> -> memref<1x80xi32, #tpu.memory_space<vmem>>
    %dma_wait3A_242 = tpu.memref_squeeze %dma_wait3A_241 : memref<1x80xi32, #tpu.memory_space<vmem>> -> memref<80xi32, #tpu.memory_space<vmem>>
    %dma_wait3A_243 = arith.constant 0 : i32
    %dma_wait3A_244 = arith.constant 0 : i32
    %dma_wait3A_245 = tpu.memref_slice %arg2[%dma_wait3A_243, %dma_wait3A_244] : memref<100000x128xf32, #tpu.memory_space<hbm>> -> memref<100000x128xf32, #tpu.memory_space<hbm>>
    tpu.wait_indirect_dma semaphore(%arg8 : memref<!tpu.dma_semaphore, #tpu.memory_space<semaphore_mem>>) src(%dma_wait3A_245 : memref<100000x128xf32, #tpu.memory_space<hbm>>) dst(%arg6 : memref<80x128xf32, #tpu.memory_space<vmem>>)
    %add3A_246 = arith.constant 1120 : i32
    %add3A_247 = arith.addi %mul3A_2, %add3A_246 : i32
    "tpu.region"() ({
      %run_scoped3A = tpu.sem_alloc : memref<!tpu.dma_semaphore, #tpu.memory_space<semaphore_mem>>
      %dma_start3A_321 = arith.constant 0 : i32
      %dma_start3A_322 = tpu.memref_slice %arg4[%add3A_247, %dma_start3A_321] : memref<51200x256xf32, #tpu.memory_space<hbm>> -> memref<80x128xf32, #tpu.memory_space<hbm>>
      %dma_start3A_323 = arith.constant 0 : i32
      %dma_start3A_324 = tpu.memref_slice %arg4[%add3A_247, %dma_start3A_323] : memref<51200x256xf32, #tpu.memory_space<hbm>> -> memref<80x128xf32, #tpu.memory_space<hbm>>
      tpu.enqueue_dma source(%arg6 : memref<80x128xf32, #tpu.memory_space<vmem>>) target(%dma_start3A_324 : memref<80x128xf32, #tpu.memory_space<hbm>>) target_semaphore(%run_scoped3A : memref<!tpu.dma_semaphore, #tpu.memory_space<semaphore_mem>>)
      %dma_wait3A_325 = arith.constant 0 : i32
      %dma_wait3A_326 = tpu.memref_slice %arg4[%add3A_247, %dma_wait3A_325] : memref<51200x256xf32, #tpu.memory_space<hbm>> -> memref<80x128xf32, #tpu.memory_space<hbm>>
      %dma_wait3A_327 = arith.constant 0 : i32
      %dma_wait3A_328 = tpu.memref_slice %arg4[%add3A_247, %dma_wait3A_327] : memref<51200x256xf32, #tpu.memory_space<hbm>> -> memref<80x128xf32, #tpu.memory_space<hbm>>
      tpu.wait_dma2 semaphore(%run_scoped3A : memref<!tpu.dma_semaphore, #tpu.memory_space<semaphore_mem>>) src(%arg6 : memref<80x128xf32, #tpu.memory_space<vmem>>) dst(%dma_wait3A_328 : memref<80x128xf32, #tpu.memory_space<hbm>>)
      tpu.yield
    }) : () -> ()
    %dma_start3A_248 = arith.constant 16 : i32
    %dma_start3A_249 = arith.constant 0 : i32
    %dma_start3A_250 = tpu.memref_slice %arg5[%dma_start3A_248, %dma_start3A_249] : memref<20x80xi32, #tpu.memory_space<vmem>> -> memref<1x80xi32, #tpu.memory_space<vmem>>
    %dma_start3A_251 = tpu.memref_squeeze %dma_start3A_250 : memref<1x80xi32, #tpu.memory_space<vmem>> -> memref<80xi32, #tpu.memory_space<vmem>>
    %dma_start3A_252 = arith.constant 0 : i32
    %dma_start3A_253 = arith.constant 0 : i32
    %dma_start3A_254 = tpu.memref_slice %arg2[%dma_start3A_252, %dma_start3A_253] : memref<100000x128xf32, #tpu.memory_space<hbm>> -> memref<100000x128xf32, #tpu.memory_space<hbm>>
    tpu.enqueue_indirect_dma source(%dma_start3A_254 : memref<100000x128xf32, #tpu.memory_space<hbm>>) target(%arg6 : memref<80x128xf32, #tpu.memory_space<vmem>>) offsets(%dma_start3A_251 : memref<80xi32, #tpu.memory_space<vmem>>) semaphore(%arg8 : memref<!tpu.dma_semaphore, #tpu.memory_space<semaphore_mem>>)
    %dma_wait3A_255 = arith.constant 15 : i32
    %dma_wait3A_256 = arith.constant 0 : i32
    %dma_wait3A_257 = tpu.memref_slice %arg5[%dma_wait3A_255, %dma_wait3A_256] : memref<20x80xi32, #tpu.memory_space<vmem>> -> memref<1x80xi32, #tpu.memory_space<vmem>>
    %dma_wait3A_258 = tpu.memref_squeeze %dma_wait3A_257 : memref<1x80xi32, #tpu.memory_space<vmem>> -> memref<80xi32, #tpu.memory_space<vmem>>
    %dma_wait3A_259 = arith.constant 0 : i32
    %dma_wait3A_260 = arith.constant 0 : i32
    %dma_wait3A_261 = tpu.memref_slice %arg2[%dma_wait3A_259, %dma_wait3A_260] : memref<100000x128xf32, #tpu.memory_space<hbm>> -> memref<100000x128xf32, #tpu.memory_space<hbm>>
    tpu.wait_indirect_dma semaphore(%arg9 : memref<!tpu.dma_semaphore, #tpu.memory_space<semaphore_mem>>) src(%dma_wait3A_261 : memref<100000x128xf32, #tpu.memory_space<hbm>>) dst(%arg7 : memref<80x128xf32, #tpu.memory_space<vmem>>)
    %add3A_262 = arith.constant 1200 : i32
    %add3A_263 = arith.addi %mul3A_2, %add3A_262 : i32
    "tpu.region"() ({
      %run_scoped3A = tpu.sem_alloc : memref<!tpu.dma_semaphore, #tpu.memory_space<semaphore_mem>>
      %dma_start3A_321 = arith.constant 0 : i32
      %dma_start3A_322 = tpu.memref_slice %arg4[%add3A_263, %dma_start3A_321] : memref<51200x256xf32, #tpu.memory_space<hbm>> -> memref<80x128xf32, #tpu.memory_space<hbm>>
      %dma_start3A_323 = arith.constant 0 : i32
      %dma_start3A_324 = tpu.memref_slice %arg4[%add3A_263, %dma_start3A_323] : memref<51200x256xf32, #tpu.memory_space<hbm>> -> memref<80x128xf32, #tpu.memory_space<hbm>>
      tpu.enqueue_dma source(%arg7 : memref<80x128xf32, #tpu.memory_space<vmem>>) target(%dma_start3A_324 : memref<80x128xf32, #tpu.memory_space<hbm>>) target_semaphore(%run_scoped3A : memref<!tpu.dma_semaphore, #tpu.memory_space<semaphore_mem>>)
      %dma_wait3A_325 = arith.constant 0 : i32
      %dma_wait3A_326 = tpu.memref_slice %arg4[%add3A_263, %dma_wait3A_325] : memref<51200x256xf32, #tpu.memory_space<hbm>> -> memref<80x128xf32, #tpu.memory_space<hbm>>
      %dma_wait3A_327 = arith.constant 0 : i32
      %dma_wait3A_328 = tpu.memref_slice %arg4[%add3A_263, %dma_wait3A_327] : memref<51200x256xf32, #tpu.memory_space<hbm>> -> memref<80x128xf32, #tpu.memory_space<hbm>>
      tpu.wait_dma2 semaphore(%run_scoped3A : memref<!tpu.dma_semaphore, #tpu.memory_space<semaphore_mem>>) src(%arg7 : memref<80x128xf32, #tpu.memory_space<vmem>>) dst(%dma_wait3A_328 : memref<80x128xf32, #tpu.memory_space<hbm>>)
      tpu.yield
    }) : () -> ()
    %dma_start3A_264 = arith.constant 17 : i32
    %dma_start3A_265 = arith.constant 0 : i32
    %dma_start3A_266 = tpu.memref_slice %arg5[%dma_start3A_264, %dma_start3A_265] : memref<20x80xi32, #tpu.memory_space<vmem>> -> memref<1x80xi32, #tpu.memory_space<vmem>>
    %dma_start3A_267 = tpu.memref_squeeze %dma_start3A_266 : memref<1x80xi32, #tpu.memory_space<vmem>> -> memref<80xi32, #tpu.memory_space<vmem>>
    %dma_start3A_268 = arith.constant 0 : i32
    %dma_start3A_269 = arith.constant 0 : i32
    %dma_start3A_270 = tpu.memref_slice %arg2[%dma_start3A_268, %dma_start3A_269] : memref<100000x128xf32, #tpu.memory_space<hbm>> -> memref<100000x128xf32, #tpu.memory_space<hbm>>
    tpu.enqueue_indirect_dma source(%dma_start3A_270 : memref<100000x128xf32, #tpu.memory_space<hbm>>) target(%arg7 : memref<80x128xf32, #tpu.memory_space<vmem>>) offsets(%dma_start3A_267 : memref<80xi32, #tpu.memory_space<vmem>>) semaphore(%arg9 : memref<!tpu.dma_semaphore, #tpu.memory_space<semaphore_mem>>)
    %dma_wait3A_271 = arith.constant 16 : i32
    %dma_wait3A_272 = arith.constant 0 : i32
    %dma_wait3A_273 = tpu.memref_slice %arg5[%dma_wait3A_271, %dma_wait3A_272] : memref<20x80xi32, #tpu.memory_space<vmem>> -> memref<1x80xi32, #tpu.memory_space<vmem>>
    %dma_wait3A_274 = tpu.memref_squeeze %dma_wait3A_273 : memref<1x80xi32, #tpu.memory_space<vmem>> -> memref<80xi32, #tpu.memory_space<vmem>>
    %dma_wait3A_275 = arith.constant 0 : i32
    %dma_wait3A_276 = arith.constant 0 : i32
    %dma_wait3A_277 = tpu.memref_slice %arg2[%dma_wait3A_275, %dma_wait3A_276] : memref<100000x128xf32, #tpu.memory_space<hbm>> -> memref<100000x128xf32, #tpu.memory_space<hbm>>
    tpu.wait_indirect_dma semaphore(%arg8 : memref<!tpu.dma_semaphore, #tpu.memory_space<semaphore_mem>>) src(%dma_wait3A_277 : memref<100000x128xf32, #tpu.memory_space<hbm>>) dst(%arg6 : memref<80x128xf32, #tpu.memory_space<vmem>>)
    %add3A_278 = arith.constant 1280 : i32
    %add3A_279 = arith.addi %mul3A_2, %add3A_278 : i32
    "tpu.region"() ({
      %run_scoped3A = tpu.sem_alloc : memref<!tpu.dma_semaphore, #tpu.memory_space<semaphore_mem>>
      %dma_start3A_321 = arith.constant 0 : i32
      %dma_start3A_322 = tpu.memref_slice %arg4[%add3A_279, %dma_start3A_321] : memref<51200x256xf32, #tpu.memory_space<hbm>> -> memref<80x128xf32, #tpu.memory_space<hbm>>
      %dma_start3A_323 = arith.constant 0 : i32
      %dma_start3A_324 = tpu.memref_slice %arg4[%add3A_279, %dma_start3A_323] : memref<51200x256xf32, #tpu.memory_space<hbm>> -> memref<80x128xf32, #tpu.memory_space<hbm>>
      tpu.enqueue_dma source(%arg6 : memref<80x128xf32, #tpu.memory_space<vmem>>) target(%dma_start3A_324 : memref<80x128xf32, #tpu.memory_space<hbm>>) target_semaphore(%run_scoped3A : memref<!tpu.dma_semaphore, #tpu.memory_space<semaphore_mem>>)
      %dma_wait3A_325 = arith.constant 0 : i32
      %dma_wait3A_326 = tpu.memref_slice %arg4[%add3A_279, %dma_wait3A_325] : memref<51200x256xf32, #tpu.memory_space<hbm>> -> memref<80x128xf32, #tpu.memory_space<hbm>>
      %dma_wait3A_327 = arith.constant 0 : i32
      %dma_wait3A_328 = tpu.memref_slice %arg4[%add3A_279, %dma_wait3A_327] : memref<51200x256xf32, #tpu.memory_space<hbm>> -> memref<80x128xf32, #tpu.memory_space<hbm>>
      tpu.wait_dma2 semaphore(%run_scoped3A : memref<!tpu.dma_semaphore, #tpu.memory_space<semaphore_mem>>) src(%arg6 : memref<80x128xf32, #tpu.memory_space<vmem>>) dst(%dma_wait3A_328 : memref<80x128xf32, #tpu.memory_space<hbm>>)
      tpu.yield
    }) : () -> ()
    %dma_start3A_280 = arith.constant 18 : i32
    %dma_start3A_281 = arith.constant 0 : i32
    %dma_start3A_282 = tpu.memref_slice %arg5[%dma_start3A_280, %dma_start3A_281] : memref<20x80xi32, #tpu.memory_space<vmem>> -> memref<1x80xi32, #tpu.memory_space<vmem>>
    %dma_start3A_283 = tpu.memref_squeeze %dma_start3A_282 : memref<1x80xi32, #tpu.memory_space<vmem>> -> memref<80xi32, #tpu.memory_space<vmem>>
    %dma_start3A_284 = arith.constant 0 : i32
    %dma_start3A_285 = arith.constant 0 : i32
    %dma_start3A_286 = tpu.memref_slice %arg2[%dma_start3A_284, %dma_start3A_285] : memref<100000x128xf32, #tpu.memory_space<hbm>> -> memref<100000x128xf32, #tpu.memory_space<hbm>>
    tpu.enqueue_indirect_dma source(%dma_start3A_286 : memref<100000x128xf32, #tpu.memory_space<hbm>>) target(%arg6 : memref<80x128xf32, #tpu.memory_space<vmem>>) offsets(%dma_start3A_283 : memref<80xi32, #tpu.memory_space<vmem>>) semaphore(%arg8 : memref<!tpu.dma_semaphore, #tpu.memory_space<semaphore_mem>>)
    %dma_wait3A_287 = arith.constant 17 : i32
    %dma_wait3A_288 = arith.constant 0 : i32
    %dma_wait3A_289 = tpu.memref_slice %arg5[%dma_wait3A_287, %dma_wait3A_288] : memref<20x80xi32, #tpu.memory_space<vmem>> -> memref<1x80xi32, #tpu.memory_space<vmem>>
    %dma_wait3A_290 = tpu.memref_squeeze %dma_wait3A_289 : memref<1x80xi32, #tpu.memory_space<vmem>> -> memref<80xi32, #tpu.memory_space<vmem>>
    %dma_wait3A_291 = arith.constant 0 : i32
    %dma_wait3A_292 = arith.constant 0 : i32
    %dma_wait3A_293 = tpu.memref_slice %arg2[%dma_wait3A_291, %dma_wait3A_292] : memref<100000x128xf32, #tpu.memory_space<hbm>> -> memref<100000x128xf32, #tpu.memory_space<hbm>>
    tpu.wait_indirect_dma semaphore(%arg9 : memref<!tpu.dma_semaphore, #tpu.memory_space<semaphore_mem>>) src(%dma_wait3A_293 : memref<100000x128xf32, #tpu.memory_space<hbm>>) dst(%arg7 : memref<80x128xf32, #tpu.memory_space<vmem>>)
    %add3A_294 = arith.constant 1360 : i32
    %add3A_295 = arith.addi %mul3A_2, %add3A_294 : i32
    "tpu.region"() ({
      %run_scoped3A = tpu.sem_alloc : memref<!tpu.dma_semaphore, #tpu.memory_space<semaphore_mem>>
      %dma_start3A_321 = arith.constant 0 : i32
      %dma_start3A_322 = tpu.memref_slice %arg4[%add3A_295, %dma_start3A_321] : memref<51200x256xf32, #tpu.memory_space<hbm>> -> memref<80x128xf32, #tpu.memory_space<hbm>>
      %dma_start3A_323 = arith.constant 0 : i32
      %dma_start3A_324 = tpu.memref_slice %arg4[%add3A_295, %dma_start3A_323] : memref<51200x256xf32, #tpu.memory_space<hbm>> -> memref<80x128xf32, #tpu.memory_space<hbm>>
      tpu.enqueue_dma source(%arg7 : memref<80x128xf32, #tpu.memory_space<vmem>>) target(%dma_start3A_324 : memref<80x128xf32, #tpu.memory_space<hbm>>) target_semaphore(%run_scoped3A : memref<!tpu.dma_semaphore, #tpu.memory_space<semaphore_mem>>)
      %dma_wait3A_325 = arith.constant 0 : i32
      %dma_wait3A_326 = tpu.memref_slice %arg4[%add3A_295, %dma_wait3A_325] : memref<51200x256xf32, #tpu.memory_space<hbm>> -> memref<80x128xf32, #tpu.memory_space<hbm>>
      %dma_wait3A_327 = arith.constant 0 : i32
      %dma_wait3A_328 = tpu.memref_slice %arg4[%add3A_295, %dma_wait3A_327] : memref<51200x256xf32, #tpu.memory_space<hbm>> -> memref<80x128xf32, #tpu.memory_space<hbm>>
      tpu.wait_dma2 semaphore(%run_scoped3A : memref<!tpu.dma_semaphore, #tpu.memory_space<semaphore_mem>>) src(%arg7 : memref<80x128xf32, #tpu.memory_space<vmem>>) dst(%dma_wait3A_328 : memref<80x128xf32, #tpu.memory_space<hbm>>)
      tpu.yield
    }) : () -> ()
    %dma_start3A_296 = arith.constant 19 : i32
    %dma_start3A_297 = arith.constant 0 : i32
    %dma_start3A_298 = tpu.memref_slice %arg5[%dma_start3A_296, %dma_start3A_297] : memref<20x80xi32, #tpu.memory_space<vmem>> -> memref<1x80xi32, #tpu.memory_space<vmem>>
    %dma_start3A_299 = tpu.memref_squeeze %dma_start3A_298 : memref<1x80xi32, #tpu.memory_space<vmem>> -> memref<80xi32, #tpu.memory_space<vmem>>
    %dma_start3A_300 = arith.constant 0 : i32
    %dma_start3A_301 = arith.constant 0 : i32
    %dma_start3A_302 = tpu.memref_slice %arg2[%dma_start3A_300, %dma_start3A_301] : memref<100000x128xf32, #tpu.memory_space<hbm>> -> memref<100000x128xf32, #tpu.memory_space<hbm>>
    tpu.enqueue_indirect_dma source(%dma_start3A_302 : memref<100000x128xf32, #tpu.memory_space<hbm>>) target(%arg7 : memref<80x128xf32, #tpu.memory_space<vmem>>) offsets(%dma_start3A_299 : memref<80xi32, #tpu.memory_space<vmem>>) semaphore(%arg9 : memref<!tpu.dma_semaphore, #tpu.memory_space<semaphore_mem>>)
    %dma_wait3A_303 = arith.constant 18 : i32
    %dma_wait3A_304 = arith.constant 0 : i32
    %dma_wait3A_305 = tpu.memref_slice %arg5[%dma_wait3A_303, %dma_wait3A_304] : memref<20x80xi32, #tpu.memory_space<vmem>> -> memref<1x80xi32, #tpu.memory_space<vmem>>
    %dma_wait3A_306 = tpu.memref_squeeze %dma_wait3A_305 : memref<1x80xi32, #tpu.memory_space<vmem>> -> memref<80xi32, #tpu.memory_space<vmem>>
    %dma_wait3A_307 = arith.constant 0 : i32
    %dma_wait3A_308 = arith.constant 0 : i32
    %dma_wait3A_309 = tpu.memref_slice %arg2[%dma_wait3A_307, %dma_wait3A_308] : memref<100000x128xf32, #tpu.memory_space<hbm>> -> memref<100000x128xf32, #tpu.memory_space<hbm>>
    tpu.wait_indirect_dma semaphore(%arg8 : memref<!tpu.dma_semaphore, #tpu.memory_space<semaphore_mem>>) src(%dma_wait3A_309 : memref<100000x128xf32, #tpu.memory_space<hbm>>) dst(%arg6 : memref<80x128xf32, #tpu.memory_space<vmem>>)
    %add3A_310 = arith.constant 1440 : i32
    %add3A_311 = arith.addi %mul3A_2, %add3A_310 : i32
    "tpu.region"() ({
      %run_scoped3A = tpu.sem_alloc : memref<!tpu.dma_semaphore, #tpu.memory_space<semaphore_mem>>
      %dma_start3A_321 = arith.constant 0 : i32
      %dma_start3A_322 = tpu.memref_slice %arg4[%add3A_311, %dma_start3A_321] : memref<51200x256xf32, #tpu.memory_space<hbm>> -> memref<80x128xf32, #tpu.memory_space<hbm>>
      %dma_start3A_323 = arith.constant 0 : i32
      %dma_start3A_324 = tpu.memref_slice %arg4[%add3A_311, %dma_start3A_323] : memref<51200x256xf32, #tpu.memory_space<hbm>> -> memref<80x128xf32, #tpu.memory_space<hbm>>
      tpu.enqueue_dma source(%arg6 : memref<80x128xf32, #tpu.memory_space<vmem>>) target(%dma_start3A_324 : memref<80x128xf32, #tpu.memory_space<hbm>>) target_semaphore(%run_scoped3A : memref<!tpu.dma_semaphore, #tpu.memory_space<semaphore_mem>>)
      %dma_wait3A_325 = arith.constant 0 : i32
      %dma_wait3A_326 = tpu.memref_slice %arg4[%add3A_311, %dma_wait3A_325] : memref<51200x256xf32, #tpu.memory_space<hbm>> -> memref<80x128xf32, #tpu.memory_space<hbm>>
      %dma_wait3A_327 = arith.constant 0 : i32
      %dma_wait3A_328 = tpu.memref_slice %arg4[%add3A_311, %dma_wait3A_327] : memref<51200x256xf32, #tpu.memory_space<hbm>> -> memref<80x128xf32, #tpu.memory_space<hbm>>
      tpu.wait_dma2 semaphore(%run_scoped3A : memref<!tpu.dma_semaphore, #tpu.memory_space<semaphore_mem>>) src(%arg6 : memref<80x128xf32, #tpu.memory_space<vmem>>) dst(%dma_wait3A_328 : memref<80x128xf32, #tpu.memory_space<hbm>>)
      tpu.yield
    }) : () -> ()
    %dma_wait3A_312 = arith.constant 19 : i32
    %dma_wait3A_313 = arith.constant 0 : i32
    %dma_wait3A_314 = tpu.memref_slice %arg5[%dma_wait3A_312, %dma_wait3A_313] : memref<20x80xi32, #tpu.memory_space<vmem>> -> memref<1x80xi32, #tpu.memory_space<vmem>>
    %dma_wait3A_315 = tpu.memref_squeeze %dma_wait3A_314 : memref<1x80xi32, #tpu.memory_space<vmem>> -> memref<80xi32, #tpu.memory_space<vmem>>
    %dma_wait3A_316 = arith.constant 0 : i32
    %dma_wait3A_317 = arith.constant 0 : i32
    %dma_wait3A_318 = tpu.memref_slice %arg2[%dma_wait3A_316, %dma_wait3A_317] : memref<100000x128xf32, #tpu.memory_space<hbm>> -> memref<100000x128xf32, #tpu.memory_space<hbm>>
    tpu.wait_indirect_dma semaphore(%arg9 : memref<!tpu.dma_semaphore, #tpu.memory_space<semaphore_mem>>) src(%dma_wait3A_318 : memref<100000x128xf32, #tpu.memory_space<hbm>>) dst(%arg7 : memref<80x128xf32, #tpu.memory_space<vmem>>)
    %add3A_319 = arith.constant 1520 : i32
    %add3A_320 = arith.addi %mul3A_2, %add3A_319 : i32
    "tpu.region"() ({
      %run_scoped3A = tpu.sem_alloc : memref<!tpu.dma_semaphore, #tpu.memory_space<semaphore_mem>>
      %dma_start3A_321 = arith.constant 0 : i32
      %dma_start3A_322 = tpu.memref_slice %arg4[%add3A_320, %dma_start3A_321] : memref<51200x256xf32, #tpu.memory_space<hbm>> -> memref<80x128xf32, #tpu.memory_space<hbm>>
      %dma_start3A_323 = arith.constant 0 : i32
      %dma_start3A_324 = tpu.memref_slice %arg4[%add3A_320, %dma_start3A_323] : memref<51200x256xf32, #tpu.memory_space<hbm>> -> memref<80x128xf32, #tpu.memory_space<hbm>>
      tpu.enqueue_dma source(%arg7 : memref<80x128xf32, #tpu.memory_space<vmem>>) target(%dma_start3A_324 : memref<80x128xf32, #tpu.memory_space<hbm>>) target_semaphore(%run_scoped3A : memref<!tpu.dma_semaphore, #tpu.memory_space<semaphore_mem>>)
      %dma_wait3A_325 = arith.constant 0 : i32
      %dma_wait3A_326 = tpu.memref_slice %arg4[%add3A_320, %dma_wait3A_325] : memref<51200x256xf32, #tpu.memory_space<hbm>> -> memref<80x128xf32, #tpu.memory_space<hbm>>
      %dma_wait3A_327 = arith.constant 0 : i32
      %dma_wait3A_328 = tpu.memref_slice %arg4[%add3A_320, %dma_wait3A_327] : memref<51200x256xf32, #tpu.memory_space<hbm>> -> memref<80x128xf32, #tpu.memory_space<hbm>>
      tpu.wait_dma2 semaphore(%run_scoped3A : memref<!tpu.dma_semaphore, #tpu.memory_space<semaphore_mem>>) src(%arg7 : memref<80x128xf32, #tpu.memory_space<vmem>>) dst(%dma_wait3A_328 : memref<80x128xf32, #tpu.memory_space<hbm>>)
      tpu.yield
    }) : () -> ()
    return
  }
}

module attributes {stable_mosaic.version = 14 : i64} {
  func.func @_tc_body(%arg0: i32, %arg1: memref<51200x256xf32, #tpu.memory_space<hbm>>, %arg2: memref<320x128xi16, #tpu.memory_space<vmem>>, %arg3: memref<262x16xf32, #tpu.memory_space<vmem>>, %arg4: memref<80x128xf32, #tpu.memory_space<vmem>>, %arg5: memref<1x128xf32, #tpu.memory_space<vmem>>, %arg6: memref<2560x128xf32, #tpu.memory_space<vmem>>) attributes {dimension_semantics = [#tpu.dimension_semantics<arbitrary>], iteration_bounds = array<i64: 20>, scalar_prefetch = 0 : i64, scratch_operands = 0 : i64, tpu.core_type = #tpu.core_type<tc>, window_params = [{}, {transform_indices = @transform_1, window_bounds = array<i64: 320, 128>}, {pipeline_mode = #tpu.pipeline_mode<synchronous>, transform_indices = @transform_2, window_bounds = array<i64: 262, 16>}, {pipeline_mode = #tpu.pipeline_mode<synchronous>, transform_indices = @transform_3, window_bounds = array<i64: 80, 128>}, {pipeline_mode = #tpu.pipeline_mode<synchronous>, transform_indices = @transform_4, window_bounds = array<i64: 1, 128>}, {transform_indices = @transform_5, window_bounds = array<i64: 2560, 128>}]} {
    %get3A = arith.constant 0 : index
    %get3A_0 = arith.constant 0 : index
    %get3A_1 = vector.load %arg2[%get3A, %get3A_0] : memref<320x128xi16, #tpu.memory_space<vmem>>, vector<320x128xi16>
    %slice3A = vector.extract_strided_slice %get3A_1 {offsets = [0, 0], sizes = [1, 128], strides = [1, 1]} : vector<320x128xi16> to vector<1x128xi16>
    %slice3A_2 = vector.extract_strided_slice %get3A_1 {offsets = [16, 0], sizes = [1, 128], strides = [1, 1]} : vector<320x128xi16> to vector<1x128xi16>
    %slice3A_3 = vector.extract_strided_slice %get3A_1 {offsets = [32, 0], sizes = [1, 128], strides = [1, 1]} : vector<320x128xi16> to vector<1x128xi16>
    %slice3A_4 = vector.extract_strided_slice %get3A_1 {offsets = [48, 0], sizes = [1, 128], strides = [1, 1]} : vector<320x128xi16> to vector<1x128xi16>
    %slice3A_5 = vector.extract_strided_slice %get3A_1 {offsets = [64, 0], sizes = [1, 128], strides = [1, 1]} : vector<320x128xi16> to vector<1x128xi16>
    %slice3A_6 = vector.extract_strided_slice %get3A_1 {offsets = [80, 0], sizes = [1, 128], strides = [1, 1]} : vector<320x128xi16> to vector<1x128xi16>
    %slice3A_7 = vector.extract_strided_slice %get3A_1 {offsets = [96, 0], sizes = [1, 128], strides = [1, 1]} : vector<320x128xi16> to vector<1x128xi16>
    %slice3A_8 = vector.extract_strided_slice %get3A_1 {offsets = [112, 0], sizes = [1, 128], strides = [1, 1]} : vector<320x128xi16> to vector<1x128xi16>
    %slice3A_9 = vector.extract_strided_slice %get3A_1 {offsets = [128, 0], sizes = [1, 128], strides = [1, 1]} : vector<320x128xi16> to vector<1x128xi16>
    %slice3A_10 = vector.extract_strided_slice %get3A_1 {offsets = [144, 0], sizes = [1, 128], strides = [1, 1]} : vector<320x128xi16> to vector<1x128xi16>
    %slice3A_11 = vector.extract_strided_slice %get3A_1 {offsets = [160, 0], sizes = [1, 128], strides = [1, 1]} : vector<320x128xi16> to vector<1x128xi16>
    %slice3A_12 = vector.extract_strided_slice %get3A_1 {offsets = [176, 0], sizes = [1, 128], strides = [1, 1]} : vector<320x128xi16> to vector<1x128xi16>
    %slice3A_13 = vector.extract_strided_slice %get3A_1 {offsets = [192, 0], sizes = [1, 128], strides = [1, 1]} : vector<320x128xi16> to vector<1x128xi16>
    %slice3A_14 = vector.extract_strided_slice %get3A_1 {offsets = [208, 0], sizes = [1, 128], strides = [1, 1]} : vector<320x128xi16> to vector<1x128xi16>
    %slice3A_15 = vector.extract_strided_slice %get3A_1 {offsets = [224, 0], sizes = [1, 128], strides = [1, 1]} : vector<320x128xi16> to vector<1x128xi16>
    %slice3A_16 = vector.extract_strided_slice %get3A_1 {offsets = [240, 0], sizes = [1, 128], strides = [1, 1]} : vector<320x128xi16> to vector<1x128xi16>
    %slice3A_17 = vector.extract_strided_slice %get3A_1 {offsets = [256, 0], sizes = [1, 128], strides = [1, 1]} : vector<320x128xi16> to vector<1x128xi16>
    %slice3A_18 = vector.extract_strided_slice %get3A_1 {offsets = [272, 0], sizes = [1, 128], strides = [1, 1]} : vector<320x128xi16> to vector<1x128xi16>
    %slice3A_19 = vector.extract_strided_slice %get3A_1 {offsets = [288, 0], sizes = [1, 128], strides = [1, 1]} : vector<320x128xi16> to vector<1x128xi16>
    %slice3A_20 = vector.extract_strided_slice %get3A_1 {offsets = [304, 0], sizes = [1, 128], strides = [1, 1]} : vector<320x128xi16> to vector<1x128xi16>
    %slice3A_21 = vector.extract_strided_slice %get3A_1 {offsets = [1, 0], sizes = [1, 128], strides = [1, 1]} : vector<320x128xi16> to vector<1x128xi16>
    %slice3A_22 = vector.extract_strided_slice %get3A_1 {offsets = [17, 0], sizes = [1, 128], strides = [1, 1]} : vector<320x128xi16> to vector<1x128xi16>
    %slice3A_23 = vector.extract_strided_slice %get3A_1 {offsets = [33, 0], sizes = [1, 128], strides = [1, 1]} : vector<320x128xi16> to vector<1x128xi16>
    %slice3A_24 = vector.extract_strided_slice %get3A_1 {offsets = [49, 0], sizes = [1, 128], strides = [1, 1]} : vector<320x128xi16> to vector<1x128xi16>
    %slice3A_25 = vector.extract_strided_slice %get3A_1 {offsets = [65, 0], sizes = [1, 128], strides = [1, 1]} : vector<320x128xi16> to vector<1x128xi16>
    %slice3A_26 = vector.extract_strided_slice %get3A_1 {offsets = [81, 0], sizes = [1, 128], strides = [1, 1]} : vector<320x128xi16> to vector<1x128xi16>
    %slice3A_27 = vector.extract_strided_slice %get3A_1 {offsets = [97, 0], sizes = [1, 128], strides = [1, 1]} : vector<320x128xi16> to vector<1x128xi16>
    %slice3A_28 = vector.extract_strided_slice %get3A_1 {offsets = [113, 0], sizes = [1, 128], strides = [1, 1]} : vector<320x128xi16> to vector<1x128xi16>
    %slice3A_29 = vector.extract_strided_slice %get3A_1 {offsets = [129, 0], sizes = [1, 128], strides = [1, 1]} : vector<320x128xi16> to vector<1x128xi16>
    %slice3A_30 = vector.extract_strided_slice %get3A_1 {offsets = [145, 0], sizes = [1, 128], strides = [1, 1]} : vector<320x128xi16> to vector<1x128xi16>
    %slice3A_31 = vector.extract_strided_slice %get3A_1 {offsets = [161, 0], sizes = [1, 128], strides = [1, 1]} : vector<320x128xi16> to vector<1x128xi16>
    %slice3A_32 = vector.extract_strided_slice %get3A_1 {offsets = [177, 0], sizes = [1, 128], strides = [1, 1]} : vector<320x128xi16> to vector<1x128xi16>
    %slice3A_33 = vector.extract_strided_slice %get3A_1 {offsets = [193, 0], sizes = [1, 128], strides = [1, 1]} : vector<320x128xi16> to vector<1x128xi16>
    %slice3A_34 = vector.extract_strided_slice %get3A_1 {offsets = [209, 0], sizes = [1, 128], strides = [1, 1]} : vector<320x128xi16> to vector<1x128xi16>
    %slice3A_35 = vector.extract_strided_slice %get3A_1 {offsets = [225, 0], sizes = [1, 128], strides = [1, 1]} : vector<320x128xi16> to vector<1x128xi16>
    %slice3A_36 = vector.extract_strided_slice %get3A_1 {offsets = [241, 0], sizes = [1, 128], strides = [1, 1]} : vector<320x128xi16> to vector<1x128xi16>
    %slice3A_37 = vector.extract_strided_slice %get3A_1 {offsets = [257, 0], sizes = [1, 128], strides = [1, 1]} : vector<320x128xi16> to vector<1x128xi16>
    %slice3A_38 = vector.extract_strided_slice %get3A_1 {offsets = [273, 0], sizes = [1, 128], strides = [1, 1]} : vector<320x128xi16> to vector<1x128xi16>
    %slice3A_39 = vector.extract_strided_slice %get3A_1 {offsets = [289, 0], sizes = [1, 128], strides = [1, 1]} : vector<320x128xi16> to vector<1x128xi16>
    %slice3A_40 = vector.extract_strided_slice %get3A_1 {offsets = [305, 0], sizes = [1, 128], strides = [1, 1]} : vector<320x128xi16> to vector<1x128xi16>
    %slice3A_41 = vector.extract_strided_slice %get3A_1 {offsets = [2, 0], sizes = [1, 128], strides = [1, 1]} : vector<320x128xi16> to vector<1x128xi16>
    %slice3A_42 = vector.extract_strided_slice %get3A_1 {offsets = [18, 0], sizes = [1, 128], strides = [1, 1]} : vector<320x128xi16> to vector<1x128xi16>
    %slice3A_43 = vector.extract_strided_slice %get3A_1 {offsets = [34, 0], sizes = [1, 128], strides = [1, 1]} : vector<320x128xi16> to vector<1x128xi16>
    %slice3A_44 = vector.extract_strided_slice %get3A_1 {offsets = [50, 0], sizes = [1, 128], strides = [1, 1]} : vector<320x128xi16> to vector<1x128xi16>
    %slice3A_45 = vector.extract_strided_slice %get3A_1 {offsets = [66, 0], sizes = [1, 128], strides = [1, 1]} : vector<320x128xi16> to vector<1x128xi16>
    %slice3A_46 = vector.extract_strided_slice %get3A_1 {offsets = [82, 0], sizes = [1, 128], strides = [1, 1]} : vector<320x128xi16> to vector<1x128xi16>
    %slice3A_47 = vector.extract_strided_slice %get3A_1 {offsets = [98, 0], sizes = [1, 128], strides = [1, 1]} : vector<320x128xi16> to vector<1x128xi16>
    %slice3A_48 = vector.extract_strided_slice %get3A_1 {offsets = [114, 0], sizes = [1, 128], strides = [1, 1]} : vector<320x128xi16> to vector<1x128xi16>
    %slice3A_49 = vector.extract_strided_slice %get3A_1 {offsets = [130, 0], sizes = [1, 128], strides = [1, 1]} : vector<320x128xi16> to vector<1x128xi16>
    %slice3A_50 = vector.extract_strided_slice %get3A_1 {offsets = [146, 0], sizes = [1, 128], strides = [1, 1]} : vector<320x128xi16> to vector<1x128xi16>
    %slice3A_51 = vector.extract_strided_slice %get3A_1 {offsets = [162, 0], sizes = [1, 128], strides = [1, 1]} : vector<320x128xi16> to vector<1x128xi16>
    %slice3A_52 = vector.extract_strided_slice %get3A_1 {offsets = [178, 0], sizes = [1, 128], strides = [1, 1]} : vector<320x128xi16> to vector<1x128xi16>
    %slice3A_53 = vector.extract_strided_slice %get3A_1 {offsets = [194, 0], sizes = [1, 128], strides = [1, 1]} : vector<320x128xi16> to vector<1x128xi16>
    %slice3A_54 = vector.extract_strided_slice %get3A_1 {offsets = [210, 0], sizes = [1, 128], strides = [1, 1]} : vector<320x128xi16> to vector<1x128xi16>
    %slice3A_55 = vector.extract_strided_slice %get3A_1 {offsets = [226, 0], sizes = [1, 128], strides = [1, 1]} : vector<320x128xi16> to vector<1x128xi16>
    %slice3A_56 = vector.extract_strided_slice %get3A_1 {offsets = [242, 0], sizes = [1, 128], strides = [1, 1]} : vector<320x128xi16> to vector<1x128xi16>
    %slice3A_57 = vector.extract_strided_slice %get3A_1 {offsets = [258, 0], sizes = [1, 128], strides = [1, 1]} : vector<320x128xi16> to vector<1x128xi16>
    %slice3A_58 = vector.extract_strided_slice %get3A_1 {offsets = [274, 0], sizes = [1, 128], strides = [1, 1]} : vector<320x128xi16> to vector<1x128xi16>
    %slice3A_59 = vector.extract_strided_slice %get3A_1 {offsets = [290, 0], sizes = [1, 128], strides = [1, 1]} : vector<320x128xi16> to vector<1x128xi16>
    %slice3A_60 = vector.extract_strided_slice %get3A_1 {offsets = [306, 0], sizes = [1, 128], strides = [1, 1]} : vector<320x128xi16> to vector<1x128xi16>
    %slice3A_61 = vector.extract_strided_slice %get3A_1 {offsets = [3, 0], sizes = [1, 128], strides = [1, 1]} : vector<320x128xi16> to vector<1x128xi16>
    %slice3A_62 = vector.extract_strided_slice %get3A_1 {offsets = [19, 0], sizes = [1, 128], strides = [1, 1]} : vector<320x128xi16> to vector<1x128xi16>
    %slice3A_63 = vector.extract_strided_slice %get3A_1 {offsets = [35, 0], sizes = [1, 128], strides = [1, 1]} : vector<320x128xi16> to vector<1x128xi16>
    %slice3A_64 = vector.extract_strided_slice %get3A_1 {offsets = [51, 0], sizes = [1, 128], strides = [1, 1]} : vector<320x128xi16> to vector<1x128xi16>
    %slice3A_65 = vector.extract_strided_slice %get3A_1 {offsets = [67, 0], sizes = [1, 128], strides = [1, 1]} : vector<320x128xi16> to vector<1x128xi16>
    %slice3A_66 = vector.extract_strided_slice %get3A_1 {offsets = [83, 0], sizes = [1, 128], strides = [1, 1]} : vector<320x128xi16> to vector<1x128xi16>
    %slice3A_67 = vector.extract_strided_slice %get3A_1 {offsets = [99, 0], sizes = [1, 128], strides = [1, 1]} : vector<320x128xi16> to vector<1x128xi16>
    %slice3A_68 = vector.extract_strided_slice %get3A_1 {offsets = [115, 0], sizes = [1, 128], strides = [1, 1]} : vector<320x128xi16> to vector<1x128xi16>
    %slice3A_69 = vector.extract_strided_slice %get3A_1 {offsets = [131, 0], sizes = [1, 128], strides = [1, 1]} : vector<320x128xi16> to vector<1x128xi16>
    %slice3A_70 = vector.extract_strided_slice %get3A_1 {offsets = [147, 0], sizes = [1, 128], strides = [1, 1]} : vector<320x128xi16> to vector<1x128xi16>
    %slice3A_71 = vector.extract_strided_slice %get3A_1 {offsets = [163, 0], sizes = [1, 128], strides = [1, 1]} : vector<320x128xi16> to vector<1x128xi16>
    %slice3A_72 = vector.extract_strided_slice %get3A_1 {offsets = [179, 0], sizes = [1, 128], strides = [1, 1]} : vector<320x128xi16> to vector<1x128xi16>
    %slice3A_73 = vector.extract_strided_slice %get3A_1 {offsets = [195, 0], sizes = [1, 128], strides = [1, 1]} : vector<320x128xi16> to vector<1x128xi16>
    %slice3A_74 = vector.extract_strided_slice %get3A_1 {offsets = [211, 0], sizes = [1, 128], strides = [1, 1]} : vector<320x128xi16> to vector<1x128xi16>
    %slice3A_75 = vector.extract_strided_slice %get3A_1 {offsets = [227, 0], sizes = [1, 128], strides = [1, 1]} : vector<320x128xi16> to vector<1x128xi16>
    %slice3A_76 = vector.extract_strided_slice %get3A_1 {offsets = [243, 0], sizes = [1, 128], strides = [1, 1]} : vector<320x128xi16> to vector<1x128xi16>
    %slice3A_77 = vector.extract_strided_slice %get3A_1 {offsets = [259, 0], sizes = [1, 128], strides = [1, 1]} : vector<320x128xi16> to vector<1x128xi16>
    %slice3A_78 = vector.extract_strided_slice %get3A_1 {offsets = [275, 0], sizes = [1, 128], strides = [1, 1]} : vector<320x128xi16> to vector<1x128xi16>
    %slice3A_79 = vector.extract_strided_slice %get3A_1 {offsets = [291, 0], sizes = [1, 128], strides = [1, 1]} : vector<320x128xi16> to vector<1x128xi16>
    %slice3A_80 = vector.extract_strided_slice %get3A_1 {offsets = [307, 0], sizes = [1, 128], strides = [1, 1]} : vector<320x128xi16> to vector<1x128xi16>
    %slice3A_81 = vector.extract_strided_slice %get3A_1 {offsets = [4, 0], sizes = [1, 128], strides = [1, 1]} : vector<320x128xi16> to vector<1x128xi16>
    %slice3A_82 = vector.extract_strided_slice %get3A_1 {offsets = [20, 0], sizes = [1, 128], strides = [1, 1]} : vector<320x128xi16> to vector<1x128xi16>
    %slice3A_83 = vector.extract_strided_slice %get3A_1 {offsets = [36, 0], sizes = [1, 128], strides = [1, 1]} : vector<320x128xi16> to vector<1x128xi16>
    %slice3A_84 = vector.extract_strided_slice %get3A_1 {offsets = [52, 0], sizes = [1, 128], strides = [1, 1]} : vector<320x128xi16> to vector<1x128xi16>
    %slice3A_85 = vector.extract_strided_slice %get3A_1 {offsets = [68, 0], sizes = [1, 128], strides = [1, 1]} : vector<320x128xi16> to vector<1x128xi16>
    %slice3A_86 = vector.extract_strided_slice %get3A_1 {offsets = [84, 0], sizes = [1, 128], strides = [1, 1]} : vector<320x128xi16> to vector<1x128xi16>
    %slice3A_87 = vector.extract_strided_slice %get3A_1 {offsets = [100, 0], sizes = [1, 128], strides = [1, 1]} : vector<320x128xi16> to vector<1x128xi16>
    %slice3A_88 = vector.extract_strided_slice %get3A_1 {offsets = [116, 0], sizes = [1, 128], strides = [1, 1]} : vector<320x128xi16> to vector<1x128xi16>
    %slice3A_89 = vector.extract_strided_slice %get3A_1 {offsets = [132, 0], sizes = [1, 128], strides = [1, 1]} : vector<320x128xi16> to vector<1x128xi16>
    %slice3A_90 = vector.extract_strided_slice %get3A_1 {offsets = [148, 0], sizes = [1, 128], strides = [1, 1]} : vector<320x128xi16> to vector<1x128xi16>
    %slice3A_91 = vector.extract_strided_slice %get3A_1 {offsets = [164, 0], sizes = [1, 128], strides = [1, 1]} : vector<320x128xi16> to vector<1x128xi16>
    %slice3A_92 = vector.extract_strided_slice %get3A_1 {offsets = [180, 0], sizes = [1, 128], strides = [1, 1]} : vector<320x128xi16> to vector<1x128xi16>
    %slice3A_93 = vector.extract_strided_slice %get3A_1 {offsets = [196, 0], sizes = [1, 128], strides = [1, 1]} : vector<320x128xi16> to vector<1x128xi16>
    %slice3A_94 = vector.extract_strided_slice %get3A_1 {offsets = [212, 0], sizes = [1, 128], strides = [1, 1]} : vector<320x128xi16> to vector<1x128xi16>
    %slice3A_95 = vector.extract_strided_slice %get3A_1 {offsets = [228, 0], sizes = [1, 128], strides = [1, 1]} : vector<320x128xi16> to vector<1x128xi16>
    %slice3A_96 = vector.extract_strided_slice %get3A_1 {offsets = [244, 0], sizes = [1, 128], strides = [1, 1]} : vector<320x128xi16> to vector<1x128xi16>
    %slice3A_97 = vector.extract_strided_slice %get3A_1 {offsets = [260, 0], sizes = [1, 128], strides = [1, 1]} : vector<320x128xi16> to vector<1x128xi16>
    %slice3A_98 = vector.extract_strided_slice %get3A_1 {offsets = [276, 0], sizes = [1, 128], strides = [1, 1]} : vector<320x128xi16> to vector<1x128xi16>
    %slice3A_99 = vector.extract_strided_slice %get3A_1 {offsets = [292, 0], sizes = [1, 128], strides = [1, 1]} : vector<320x128xi16> to vector<1x128xi16>
    %slice3A_100 = vector.extract_strided_slice %get3A_1 {offsets = [308, 0], sizes = [1, 128], strides = [1, 1]} : vector<320x128xi16> to vector<1x128xi16>
    %slice3A_101 = vector.extract_strided_slice %get3A_1 {offsets = [5, 0], sizes = [1, 128], strides = [1, 1]} : vector<320x128xi16> to vector<1x128xi16>
    %slice3A_102 = vector.extract_strided_slice %get3A_1 {offsets = [21, 0], sizes = [1, 128], strides = [1, 1]} : vector<320x128xi16> to vector<1x128xi16>
    %slice3A_103 = vector.extract_strided_slice %get3A_1 {offsets = [37, 0], sizes = [1, 128], strides = [1, 1]} : vector<320x128xi16> to vector<1x128xi16>
    %slice3A_104 = vector.extract_strided_slice %get3A_1 {offsets = [53, 0], sizes = [1, 128], strides = [1, 1]} : vector<320x128xi16> to vector<1x128xi16>
    %slice3A_105 = vector.extract_strided_slice %get3A_1 {offsets = [69, 0], sizes = [1, 128], strides = [1, 1]} : vector<320x128xi16> to vector<1x128xi16>
    %slice3A_106 = vector.extract_strided_slice %get3A_1 {offsets = [85, 0], sizes = [1, 128], strides = [1, 1]} : vector<320x128xi16> to vector<1x128xi16>
    %slice3A_107 = vector.extract_strided_slice %get3A_1 {offsets = [101, 0], sizes = [1, 128], strides = [1, 1]} : vector<320x128xi16> to vector<1x128xi16>
    %slice3A_108 = vector.extract_strided_slice %get3A_1 {offsets = [117, 0], sizes = [1, 128], strides = [1, 1]} : vector<320x128xi16> to vector<1x128xi16>
    %slice3A_109 = vector.extract_strided_slice %get3A_1 {offsets = [133, 0], sizes = [1, 128], strides = [1, 1]} : vector<320x128xi16> to vector<1x128xi16>
    %slice3A_110 = vector.extract_strided_slice %get3A_1 {offsets = [149, 0], sizes = [1, 128], strides = [1, 1]} : vector<320x128xi16> to vector<1x128xi16>
    %slice3A_111 = vector.extract_strided_slice %get3A_1 {offsets = [165, 0], sizes = [1, 128], strides = [1, 1]} : vector<320x128xi16> to vector<1x128xi16>
    %slice3A_112 = vector.extract_strided_slice %get3A_1 {offsets = [181, 0], sizes = [1, 128], strides = [1, 1]} : vector<320x128xi16> to vector<1x128xi16>
    %slice3A_113 = vector.extract_strided_slice %get3A_1 {offsets = [197, 0], sizes = [1, 128], strides = [1, 1]} : vector<320x128xi16> to vector<1x128xi16>
    %slice3A_114 = vector.extract_strided_slice %get3A_1 {offsets = [213, 0], sizes = [1, 128], strides = [1, 1]} : vector<320x128xi16> to vector<1x128xi16>
    %slice3A_115 = vector.extract_strided_slice %get3A_1 {offsets = [229, 0], sizes = [1, 128], strides = [1, 1]} : vector<320x128xi16> to vector<1x128xi16>
    %slice3A_116 = vector.extract_strided_slice %get3A_1 {offsets = [245, 0], sizes = [1, 128], strides = [1, 1]} : vector<320x128xi16> to vector<1x128xi16>
    %slice3A_117 = vector.extract_strided_slice %get3A_1 {offsets = [261, 0], sizes = [1, 128], strides = [1, 1]} : vector<320x128xi16> to vector<1x128xi16>
    %slice3A_118 = vector.extract_strided_slice %get3A_1 {offsets = [277, 0], sizes = [1, 128], strides = [1, 1]} : vector<320x128xi16> to vector<1x128xi16>
    %slice3A_119 = vector.extract_strided_slice %get3A_1 {offsets = [293, 0], sizes = [1, 128], strides = [1, 1]} : vector<320x128xi16> to vector<1x128xi16>
    %slice3A_120 = vector.extract_strided_slice %get3A_1 {offsets = [309, 0], sizes = [1, 128], strides = [1, 1]} : vector<320x128xi16> to vector<1x128xi16>
    %slice3A_121 = vector.extract_strided_slice %get3A_1 {offsets = [6, 0], sizes = [1, 128], strides = [1, 1]} : vector<320x128xi16> to vector<1x128xi16>
    %slice3A_122 = vector.extract_strided_slice %get3A_1 {offsets = [22, 0], sizes = [1, 128], strides = [1, 1]} : vector<320x128xi16> to vector<1x128xi16>
    %slice3A_123 = vector.extract_strided_slice %get3A_1 {offsets = [38, 0], sizes = [1, 128], strides = [1, 1]} : vector<320x128xi16> to vector<1x128xi16>
    %slice3A_124 = vector.extract_strided_slice %get3A_1 {offsets = [54, 0], sizes = [1, 128], strides = [1, 1]} : vector<320x128xi16> to vector<1x128xi16>
    %slice3A_125 = vector.extract_strided_slice %get3A_1 {offsets = [70, 0], sizes = [1, 128], strides = [1, 1]} : vector<320x128xi16> to vector<1x128xi16>
    %slice3A_126 = vector.extract_strided_slice %get3A_1 {offsets = [86, 0], sizes = [1, 128], strides = [1, 1]} : vector<320x128xi16> to vector<1x128xi16>
    %slice3A_127 = vector.extract_strided_slice %get3A_1 {offsets = [102, 0], sizes = [1, 128], strides = [1, 1]} : vector<320x128xi16> to vector<1x128xi16>
    %slice3A_128 = vector.extract_strided_slice %get3A_1 {offsets = [118, 0], sizes = [1, 128], strides = [1, 1]} : vector<320x128xi16> to vector<1x128xi16>
    %slice3A_129 = vector.extract_strided_slice %get3A_1 {offsets = [134, 0], sizes = [1, 128], strides = [1, 1]} : vector<320x128xi16> to vector<1x128xi16>
    %slice3A_130 = vector.extract_strided_slice %get3A_1 {offsets = [150, 0], sizes = [1, 128], strides = [1, 1]} : vector<320x128xi16> to vector<1x128xi16>
    %slice3A_131 = vector.extract_strided_slice %get3A_1 {offsets = [166, 0], sizes = [1, 128], strides = [1, 1]} : vector<320x128xi16> to vector<1x128xi16>
    %slice3A_132 = vector.extract_strided_slice %get3A_1 {offsets = [182, 0], sizes = [1, 128], strides = [1, 1]} : vector<320x128xi16> to vector<1x128xi16>
    %slice3A_133 = vector.extract_strided_slice %get3A_1 {offsets = [198, 0], sizes = [1, 128], strides = [1, 1]} : vector<320x128xi16> to vector<1x128xi16>
    %slice3A_134 = vector.extract_strided_slice %get3A_1 {offsets = [214, 0], sizes = [1, 128], strides = [1, 1]} : vector<320x128xi16> to vector<1x128xi16>
    %slice3A_135 = vector.extract_strided_slice %get3A_1 {offsets = [230, 0], sizes = [1, 128], strides = [1, 1]} : vector<320x128xi16> to vector<1x128xi16>
    %slice3A_136 = vector.extract_strided_slice %get3A_1 {offsets = [246, 0], sizes = [1, 128], strides = [1, 1]} : vector<320x128xi16> to vector<1x128xi16>
    %slice3A_137 = vector.extract_strided_slice %get3A_1 {offsets = [262, 0], sizes = [1, 128], strides = [1, 1]} : vector<320x128xi16> to vector<1x128xi16>
    %slice3A_138 = vector.extract_strided_slice %get3A_1 {offsets = [278, 0], sizes = [1, 128], strides = [1, 1]} : vector<320x128xi16> to vector<1x128xi16>
    %slice3A_139 = vector.extract_strided_slice %get3A_1 {offsets = [294, 0], sizes = [1, 128], strides = [1, 1]} : vector<320x128xi16> to vector<1x128xi16>
    %slice3A_140 = vector.extract_strided_slice %get3A_1 {offsets = [310, 0], sizes = [1, 128], strides = [1, 1]} : vector<320x128xi16> to vector<1x128xi16>
    %slice3A_141 = vector.extract_strided_slice %get3A_1 {offsets = [7, 0], sizes = [1, 128], strides = [1, 1]} : vector<320x128xi16> to vector<1x128xi16>
    %slice3A_142 = vector.extract_strided_slice %get3A_1 {offsets = [23, 0], sizes = [1, 128], strides = [1, 1]} : vector<320x128xi16> to vector<1x128xi16>
    %slice3A_143 = vector.extract_strided_slice %get3A_1 {offsets = [39, 0], sizes = [1, 128], strides = [1, 1]} : vector<320x128xi16> to vector<1x128xi16>
    %slice3A_144 = vector.extract_strided_slice %get3A_1 {offsets = [55, 0], sizes = [1, 128], strides = [1, 1]} : vector<320x128xi16> to vector<1x128xi16>
    %slice3A_145 = vector.extract_strided_slice %get3A_1 {offsets = [71, 0], sizes = [1, 128], strides = [1, 1]} : vector<320x128xi16> to vector<1x128xi16>
    %slice3A_146 = vector.extract_strided_slice %get3A_1 {offsets = [87, 0], sizes = [1, 128], strides = [1, 1]} : vector<320x128xi16> to vector<1x128xi16>
    %slice3A_147 = vector.extract_strided_slice %get3A_1 {offsets = [103, 0], sizes = [1, 128], strides = [1, 1]} : vector<320x128xi16> to vector<1x128xi16>
    %slice3A_148 = vector.extract_strided_slice %get3A_1 {offsets = [119, 0], sizes = [1, 128], strides = [1, 1]} : vector<320x128xi16> to vector<1x128xi16>
    %slice3A_149 = vector.extract_strided_slice %get3A_1 {offsets = [135, 0], sizes = [1, 128], strides = [1, 1]} : vector<320x128xi16> to vector<1x128xi16>
    %slice3A_150 = vector.extract_strided_slice %get3A_1 {offsets = [151, 0], sizes = [1, 128], strides = [1, 1]} : vector<320x128xi16> to vector<1x128xi16>
    %slice3A_151 = vector.extract_strided_slice %get3A_1 {offsets = [167, 0], sizes = [1, 128], strides = [1, 1]} : vector<320x128xi16> to vector<1x128xi16>
    %slice3A_152 = vector.extract_strided_slice %get3A_1 {offsets = [183, 0], sizes = [1, 128], strides = [1, 1]} : vector<320x128xi16> to vector<1x128xi16>
    %slice3A_153 = vector.extract_strided_slice %get3A_1 {offsets = [199, 0], sizes = [1, 128], strides = [1, 1]} : vector<320x128xi16> to vector<1x128xi16>
    %slice3A_154 = vector.extract_strided_slice %get3A_1 {offsets = [215, 0], sizes = [1, 128], strides = [1, 1]} : vector<320x128xi16> to vector<1x128xi16>
    %slice3A_155 = vector.extract_strided_slice %get3A_1 {offsets = [231, 0], sizes = [1, 128], strides = [1, 1]} : vector<320x128xi16> to vector<1x128xi16>
    %slice3A_156 = vector.extract_strided_slice %get3A_1 {offsets = [247, 0], sizes = [1, 128], strides = [1, 1]} : vector<320x128xi16> to vector<1x128xi16>
    %slice3A_157 = vector.extract_strided_slice %get3A_1 {offsets = [263, 0], sizes = [1, 128], strides = [1, 1]} : vector<320x128xi16> to vector<1x128xi16>
    %slice3A_158 = vector.extract_strided_slice %get3A_1 {offsets = [279, 0], sizes = [1, 128], strides = [1, 1]} : vector<320x128xi16> to vector<1x128xi16>
    %slice3A_159 = vector.extract_strided_slice %get3A_1 {offsets = [295, 0], sizes = [1, 128], strides = [1, 1]} : vector<320x128xi16> to vector<1x128xi16>
    %slice3A_160 = vector.extract_strided_slice %get3A_1 {offsets = [311, 0], sizes = [1, 128], strides = [1, 1]} : vector<320x128xi16> to vector<1x128xi16>
    %slice3A_161 = vector.extract_strided_slice %get3A_1 {offsets = [8, 0], sizes = [1, 128], strides = [1, 1]} : vector<320x128xi16> to vector<1x128xi16>
    %slice3A_162 = vector.extract_strided_slice %get3A_1 {offsets = [24, 0], sizes = [1, 128], strides = [1, 1]} : vector<320x128xi16> to vector<1x128xi16>
    %slice3A_163 = vector.extract_strided_slice %get3A_1 {offsets = [40, 0], sizes = [1, 128], strides = [1, 1]} : vector<320x128xi16> to vector<1x128xi16>
    %slice3A_164 = vector.extract_strided_slice %get3A_1 {offsets = [56, 0], sizes = [1, 128], strides = [1, 1]} : vector<320x128xi16> to vector<1x128xi16>
    %slice3A_165 = vector.extract_strided_slice %get3A_1 {offsets = [72, 0], sizes = [1, 128], strides = [1, 1]} : vector<320x128xi16> to vector<1x128xi16>
    %slice3A_166 = vector.extract_strided_slice %get3A_1 {offsets = [88, 0], sizes = [1, 128], strides = [1, 1]} : vector<320x128xi16> to vector<1x128xi16>
    %slice3A_167 = vector.extract_strided_slice %get3A_1 {offsets = [104, 0], sizes = [1, 128], strides = [1, 1]} : vector<320x128xi16> to vector<1x128xi16>
    %slice3A_168 = vector.extract_strided_slice %get3A_1 {offsets = [120, 0], sizes = [1, 128], strides = [1, 1]} : vector<320x128xi16> to vector<1x128xi16>
    %slice3A_169 = vector.extract_strided_slice %get3A_1 {offsets = [136, 0], sizes = [1, 128], strides = [1, 1]} : vector<320x128xi16> to vector<1x128xi16>
    %slice3A_170 = vector.extract_strided_slice %get3A_1 {offsets = [152, 0], sizes = [1, 128], strides = [1, 1]} : vector<320x128xi16> to vector<1x128xi16>
    %slice3A_171 = vector.extract_strided_slice %get3A_1 {offsets = [168, 0], sizes = [1, 128], strides = [1, 1]} : vector<320x128xi16> to vector<1x128xi16>
    %slice3A_172 = vector.extract_strided_slice %get3A_1 {offsets = [184, 0], sizes = [1, 128], strides = [1, 1]} : vector<320x128xi16> to vector<1x128xi16>
    %slice3A_173 = vector.extract_strided_slice %get3A_1 {offsets = [200, 0], sizes = [1, 128], strides = [1, 1]} : vector<320x128xi16> to vector<1x128xi16>
    %slice3A_174 = vector.extract_strided_slice %get3A_1 {offsets = [216, 0], sizes = [1, 128], strides = [1, 1]} : vector<320x128xi16> to vector<1x128xi16>
    %slice3A_175 = vector.extract_strided_slice %get3A_1 {offsets = [232, 0], sizes = [1, 128], strides = [1, 1]} : vector<320x128xi16> to vector<1x128xi16>
    %slice3A_176 = vector.extract_strided_slice %get3A_1 {offsets = [248, 0], sizes = [1, 128], strides = [1, 1]} : vector<320x128xi16> to vector<1x128xi16>
    %slice3A_177 = vector.extract_strided_slice %get3A_1 {offsets = [264, 0], sizes = [1, 128], strides = [1, 1]} : vector<320x128xi16> to vector<1x128xi16>
    %slice3A_178 = vector.extract_strided_slice %get3A_1 {offsets = [280, 0], sizes = [1, 128], strides = [1, 1]} : vector<320x128xi16> to vector<1x128xi16>
    %slice3A_179 = vector.extract_strided_slice %get3A_1 {offsets = [296, 0], sizes = [1, 128], strides = [1, 1]} : vector<320x128xi16> to vector<1x128xi16>
    %slice3A_180 = vector.extract_strided_slice %get3A_1 {offsets = [312, 0], sizes = [1, 128], strides = [1, 1]} : vector<320x128xi16> to vector<1x128xi16>
    %slice3A_181 = vector.extract_strided_slice %get3A_1 {offsets = [9, 0], sizes = [1, 128], strides = [1, 1]} : vector<320x128xi16> to vector<1x128xi16>
    %slice3A_182 = vector.extract_strided_slice %get3A_1 {offsets = [25, 0], sizes = [1, 128], strides = [1, 1]} : vector<320x128xi16> to vector<1x128xi16>
    %slice3A_183 = vector.extract_strided_slice %get3A_1 {offsets = [41, 0], sizes = [1, 128], strides = [1, 1]} : vector<320x128xi16> to vector<1x128xi16>
    %slice3A_184 = vector.extract_strided_slice %get3A_1 {offsets = [57, 0], sizes = [1, 128], strides = [1, 1]} : vector<320x128xi16> to vector<1x128xi16>
    %slice3A_185 = vector.extract_strided_slice %get3A_1 {offsets = [73, 0], sizes = [1, 128], strides = [1, 1]} : vector<320x128xi16> to vector<1x128xi16>
    %slice3A_186 = vector.extract_strided_slice %get3A_1 {offsets = [89, 0], sizes = [1, 128], strides = [1, 1]} : vector<320x128xi16> to vector<1x128xi16>
    %slice3A_187 = vector.extract_strided_slice %get3A_1 {offsets = [105, 0], sizes = [1, 128], strides = [1, 1]} : vector<320x128xi16> to vector<1x128xi16>
    %slice3A_188 = vector.extract_strided_slice %get3A_1 {offsets = [121, 0], sizes = [1, 128], strides = [1, 1]} : vector<320x128xi16> to vector<1x128xi16>
    %slice3A_189 = vector.extract_strided_slice %get3A_1 {offsets = [137, 0], sizes = [1, 128], strides = [1, 1]} : vector<320x128xi16> to vector<1x128xi16>
    %slice3A_190 = vector.extract_strided_slice %get3A_1 {offsets = [153, 0], sizes = [1, 128], strides = [1, 1]} : vector<320x128xi16> to vector<1x128xi16>
    %slice3A_191 = vector.extract_strided_slice %get3A_1 {offsets = [169, 0], sizes = [1, 128], strides = [1, 1]} : vector<320x128xi16> to vector<1x128xi16>
    %slice3A_192 = vector.extract_strided_slice %get3A_1 {offsets = [185, 0], sizes = [1, 128], strides = [1, 1]} : vector<320x128xi16> to vector<1x128xi16>
    %slice3A_193 = vector.extract_strided_slice %get3A_1 {offsets = [201, 0], sizes = [1, 128], strides = [1, 1]} : vector<320x128xi16> to vector<1x128xi16>
    %slice3A_194 = vector.extract_strided_slice %get3A_1 {offsets = [217, 0], sizes = [1, 128], strides = [1, 1]} : vector<320x128xi16> to vector<1x128xi16>
    %slice3A_195 = vector.extract_strided_slice %get3A_1 {offsets = [233, 0], sizes = [1, 128], strides = [1, 1]} : vector<320x128xi16> to vector<1x128xi16>
    %slice3A_196 = vector.extract_strided_slice %get3A_1 {offsets = [249, 0], sizes = [1, 128], strides = [1, 1]} : vector<320x128xi16> to vector<1x128xi16>
    %slice3A_197 = vector.extract_strided_slice %get3A_1 {offsets = [265, 0], sizes = [1, 128], strides = [1, 1]} : vector<320x128xi16> to vector<1x128xi16>
    %slice3A_198 = vector.extract_strided_slice %get3A_1 {offsets = [281, 0], sizes = [1, 128], strides = [1, 1]} : vector<320x128xi16> to vector<1x128xi16>
    %slice3A_199 = vector.extract_strided_slice %get3A_1 {offsets = [297, 0], sizes = [1, 128], strides = [1, 1]} : vector<320x128xi16> to vector<1x128xi16>
    %slice3A_200 = vector.extract_strided_slice %get3A_1 {offsets = [313, 0], sizes = [1, 128], strides = [1, 1]} : vector<320x128xi16> to vector<1x128xi16>
    %slice3A_201 = vector.extract_strided_slice %get3A_1 {offsets = [10, 0], sizes = [1, 128], strides = [1, 1]} : vector<320x128xi16> to vector<1x128xi16>
    %slice3A_202 = vector.extract_strided_slice %get3A_1 {offsets = [26, 0], sizes = [1, 128], strides = [1, 1]} : vector<320x128xi16> to vector<1x128xi16>
    %slice3A_203 = vector.extract_strided_slice %get3A_1 {offsets = [42, 0], sizes = [1, 128], strides = [1, 1]} : vector<320x128xi16> to vector<1x128xi16>
    %slice3A_204 = vector.extract_strided_slice %get3A_1 {offsets = [58, 0], sizes = [1, 128], strides = [1, 1]} : vector<320x128xi16> to vector<1x128xi16>
    %slice3A_205 = vector.extract_strided_slice %get3A_1 {offsets = [74, 0], sizes = [1, 128], strides = [1, 1]} : vector<320x128xi16> to vector<1x128xi16>
    %slice3A_206 = vector.extract_strided_slice %get3A_1 {offsets = [90, 0], sizes = [1, 128], strides = [1, 1]} : vector<320x128xi16> to vector<1x128xi16>
    %slice3A_207 = vector.extract_strided_slice %get3A_1 {offsets = [106, 0], sizes = [1, 128], strides = [1, 1]} : vector<320x128xi16> to vector<1x128xi16>
    %slice3A_208 = vector.extract_strided_slice %get3A_1 {offsets = [122, 0], sizes = [1, 128], strides = [1, 1]} : vector<320x128xi16> to vector<1x128xi16>
    %slice3A_209 = vector.extract_strided_slice %get3A_1 {offsets = [138, 0], sizes = [1, 128], strides = [1, 1]} : vector<320x128xi16> to vector<1x128xi16>
    %slice3A_210 = vector.extract_strided_slice %get3A_1 {offsets = [154, 0], sizes = [1, 128], strides = [1, 1]} : vector<320x128xi16> to vector<1x128xi16>
    %slice3A_211 = vector.extract_strided_slice %get3A_1 {offsets = [170, 0], sizes = [1, 128], strides = [1, 1]} : vector<320x128xi16> to vector<1x128xi16>
    %slice3A_212 = vector.extract_strided_slice %get3A_1 {offsets = [186, 0], sizes = [1, 128], strides = [1, 1]} : vector<320x128xi16> to vector<1x128xi16>
    %slice3A_213 = vector.extract_strided_slice %get3A_1 {offsets = [202, 0], sizes = [1, 128], strides = [1, 1]} : vector<320x128xi16> to vector<1x128xi16>
    %slice3A_214 = vector.extract_strided_slice %get3A_1 {offsets = [218, 0], sizes = [1, 128], strides = [1, 1]} : vector<320x128xi16> to vector<1x128xi16>
    %slice3A_215 = vector.extract_strided_slice %get3A_1 {offsets = [234, 0], sizes = [1, 128], strides = [1, 1]} : vector<320x128xi16> to vector<1x128xi16>
    %slice3A_216 = vector.extract_strided_slice %get3A_1 {offsets = [250, 0], sizes = [1, 128], strides = [1, 1]} : vector<320x128xi16> to vector<1x128xi16>
    %slice3A_217 = vector.extract_strided_slice %get3A_1 {offsets = [266, 0], sizes = [1, 128], strides = [1, 1]} : vector<320x128xi16> to vector<1x128xi16>
    %slice3A_218 = vector.extract_strided_slice %get3A_1 {offsets = [282, 0], sizes = [1, 128], strides = [1, 1]} : vector<320x128xi16> to vector<1x128xi16>
    %slice3A_219 = vector.extract_strided_slice %get3A_1 {offsets = [298, 0], sizes = [1, 128], strides = [1, 1]} : vector<320x128xi16> to vector<1x128xi16>
    %slice3A_220 = vector.extract_strided_slice %get3A_1 {offsets = [314, 0], sizes = [1, 128], strides = [1, 1]} : vector<320x128xi16> to vector<1x128xi16>
    %slice3A_221 = vector.extract_strided_slice %get3A_1 {offsets = [11, 0], sizes = [1, 128], strides = [1, 1]} : vector<320x128xi16> to vector<1x128xi16>
    %slice3A_222 = vector.extract_strided_slice %get3A_1 {offsets = [27, 0], sizes = [1, 128], strides = [1, 1]} : vector<320x128xi16> to vector<1x128xi16>
    %slice3A_223 = vector.extract_strided_slice %get3A_1 {offsets = [43, 0], sizes = [1, 128], strides = [1, 1]} : vector<320x128xi16> to vector<1x128xi16>
    %slice3A_224 = vector.extract_strided_slice %get3A_1 {offsets = [59, 0], sizes = [1, 128], strides = [1, 1]} : vector<320x128xi16> to vector<1x128xi16>
    %slice3A_225 = vector.extract_strided_slice %get3A_1 {offsets = [75, 0], sizes = [1, 128], strides = [1, 1]} : vector<320x128xi16> to vector<1x128xi16>
    %slice3A_226 = vector.extract_strided_slice %get3A_1 {offsets = [91, 0], sizes = [1, 128], strides = [1, 1]} : vector<320x128xi16> to vector<1x128xi16>
    %slice3A_227 = vector.extract_strided_slice %get3A_1 {offsets = [107, 0], sizes = [1, 128], strides = [1, 1]} : vector<320x128xi16> to vector<1x128xi16>
    %slice3A_228 = vector.extract_strided_slice %get3A_1 {offsets = [123, 0], sizes = [1, 128], strides = [1, 1]} : vector<320x128xi16> to vector<1x128xi16>
    %slice3A_229 = vector.extract_strided_slice %get3A_1 {offsets = [139, 0], sizes = [1, 128], strides = [1, 1]} : vector<320x128xi16> to vector<1x128xi16>
    %slice3A_230 = vector.extract_strided_slice %get3A_1 {offsets = [155, 0], sizes = [1, 128], strides = [1, 1]} : vector<320x128xi16> to vector<1x128xi16>
    %slice3A_231 = vector.extract_strided_slice %get3A_1 {offsets = [171, 0], sizes = [1, 128], strides = [1, 1]} : vector<320x128xi16> to vector<1x128xi16>
    %slice3A_232 = vector.extract_strided_slice %get3A_1 {offsets = [187, 0], sizes = [1, 128], strides = [1, 1]} : vector<320x128xi16> to vector<1x128xi16>
    %slice3A_233 = vector.extract_strided_slice %get3A_1 {offsets = [203, 0], sizes = [1, 128], strides = [1, 1]} : vector<320x128xi16> to vector<1x128xi16>
    %slice3A_234 = vector.extract_strided_slice %get3A_1 {offsets = [219, 0], sizes = [1, 128], strides = [1, 1]} : vector<320x128xi16> to vector<1x128xi16>
    %slice3A_235 = vector.extract_strided_slice %get3A_1 {offsets = [235, 0], sizes = [1, 128], strides = [1, 1]} : vector<320x128xi16> to vector<1x128xi16>
    %slice3A_236 = vector.extract_strided_slice %get3A_1 {offsets = [251, 0], sizes = [1, 128], strides = [1, 1]} : vector<320x128xi16> to vector<1x128xi16>
    %slice3A_237 = vector.extract_strided_slice %get3A_1 {offsets = [267, 0], sizes = [1, 128], strides = [1, 1]} : vector<320x128xi16> to vector<1x128xi16>
    %slice3A_238 = vector.extract_strided_slice %get3A_1 {offsets = [283, 0], sizes = [1, 128], strides = [1, 1]} : vector<320x128xi16> to vector<1x128xi16>
    %slice3A_239 = vector.extract_strided_slice %get3A_1 {offsets = [299, 0], sizes = [1, 128], strides = [1, 1]} : vector<320x128xi16> to vector<1x128xi16>
    %slice3A_240 = vector.extract_strided_slice %get3A_1 {offsets = [315, 0], sizes = [1, 128], strides = [1, 1]} : vector<320x128xi16> to vector<1x128xi16>
    %slice3A_241 = vector.extract_strided_slice %get3A_1 {offsets = [12, 0], sizes = [1, 128], strides = [1, 1]} : vector<320x128xi16> to vector<1x128xi16>
    %slice3A_242 = vector.extract_strided_slice %get3A_1 {offsets = [28, 0], sizes = [1, 128], strides = [1, 1]} : vector<320x128xi16> to vector<1x128xi16>
    %slice3A_243 = vector.extract_strided_slice %get3A_1 {offsets = [44, 0], sizes = [1, 128], strides = [1, 1]} : vector<320x128xi16> to vector<1x128xi16>
    %slice3A_244 = vector.extract_strided_slice %get3A_1 {offsets = [60, 0], sizes = [1, 128], strides = [1, 1]} : vector<320x128xi16> to vector<1x128xi16>
    %slice3A_245 = vector.extract_strided_slice %get3A_1 {offsets = [76, 0], sizes = [1, 128], strides = [1, 1]} : vector<320x128xi16> to vector<1x128xi16>
    %slice3A_246 = vector.extract_strided_slice %get3A_1 {offsets = [92, 0], sizes = [1, 128], strides = [1, 1]} : vector<320x128xi16> to vector<1x128xi16>
    %slice3A_247 = vector.extract_strided_slice %get3A_1 {offsets = [108, 0], sizes = [1, 128], strides = [1, 1]} : vector<320x128xi16> to vector<1x128xi16>
    %slice3A_248 = vector.extract_strided_slice %get3A_1 {offsets = [124, 0], sizes = [1, 128], strides = [1, 1]} : vector<320x128xi16> to vector<1x128xi16>
    %slice3A_249 = vector.extract_strided_slice %get3A_1 {offsets = [140, 0], sizes = [1, 128], strides = [1, 1]} : vector<320x128xi16> to vector<1x128xi16>
    %slice3A_250 = vector.extract_strided_slice %get3A_1 {offsets = [156, 0], sizes = [1, 128], strides = [1, 1]} : vector<320x128xi16> to vector<1x128xi16>
    %slice3A_251 = vector.extract_strided_slice %get3A_1 {offsets = [172, 0], sizes = [1, 128], strides = [1, 1]} : vector<320x128xi16> to vector<1x128xi16>
    %slice3A_252 = vector.extract_strided_slice %get3A_1 {offsets = [188, 0], sizes = [1, 128], strides = [1, 1]} : vector<320x128xi16> to vector<1x128xi16>
    %slice3A_253 = vector.extract_strided_slice %get3A_1 {offsets = [204, 0], sizes = [1, 128], strides = [1, 1]} : vector<320x128xi16> to vector<1x128xi16>
    %slice3A_254 = vector.extract_strided_slice %get3A_1 {offsets = [220, 0], sizes = [1, 128], strides = [1, 1]} : vector<320x128xi16> to vector<1x128xi16>
    %slice3A_255 = vector.extract_strided_slice %get3A_1 {offsets = [236, 0], sizes = [1, 128], strides = [1, 1]} : vector<320x128xi16> to vector<1x128xi16>
    %slice3A_256 = vector.extract_strided_slice %get3A_1 {offsets = [252, 0], sizes = [1, 128], strides = [1, 1]} : vector<320x128xi16> to vector<1x128xi16>
    %slice3A_257 = vector.extract_strided_slice %get3A_1 {offsets = [268, 0], sizes = [1, 128], strides = [1, 1]} : vector<320x128xi16> to vector<1x128xi16>
    %slice3A_258 = vector.extract_strided_slice %get3A_1 {offsets = [284, 0], sizes = [1, 128], strides = [1, 1]} : vector<320x128xi16> to vector<1x128xi16>
    %slice3A_259 = vector.extract_strided_slice %get3A_1 {offsets = [300, 0], sizes = [1, 128], strides = [1, 1]} : vector<320x128xi16> to vector<1x128xi16>
    %slice3A_260 = vector.extract_strided_slice %get3A_1 {offsets = [316, 0], sizes = [1, 128], strides = [1, 1]} : vector<320x128xi16> to vector<1x128xi16>
    %slice3A_261 = vector.extract_strided_slice %get3A_1 {offsets = [13, 0], sizes = [1, 128], strides = [1, 1]} : vector<320x128xi16> to vector<1x128xi16>
    %slice3A_262 = vector.extract_strided_slice %get3A_1 {offsets = [29, 0], sizes = [1, 128], strides = [1, 1]} : vector<320x128xi16> to vector<1x128xi16>
    %slice3A_263 = vector.extract_strided_slice %get3A_1 {offsets = [45, 0], sizes = [1, 128], strides = [1, 1]} : vector<320x128xi16> to vector<1x128xi16>
    %slice3A_264 = vector.extract_strided_slice %get3A_1 {offsets = [61, 0], sizes = [1, 128], strides = [1, 1]} : vector<320x128xi16> to vector<1x128xi16>
    %slice3A_265 = vector.extract_strided_slice %get3A_1 {offsets = [77, 0], sizes = [1, 128], strides = [1, 1]} : vector<320x128xi16> to vector<1x128xi16>
    %slice3A_266 = vector.extract_strided_slice %get3A_1 {offsets = [93, 0], sizes = [1, 128], strides = [1, 1]} : vector<320x128xi16> to vector<1x128xi16>
    %slice3A_267 = vector.extract_strided_slice %get3A_1 {offsets = [109, 0], sizes = [1, 128], strides = [1, 1]} : vector<320x128xi16> to vector<1x128xi16>
    %slice3A_268 = vector.extract_strided_slice %get3A_1 {offsets = [125, 0], sizes = [1, 128], strides = [1, 1]} : vector<320x128xi16> to vector<1x128xi16>
    %slice3A_269 = vector.extract_strided_slice %get3A_1 {offsets = [141, 0], sizes = [1, 128], strides = [1, 1]} : vector<320x128xi16> to vector<1x128xi16>
    %slice3A_270 = vector.extract_strided_slice %get3A_1 {offsets = [157, 0], sizes = [1, 128], strides = [1, 1]} : vector<320x128xi16> to vector<1x128xi16>
    %slice3A_271 = vector.extract_strided_slice %get3A_1 {offsets = [173, 0], sizes = [1, 128], strides = [1, 1]} : vector<320x128xi16> to vector<1x128xi16>
    %slice3A_272 = vector.extract_strided_slice %get3A_1 {offsets = [189, 0], sizes = [1, 128], strides = [1, 1]} : vector<320x128xi16> to vector<1x128xi16>
    %slice3A_273 = vector.extract_strided_slice %get3A_1 {offsets = [205, 0], sizes = [1, 128], strides = [1, 1]} : vector<320x128xi16> to vector<1x128xi16>
    %slice3A_274 = vector.extract_strided_slice %get3A_1 {offsets = [221, 0], sizes = [1, 128], strides = [1, 1]} : vector<320x128xi16> to vector<1x128xi16>
    %slice3A_275 = vector.extract_strided_slice %get3A_1 {offsets = [237, 0], sizes = [1, 128], strides = [1, 1]} : vector<320x128xi16> to vector<1x128xi16>
    %slice3A_276 = vector.extract_strided_slice %get3A_1 {offsets = [253, 0], sizes = [1, 128], strides = [1, 1]} : vector<320x128xi16> to vector<1x128xi16>
    %slice3A_277 = vector.extract_strided_slice %get3A_1 {offsets = [269, 0], sizes = [1, 128], strides = [1, 1]} : vector<320x128xi16> to vector<1x128xi16>
    %slice3A_278 = vector.extract_strided_slice %get3A_1 {offsets = [285, 0], sizes = [1, 128], strides = [1, 1]} : vector<320x128xi16> to vector<1x128xi16>
    %slice3A_279 = vector.extract_strided_slice %get3A_1 {offsets = [301, 0], sizes = [1, 128], strides = [1, 1]} : vector<320x128xi16> to vector<1x128xi16>
    %slice3A_280 = vector.extract_strided_slice %get3A_1 {offsets = [317, 0], sizes = [1, 128], strides = [1, 1]} : vector<320x128xi16> to vector<1x128xi16>
    %slice3A_281 = vector.extract_strided_slice %get3A_1 {offsets = [14, 0], sizes = [1, 128], strides = [1, 1]} : vector<320x128xi16> to vector<1x128xi16>
    %slice3A_282 = vector.extract_strided_slice %get3A_1 {offsets = [30, 0], sizes = [1, 128], strides = [1, 1]} : vector<320x128xi16> to vector<1x128xi16>
    %slice3A_283 = vector.extract_strided_slice %get3A_1 {offsets = [46, 0], sizes = [1, 128], strides = [1, 1]} : vector<320x128xi16> to vector<1x128xi16>
    %slice3A_284 = vector.extract_strided_slice %get3A_1 {offsets = [62, 0], sizes = [1, 128], strides = [1, 1]} : vector<320x128xi16> to vector<1x128xi16>
    %slice3A_285 = vector.extract_strided_slice %get3A_1 {offsets = [78, 0], sizes = [1, 128], strides = [1, 1]} : vector<320x128xi16> to vector<1x128xi16>
    %slice3A_286 = vector.extract_strided_slice %get3A_1 {offsets = [94, 0], sizes = [1, 128], strides = [1, 1]} : vector<320x128xi16> to vector<1x128xi16>
    %slice3A_287 = vector.extract_strided_slice %get3A_1 {offsets = [110, 0], sizes = [1, 128], strides = [1, 1]} : vector<320x128xi16> to vector<1x128xi16>
    %slice3A_288 = vector.extract_strided_slice %get3A_1 {offsets = [126, 0], sizes = [1, 128], strides = [1, 1]} : vector<320x128xi16> to vector<1x128xi16>
    %slice3A_289 = vector.extract_strided_slice %get3A_1 {offsets = [142, 0], sizes = [1, 128], strides = [1, 1]} : vector<320x128xi16> to vector<1x128xi16>
    %slice3A_290 = vector.extract_strided_slice %get3A_1 {offsets = [158, 0], sizes = [1, 128], strides = [1, 1]} : vector<320x128xi16> to vector<1x128xi16>
    %slice3A_291 = vector.extract_strided_slice %get3A_1 {offsets = [174, 0], sizes = [1, 128], strides = [1, 1]} : vector<320x128xi16> to vector<1x128xi16>
    %slice3A_292 = vector.extract_strided_slice %get3A_1 {offsets = [190, 0], sizes = [1, 128], strides = [1, 1]} : vector<320x128xi16> to vector<1x128xi16>
    %slice3A_293 = vector.extract_strided_slice %get3A_1 {offsets = [206, 0], sizes = [1, 128], strides = [1, 1]} : vector<320x128xi16> to vector<1x128xi16>
    %slice3A_294 = vector.extract_strided_slice %get3A_1 {offsets = [222, 0], sizes = [1, 128], strides = [1, 1]} : vector<320x128xi16> to vector<1x128xi16>
    %slice3A_295 = vector.extract_strided_slice %get3A_1 {offsets = [238, 0], sizes = [1, 128], strides = [1, 1]} : vector<320x128xi16> to vector<1x128xi16>
    %slice3A_296 = vector.extract_strided_slice %get3A_1 {offsets = [254, 0], sizes = [1, 128], strides = [1, 1]} : vector<320x128xi16> to vector<1x128xi16>
    %slice3A_297 = vector.extract_strided_slice %get3A_1 {offsets = [270, 0], sizes = [1, 128], strides = [1, 1]} : vector<320x128xi16> to vector<1x128xi16>
    %slice3A_298 = vector.extract_strided_slice %get3A_1 {offsets = [286, 0], sizes = [1, 128], strides = [1, 1]} : vector<320x128xi16> to vector<1x128xi16>
    %slice3A_299 = vector.extract_strided_slice %get3A_1 {offsets = [302, 0], sizes = [1, 128], strides = [1, 1]} : vector<320x128xi16> to vector<1x128xi16>
    %slice3A_300 = vector.extract_strided_slice %get3A_1 {offsets = [318, 0], sizes = [1, 128], strides = [1, 1]} : vector<320x128xi16> to vector<1x128xi16>
    %slice3A_301 = vector.extract_strided_slice %get3A_1 {offsets = [15, 0], sizes = [1, 128], strides = [1, 1]} : vector<320x128xi16> to vector<1x128xi16>
    %slice3A_302 = vector.extract_strided_slice %get3A_1 {offsets = [31, 0], sizes = [1, 128], strides = [1, 1]} : vector<320x128xi16> to vector<1x128xi16>
    %slice3A_303 = vector.extract_strided_slice %get3A_1 {offsets = [47, 0], sizes = [1, 128], strides = [1, 1]} : vector<320x128xi16> to vector<1x128xi16>
    %slice3A_304 = vector.extract_strided_slice %get3A_1 {offsets = [63, 0], sizes = [1, 128], strides = [1, 1]} : vector<320x128xi16> to vector<1x128xi16>
    %slice3A_305 = vector.extract_strided_slice %get3A_1 {offsets = [79, 0], sizes = [1, 128], strides = [1, 1]} : vector<320x128xi16> to vector<1x128xi16>
    %slice3A_306 = vector.extract_strided_slice %get3A_1 {offsets = [95, 0], sizes = [1, 128], strides = [1, 1]} : vector<320x128xi16> to vector<1x128xi16>
    %slice3A_307 = vector.extract_strided_slice %get3A_1 {offsets = [111, 0], sizes = [1, 128], strides = [1, 1]} : vector<320x128xi16> to vector<1x128xi16>
    %slice3A_308 = vector.extract_strided_slice %get3A_1 {offsets = [127, 0], sizes = [1, 128], strides = [1, 1]} : vector<320x128xi16> to vector<1x128xi16>
    %slice3A_309 = vector.extract_strided_slice %get3A_1 {offsets = [143, 0], sizes = [1, 128], strides = [1, 1]} : vector<320x128xi16> to vector<1x128xi16>
    %slice3A_310 = vector.extract_strided_slice %get3A_1 {offsets = [159, 0], sizes = [1, 128], strides = [1, 1]} : vector<320x128xi16> to vector<1x128xi16>
    %slice3A_311 = vector.extract_strided_slice %get3A_1 {offsets = [175, 0], sizes = [1, 128], strides = [1, 1]} : vector<320x128xi16> to vector<1x128xi16>
    %slice3A_312 = vector.extract_strided_slice %get3A_1 {offsets = [191, 0], sizes = [1, 128], strides = [1, 1]} : vector<320x128xi16> to vector<1x128xi16>
    %slice3A_313 = vector.extract_strided_slice %get3A_1 {offsets = [207, 0], sizes = [1, 128], strides = [1, 1]} : vector<320x128xi16> to vector<1x128xi16>
    %slice3A_314 = vector.extract_strided_slice %get3A_1 {offsets = [223, 0], sizes = [1, 128], strides = [1, 1]} : vector<320x128xi16> to vector<1x128xi16>
    %slice3A_315 = vector.extract_strided_slice %get3A_1 {offsets = [239, 0], sizes = [1, 128], strides = [1, 1]} : vector<320x128xi16> to vector<1x128xi16>
    %slice3A_316 = vector.extract_strided_slice %get3A_1 {offsets = [255, 0], sizes = [1, 128], strides = [1, 1]} : vector<320x128xi16> to vector<1x128xi16>
    %slice3A_317 = vector.extract_strided_slice %get3A_1 {offsets = [271, 0], sizes = [1, 128], strides = [1, 1]} : vector<320x128xi16> to vector<1x128xi16>
    %slice3A_318 = vector.extract_strided_slice %get3A_1 {offsets = [287, 0], sizes = [1, 128], strides = [1, 1]} : vector<320x128xi16> to vector<1x128xi16>
    %slice3A_319 = vector.extract_strided_slice %get3A_1 {offsets = [303, 0], sizes = [1, 128], strides = [1, 1]} : vector<320x128xi16> to vector<1x128xi16>
    %slice3A_320 = vector.extract_strided_slice %get3A_1 {offsets = [319, 0], sizes = [1, 128], strides = [1, 1]} : vector<320x128xi16> to vector<1x128xi16>
    %concatenate3A = tpu.concatenate %slice3A, %slice3A_2, %slice3A_3, %slice3A_4, %slice3A_5, %slice3A_6, %slice3A_7, %slice3A_8, %slice3A_9, %slice3A_10, %slice3A_11, %slice3A_12, %slice3A_13, %slice3A_14, %slice3A_15, %slice3A_16, %slice3A_17, %slice3A_18, %slice3A_19, %slice3A_20, %slice3A_21, %slice3A_22, %slice3A_23, %slice3A_24, %slice3A_25, %slice3A_26, %slice3A_27, %slice3A_28, %slice3A_29, %slice3A_30, %slice3A_31, %slice3A_32, %slice3A_33, %slice3A_34, %slice3A_35, %slice3A_36, %slice3A_37, %slice3A_38, %slice3A_39, %slice3A_40, %slice3A_41, %slice3A_42, %slice3A_43, %slice3A_44, %slice3A_45, %slice3A_46, %slice3A_47, %slice3A_48, %slice3A_49, %slice3A_50, %slice3A_51, %slice3A_52, %slice3A_53, %slice3A_54, %slice3A_55, %slice3A_56, %slice3A_57, %slice3A_58, %slice3A_59, %slice3A_60, %slice3A_61, %slice3A_62, %slice3A_63, %slice3A_64, %slice3A_65, %slice3A_66, %slice3A_67, %slice3A_68, %slice3A_69, %slice3A_70, %slice3A_71, %slice3A_72, %slice3A_73, %slice3A_74, %slice3A_75, %slice3A_76, %slice3A_77, %slice3A_78, %slice3A_79, %slice3A_80, %slice3A_81, %slice3A_82, %slice3A_83, %slice3A_84, %slice3A_85, %slice3A_86, %slice3A_87, %slice3A_88, %slice3A_89, %slice3A_90, %slice3A_91, %slice3A_92, %slice3A_93, %slice3A_94, %slice3A_95, %slice3A_96, %slice3A_97, %slice3A_98, %slice3A_99, %slice3A_100, %slice3A_101, %slice3A_102, %slice3A_103, %slice3A_104, %slice3A_105, %slice3A_106, %slice3A_107, %slice3A_108, %slice3A_109, %slice3A_110, %slice3A_111, %slice3A_112, %slice3A_113, %slice3A_114, %slice3A_115, %slice3A_116, %slice3A_117, %slice3A_118, %slice3A_119, %slice3A_120, %slice3A_121, %slice3A_122, %slice3A_123, %slice3A_124, %slice3A_125, %slice3A_126, %slice3A_127, %slice3A_128, %slice3A_129, %slice3A_130, %slice3A_131, %slice3A_132, %slice3A_133, %slice3A_134, %slice3A_135, %slice3A_136, %slice3A_137, %slice3A_138, %slice3A_139, %slice3A_140, %slice3A_141, %slice3A_142, %slice3A_143, %slice3A_144, %slice3A_145, %slice3A_146, %slice3A_147, %slice3A_148, %slice3A_149, %slice3A_150, %slice3A_151, %slice3A_152, %slice3A_153, %slice3A_154, %slice3A_155, %slice3A_156, %slice3A_157, %slice3A_158, %slice3A_159, %slice3A_160, %slice3A_161, %slice3A_162, %slice3A_163, %slice3A_164, %slice3A_165, %slice3A_166, %slice3A_167, %slice3A_168, %slice3A_169, %slice3A_170, %slice3A_171, %slice3A_172, %slice3A_173, %slice3A_174, %slice3A_175, %slice3A_176, %slice3A_177, %slice3A_178, %slice3A_179, %slice3A_180, %slice3A_181, %slice3A_182, %slice3A_183, %slice3A_184, %slice3A_185, %slice3A_186, %slice3A_187, %slice3A_188, %slice3A_189, %slice3A_190, %slice3A_191, %slice3A_192, %slice3A_193, %slice3A_194, %slice3A_195, %slice3A_196, %slice3A_197, %slice3A_198, %slice3A_199, %slice3A_200, %slice3A_201, %slice3A_202, %slice3A_203, %slice3A_204, %slice3A_205, %slice3A_206, %slice3A_207, %slice3A_208, %slice3A_209, %slice3A_210, %slice3A_211, %slice3A_212, %slice3A_213, %slice3A_214, %slice3A_215, %slice3A_216, %slice3A_217, %slice3A_218, %slice3A_219, %slice3A_220, %slice3A_221, %slice3A_222, %slice3A_223, %slice3A_224, %slice3A_225, %slice3A_226, %slice3A_227, %slice3A_228, %slice3A_229, %slice3A_230, %slice3A_231, %slice3A_232, %slice3A_233, %slice3A_234, %slice3A_235, %slice3A_236, %slice3A_237, %slice3A_238, %slice3A_239, %slice3A_240, %slice3A_241, %slice3A_242, %slice3A_243, %slice3A_244, %slice3A_245, %slice3A_246, %slice3A_247, %slice3A_248, %slice3A_249, %slice3A_250, %slice3A_251, %slice3A_252, %slice3A_253, %slice3A_254, %slice3A_255, %slice3A_256, %slice3A_257, %slice3A_258, %slice3A_259, %slice3A_260, %slice3A_261, %slice3A_262, %slice3A_263, %slice3A_264, %slice3A_265, %slice3A_266, %slice3A_267, %slice3A_268, %slice3A_269, %slice3A_270, %slice3A_271, %slice3A_272, %slice3A_273, %slice3A_274, %slice3A_275, %slice3A_276, %slice3A_277, %slice3A_278, %slice3A_279, %slice3A_280, %slice3A_281, %slice3A_282, %slice3A_283, %slice3A_284, %slice3A_285, %slice3A_286, %slice3A_287, %slice3A_288, %slice3A_289, %slice3A_290, %slice3A_291, %slice3A_292, %slice3A_293, %slice3A_294, %slice3A_295, %slice3A_296, %slice3A_297, %slice3A_298, %slice3A_299, %slice3A_300, %slice3A_301, %slice3A_302, %slice3A_303, %slice3A_304, %slice3A_305, %slice3A_306, %slice3A_307, %slice3A_308, %slice3A_309, %slice3A_310, %slice3A_311, %slice3A_312, %slice3A_313, %slice3A_314, %slice3A_315, %slice3A_316, %slice3A_317, %slice3A_318, %slice3A_319, %slice3A_320 in 1 : vector<1x128xi16>, vector<1x128xi16>, vector<1x128xi16>, vector<1x128xi16>, vector<1x128xi16>, vector<1x128xi16>, vector<1x128xi16>, vector<1x128xi16>, vector<1x128xi16>, vector<1x128xi16>, vector<1x128xi16>, vector<1x128xi16>, vector<1x128xi16>, vector<1x128xi16>, vector<1x128xi16>, vector<1x128xi16>, vector<1x128xi16>, vector<1x128xi16>, vector<1x128xi16>, vector<1x128xi16>, vector<1x128xi16>, vector<1x128xi16>, vector<1x128xi16>, vector<1x128xi16>, vector<1x128xi16>, vector<1x128xi16>, vector<1x128xi16>, vector<1x128xi16>, vector<1x128xi16>, vector<1x128xi16>, vector<1x128xi16>, vector<1x128xi16>, vector<1x128xi16>, vector<1x128xi16>, vector<1x128xi16>, vector<1x128xi16>, vector<1x128xi16>, vector<1x128xi16>, vector<1x128xi16>, vector<1x128xi16>, vector<1x128xi16>, vector<1x128xi16>, vector<1x128xi16>, vector<1x128xi16>, vector<1x128xi16>, vector<1x128xi16>, vector<1x128xi16>, vector<1x128xi16>, vector<1x128xi16>, vector<1x128xi16>, vector<1x128xi16>, vector<1x128xi16>, vector<1x128xi16>, vector<1x128xi16>, vector<1x128xi16>, vector<1x128xi16>, vector<1x128xi16>, vector<1x128xi16>, vector<1x128xi16>, vector<1x128xi16>, vector<1x128xi16>, vector<1x128xi16>, vector<1x128xi16>, vector<1x128xi16>, vector<1x128xi16>, vector<1x128xi16>, vector<1x128xi16>, vector<1x128xi16>, vector<1x128xi16>, vector<1x128xi16>, vector<1x128xi16>, vector<1x128xi16>, vector<1x128xi16>, vector<1x128xi16>, vector<1x128xi16>, vector<1x128xi16>, vector<1x128xi16>, vector<1x128xi16>, vector<1x128xi16>, vector<1x128xi16>, vector<1x128xi16>, vector<1x128xi16>, vector<1x128xi16>, vector<1x128xi16>, vector<1x128xi16>, vector<1x128xi16>, vector<1x128xi16>, vector<1x128xi16>, vector<1x128xi16>, vector<1x128xi16>, vector<1x128xi16>, vector<1x128xi16>, vector<1x128xi16>, vector<1x128xi16>, vector<1x128xi16>, vector<1x128xi16>, vector<1x128xi16>, vector<1x128xi16>, vector<1x128xi16>, vector<1x128xi16>, vector<1x128xi16>, vector<1x128xi16>, vector<1x128xi16>, vector<1x128xi16>, vector<1x128xi16>, vector<1x128xi16>, vector<1x128xi16>, vector<1x128xi16>, vector<1x128xi16>, vector<1x128xi16>, vector<1x128xi16>, vector<1x128xi16>, vector<1x128xi16>, vector<1x128xi16>, vector<1x128xi16>, vector<1x128xi16>, vector<1x128xi16>, vector<1x128xi16>, vector<1x128xi16>, vector<1x128xi16>, vector<1x128xi16>, vector<1x128xi16>, vector<1x128xi16>, vector<1x128xi16>, vector<1x128xi16>, vector<1x128xi16>, vector<1x128xi16>, vector<1x128xi16>, vector<1x128xi16>, vector<1x128xi16>, vector<1x128xi16>, vector<1x128xi16>, vector<1x128xi16>, vector<1x128xi16>, vector<1x128xi16>, vector<1x128xi16>, vector<1x128xi16>, vector<1x128xi16>, vector<1x128xi16>, vector<1x128xi16>, vector<1x128xi16>, vector<1x128xi16>, vector<1x128xi16>, vector<1x128xi16>, vector<1x128xi16>, vector<1x128xi16>, vector<1x128xi16>, vector<1x128xi16>, vector<1x128xi16>, vector<1x128xi16>, vector<1x128xi16>, vector<1x128xi16>, vector<1x128xi16>, vector<1x128xi16>, vector<1x128xi16>, vector<1x128xi16>, vector<1x128xi16>, vector<1x128xi16>, vector<1x128xi16>, vector<1x128xi16>, vector<1x128xi16>, vector<1x128xi16>, vector<1x128xi16>, vector<1x128xi16>, vector<1x128xi16>, vector<1x128xi16>, vector<1x128xi16>, vector<1x128xi16>, vector<1x128xi16>, vector<1x128xi16>, vector<1x128xi16>, vector<1x128xi16>, vector<1x128xi16>, vector<1x128xi16>, vector<1x128xi16>, vector<1x128xi16>, vector<1x128xi16>, vector<1x128xi16>, vector<1x128xi16>, vector<1x128xi16>, vector<1x128xi16>, vector<1x128xi16>, vector<1x128xi16>, vector<1x128xi16>, vector<1x128xi16>, vector<1x128xi16>, vector<1x128xi16>, vector<1x128xi16>, vector<1x128xi16>, vector<1x128xi16>, vector<1x128xi16>, vector<1x128xi16>, vector<1x128xi16>, vector<1x128xi16>, vector<1x128xi16>, vector<1x128xi16>, vector<1x128xi16>, vector<1x128xi16>, vector<1x128xi16>, vector<1x128xi16>, vector<1x128xi16>, vector<1x128xi16>, vector<1x128xi16>, vector<1x128xi16>, vector<1x128xi16>, vector<1x128xi16>, vector<1x128xi16>, vector<1x128xi16>, vector<1x128xi16>, vector<1x128xi16>, vector<1x128xi16>, vector<1x128xi16>, vector<1x128xi16>, vector<1x128xi16>, vector<1x128xi16>, vector<1x128xi16>, vector<1x128xi16>, vector<1x128xi16>, vector<1x128xi16>, vector<1x128xi16>, vector<1x128xi16>, vector<1x128xi16>, vector<1x128xi16>, vector<1x128xi16>, vector<1x128xi16>, vector<1x128xi16>, vector<1x128xi16>, vector<1x128xi16>, vector<1x128xi16>, vector<1x128xi16>, vector<1x128xi16>, vector<1x128xi16>, vector<1x128xi16>, vector<1x128xi16>, vector<1x128xi16>, vector<1x128xi16>, vector<1x128xi16>, vector<1x128xi16>, vector<1x128xi16>, vector<1x128xi16>, vector<1x128xi16>, vector<1x128xi16>, vector<1x128xi16>, vector<1x128xi16>, vector<1x128xi16>, vector<1x128xi16>, vector<1x128xi16>, vector<1x128xi16>, vector<1x128xi16>, vector<1x128xi16>, vector<1x128xi16>, vector<1x128xi16>, vector<1x128xi16>, vector<1x128xi16>, vector<1x128xi16>, vector<1x128xi16>, vector<1x128xi16>, vector<1x128xi16>, vector<1x128xi16>, vector<1x128xi16>, vector<1x128xi16>, vector<1x128xi16>, vector<1x128xi16>, vector<1x128xi16>, vector<1x128xi16>, vector<1x128xi16>, vector<1x128xi16>, vector<1x128xi16>, vector<1x128xi16>, vector<1x128xi16>, vector<1x128xi16>, vector<1x128xi16>, vector<1x128xi16>, vector<1x128xi16>, vector<1x128xi16>, vector<1x128xi16>, vector<1x128xi16>, vector<1x128xi16>, vector<1x128xi16>, vector<1x128xi16>, vector<1x128xi16>, vector<1x128xi16>, vector<1x128xi16>, vector<1x128xi16>, vector<1x128xi16>, vector<1x128xi16>, vector<1x128xi16>, vector<1x128xi16>, vector<1x128xi16>, vector<1x128xi16>, vector<1x128xi16>, vector<1x128xi16>, vector<1x128xi16>, vector<1x128xi16>, vector<1x128xi16>, vector<1x128xi16>, vector<1x128xi16>, vector<1x128xi16>, vector<1x128xi16>, vector<1x128xi16>, vector<1x128xi16>, vector<1x128xi16>, vector<1x128xi16>, vector<1x128xi16>, vector<1x128xi16>, vector<1x128xi16>, vector<1x128xi16>, vector<1x128xi16>, vector<1x128xi16>, vector<1x128xi16>, vector<1x128xi16>, vector<1x128xi16>, vector<1x128xi16>, vector<1x128xi16>, vector<1x128xi16>, vector<1x128xi16>, vector<1x128xi16>, vector<1x128xi16>, vector<1x128xi16>, vector<1x128xi16> -> vector<1x40960xi16>
    %get3A_321 = arith.constant 0 : index
    %get3A_322 = arith.constant 0 : index
    %get3A_323 = vector.load %arg3[%get3A_321, %get3A_322] : memref<262x16xf32, #tpu.memory_space<vmem>>, vector<262x16xf32>
    %transpose3A = tpu.transpose %get3A_323, [1, 0] : vector<262x16xf32> -> vector<16x262xf32>
    %convert_element_type3A = arith.truncf %transpose3A : vector<16x262xf32> to vector<16x262xbf16>
    %get3A_324 = arith.constant 0 : index
    %get3A_325 = arith.constant 0 : index
    %get3A_326 = vector.load %arg4[%get3A_324, %get3A_325] : memref<80x128xf32, #tpu.memory_space<vmem>>, vector<80x128xf32>
    %get3A_327 = arith.constant 0 : index
    %get3A_328 = arith.constant 0 : index
    %get3A_329 = vector.load %arg5[%get3A_327, %get3A_328] : memref<1x128xf32, #tpu.memory_space<vmem>>, vector<1x128xf32>
    %concatenate3A_330 = tpu.concatenate %get3A_326, %get3A_329 in 0 : vector<80x128xf32>, vector<1x128xf32> -> vector<81x128xf32>
    %convert_element_type3A_331 = arith.truncf %concatenate3A_330 : vector<81x128xf32> to vector<81x128xbf16>
    %iota3A = tpu.iota {dimensions = array<i32: 0>} : vector<262x40960xi16>
    %eq3A = vector.broadcast %concatenate3A : vector<1x40960xi16> to vector<262x40960xi16>
    %eq3A_332 = arith.cmpi eq, %eq3A, %iota3A : vector<262x40960xi16>
    %jit3A = arith.constant 1.000000e+00 : bf16
    %jit3A_333 = arith.constant 0.000000e+00 : bf16
    %broadcast_in_dim3A = vector.broadcast %jit3A : bf16 to vector<262x40960xbf16>
    %broadcast_in_dim3A_334 = vector.broadcast %jit3A_333 : bf16 to vector<262x40960xbf16>
    %select_n3A = arith.select %eq3A_332, %broadcast_in_dim3A, %broadcast_in_dim3A_334 : vector<262x40960xi1>, vector<262x40960xbf16>
    %dot_general3A = arith.constant dense<0.000000e+00> : vector<16x40960xf32>
    %dot_general3A_335 = tpu.matmul %convert_element_type3A, %select_n3A, %dot_general3A {dimension_numbers = #tpu.dot_dimension_numbers<[1], [0], [0], [1], [0, 0, 1, 1], [], []>, transpose_lhs_hint = false} : vector<16x262xbf16>, vector<262x40960xbf16>, vector<16x40960xf32> -> vector<16x40960xf32>
    %convert_element_type3A_336 = arith.truncf %dot_general3A_335 : vector<16x40960xf32> to vector<16x40960xbf16>
    %broadcast_in_dim3A_337 = arith.constant 0.000000e+00 : bf16
    %broadcast_in_dim3A_338 = vector.broadcast %broadcast_in_dim3A_337 : bf16 to vector<16x5120xbf16>
    %slice3A_339 = vector.extract_strided_slice %convert_element_type3A_336 {offsets = [0, 0], sizes = [16, 35840], strides = [1, 1]} : vector<16x40960xbf16> to vector<16x35840xbf16>
    %concatenate3A_340 = tpu.concatenate %broadcast_in_dim3A_338, %slice3A_339 in 1 : vector<16x5120xbf16>, vector<16x35840xbf16> -> vector<16x40960xbf16>
    %slice3A_341 = vector.extract_strided_slice %broadcast_in_dim3A_338 {offsets = [0, 0], sizes = [16, 2560], strides = [1, 1]} : vector<16x5120xbf16> to vector<16x2560xbf16>
    %slice3A_342 = vector.extract_strided_slice %convert_element_type3A_336 {offsets = [0, 0], sizes = [16, 38400], strides = [1, 1]} : vector<16x40960xbf16> to vector<16x38400xbf16>
    %concatenate3A_343 = tpu.concatenate %slice3A_341, %slice3A_342 in 1 : vector<16x2560xbf16>, vector<16x38400xbf16> -> vector<16x40960xbf16>
    %slice3A_344 = vector.extract_strided_slice %convert_element_type3A_336 {offsets = [0, 2560], sizes = [16, 38400], strides = [1, 1]} : vector<16x40960xbf16> to vector<16x38400xbf16>
    %slice3A_345 = vector.extract_strided_slice %broadcast_in_dim3A_338 {offsets = [0, 0], sizes = [16, 2560], strides = [1, 1]} : vector<16x5120xbf16> to vector<16x2560xbf16>
    %concatenate3A_346 = tpu.concatenate %slice3A_344, %slice3A_345 in 1 : vector<16x38400xbf16>, vector<16x2560xbf16> -> vector<16x40960xbf16>
    %slice3A_347 = vector.extract_strided_slice %convert_element_type3A_336 {offsets = [0, 5120], sizes = [16, 35840], strides = [1, 1]} : vector<16x40960xbf16> to vector<16x35840xbf16>
    %concatenate3A_348 = tpu.concatenate %slice3A_347, %broadcast_in_dim3A_338 in 1 : vector<16x35840xbf16>, vector<16x5120xbf16> -> vector<16x40960xbf16>
    %broadcast_in_dim3A_349 = arith.constant 1.000000e+00 : bf16
    %broadcast_in_dim3A_350 = vector.broadcast %broadcast_in_dim3A_349 : bf16 to vector<1x40960xbf16>
    %concatenate3A_351 = tpu.concatenate %concatenate3A_340, %concatenate3A_343, %convert_element_type3A_336, %concatenate3A_346, %concatenate3A_348, %broadcast_in_dim3A_350 in 0 : vector<16x40960xbf16>, vector<16x40960xbf16>, vector<16x40960xbf16>, vector<16x40960xbf16>, vector<16x40960xbf16>, vector<1x40960xbf16> -> vector<81x40960xbf16>
    %dot_general3A_352 = arith.constant dense<0.000000e+00> : vector<128x40960xf32>
    %dot_general3A_353 = tpu.matmul %convert_element_type3A_331, %concatenate3A_351, %dot_general3A_352 {dimension_numbers = #tpu.dot_dimension_numbers<[0], [0], [1], [1], [0, 1, 1, 1], [], []>, transpose_lhs_hint = false} : vector<81x128xbf16>, vector<81x40960xbf16>, vector<128x40960xf32> -> vector<128x40960xf32>
    %slice3A_354 = vector.extract_strided_slice %dot_general3A_353 {offsets = [0, 0], sizes = [128, 2560], strides = [1, 1]} : vector<128x40960xf32> to vector<128x2560xf32>
    %slice3A_355 = vector.extract_strided_slice %dot_general3A_353 {offsets = [0, 2560], sizes = [128, 2560], strides = [1, 1]} : vector<128x40960xf32> to vector<128x2560xf32>
    %max3A = arith.maximumf %slice3A_354, %slice3A_355 : vector<128x2560xf32>
    %slice3A_356 = vector.extract_strided_slice %dot_general3A_353 {offsets = [0, 5120], sizes = [128, 2560], strides = [1, 1]} : vector<128x40960xf32> to vector<128x2560xf32>
    %max3A_357 = arith.maximumf %max3A, %slice3A_356 : vector<128x2560xf32>
    %slice3A_358 = vector.extract_strided_slice %dot_general3A_353 {offsets = [0, 7680], sizes = [128, 2560], strides = [1, 1]} : vector<128x40960xf32> to vector<128x2560xf32>
    %max3A_359 = arith.maximumf %max3A_357, %slice3A_358 : vector<128x2560xf32>
    %slice3A_360 = vector.extract_strided_slice %dot_general3A_353 {offsets = [0, 10240], sizes = [128, 2560], strides = [1, 1]} : vector<128x40960xf32> to vector<128x2560xf32>
    %max3A_361 = arith.maximumf %max3A_359, %slice3A_360 : vector<128x2560xf32>
    %slice3A_362 = vector.extract_strided_slice %dot_general3A_353 {offsets = [0, 12800], sizes = [128, 2560], strides = [1, 1]} : vector<128x40960xf32> to vector<128x2560xf32>
    %max3A_363 = arith.maximumf %max3A_361, %slice3A_362 : vector<128x2560xf32>
    %slice3A_364 = vector.extract_strided_slice %dot_general3A_353 {offsets = [0, 15360], sizes = [128, 2560], strides = [1, 1]} : vector<128x40960xf32> to vector<128x2560xf32>
    %max3A_365 = arith.maximumf %max3A_363, %slice3A_364 : vector<128x2560xf32>
    %slice3A_366 = vector.extract_strided_slice %dot_general3A_353 {offsets = [0, 17920], sizes = [128, 2560], strides = [1, 1]} : vector<128x40960xf32> to vector<128x2560xf32>
    %max3A_367 = arith.maximumf %max3A_365, %slice3A_366 : vector<128x2560xf32>
    %slice3A_368 = vector.extract_strided_slice %dot_general3A_353 {offsets = [0, 20480], sizes = [128, 2560], strides = [1, 1]} : vector<128x40960xf32> to vector<128x2560xf32>
    %max3A_369 = arith.maximumf %max3A_367, %slice3A_368 : vector<128x2560xf32>
    %slice3A_370 = vector.extract_strided_slice %dot_general3A_353 {offsets = [0, 23040], sizes = [128, 2560], strides = [1, 1]} : vector<128x40960xf32> to vector<128x2560xf32>
    %max3A_371 = arith.maximumf %max3A_369, %slice3A_370 : vector<128x2560xf32>
    %slice3A_372 = vector.extract_strided_slice %dot_general3A_353 {offsets = [0, 25600], sizes = [128, 2560], strides = [1, 1]} : vector<128x40960xf32> to vector<128x2560xf32>
    %max3A_373 = arith.maximumf %max3A_371, %slice3A_372 : vector<128x2560xf32>
    %slice3A_374 = vector.extract_strided_slice %dot_general3A_353 {offsets = [0, 28160], sizes = [128, 2560], strides = [1, 1]} : vector<128x40960xf32> to vector<128x2560xf32>
    %max3A_375 = arith.maximumf %max3A_373, %slice3A_374 : vector<128x2560xf32>
    %slice3A_376 = vector.extract_strided_slice %dot_general3A_353 {offsets = [0, 30720], sizes = [128, 2560], strides = [1, 1]} : vector<128x40960xf32> to vector<128x2560xf32>
    %max3A_377 = arith.maximumf %max3A_375, %slice3A_376 : vector<128x2560xf32>
    %slice3A_378 = vector.extract_strided_slice %dot_general3A_353 {offsets = [0, 33280], sizes = [128, 2560], strides = [1, 1]} : vector<128x40960xf32> to vector<128x2560xf32>
    %max3A_379 = arith.maximumf %max3A_377, %slice3A_378 : vector<128x2560xf32>
    %slice3A_380 = vector.extract_strided_slice %dot_general3A_353 {offsets = [0, 35840], sizes = [128, 2560], strides = [1, 1]} : vector<128x40960xf32> to vector<128x2560xf32>
    %max3A_381 = arith.maximumf %max3A_379, %slice3A_380 : vector<128x2560xf32>
    %slice3A_382 = vector.extract_strided_slice %dot_general3A_353 {offsets = [0, 38400], sizes = [128, 2560], strides = [1, 1]} : vector<128x40960xf32> to vector<128x2560xf32>
    %max3A_383 = arith.maximumf %max3A_381, %slice3A_382 : vector<128x2560xf32>
    %max3A_384 = arith.constant 0.000000e+00 : f32
    %max3A_385 = vector.broadcast %max3A_384 : f32 to vector<128x2560xf32>
    %max3A_386 = arith.maximumf %max3A_383, %max3A_385 : vector<128x2560xf32>
    %transpose3A_387 = tpu.transpose %max3A_386, [1, 0] : vector<128x2560xf32> -> vector<2560x128xf32>
    %swap3A = arith.constant 0 : index
    %swap3A_388 = arith.constant 0 : index
    %swap3A_389 = vector.load %arg6[%swap3A, %swap3A_388] : memref<2560x128xf32, #tpu.memory_space<vmem>>, vector<2560x128xf32>
    tpu.vector_store %arg6[%swap3A, %swap3A_388], %transpose3A_387 {strides = array<i32>} : memref<2560x128xf32, #tpu.memory_space<vmem>>, vector<2560x128xf32>,
    return
  }
  func.func @transform_1(%arg0: i32) -> (i32, i32) {
    %c0_i32 = arith.constant 0 : i32
    %c0_i32_0 = arith.constant 0 : i32
    return %arg0, %c0_i32 : i32, i32
  }
  func.func @transform_2(%arg0: i32) -> (i32, i32) {
    %c0_i32 = arith.constant 0 : i32
    %c0_i32_0 = arith.constant 0 : i32
    %c0_i32_1 = arith.constant 0 : i32
    return %c0_i32, %c0_i32_0 : i32, i32
  }
  func.func @transform_3(%arg0: i32) -> (i32, i32) {
    %c0_i32 = arith.constant 0 : i32
    %c0_i32_0 = arith.constant 0 : i32
    %c0_i32_1 = arith.constant 0 : i32
    return %c0_i32, %c0_i32_0 : i32, i32
  }
  func.func @transform_4(%arg0: i32) -> (i32, i32) {
    %c0_i32 = arith.constant 0 : i32
    %c0_i32_0 = arith.constant 0 : i32
    %c0_i32_1 = arith.constant 0 : i32
    return %c0_i32, %c0_i32_0 : i32, i32
  }
  func.func @transform_5(%arg0: i32) -> (i32, i32) {
    %c1_i32 = arith.constant 1 : i32
    %c0_i32 = arith.constant 0 : i32
    return %arg0, %c1_i32 : i32, i32
  }
}

</mosaic_0001>

<sc_bundles>
// kernel: _run.4.cloned.1.call-start
scs
__scs_entry_jumppad:
0x0: {  	(pc) =	sbr.rel $0x88, $3  }
0x1: {  	(tag) =	ssettag $0x0;
	lr =	simm.s32 $0x1  }
0x2: {  	[smem:$0x3F9B] =	sst lr;
	_ =	strace $0xD0000000  }
0x3: {  	_ = 	snop  }
0x4: {  	_ = 	snop  }
0x5: {  	_ = 	snop  }
0x6: {  	_ = 	snop  }
0x7: {  	_ = 	snop  }
__scs_overlays_trampoline_lowered:
0x8: {  	[smem:$0x3FAA] =	sst s0  }
0x9: {  	[smem:$0x3FAB] =	sst s1  }
0xa: {  	[smem:$0x3FAC] =	sst s2  }
0xb: {  	[smem:$0x3FAD] =	sst s3  }
0xc: {  	[smem:$0x3FAE] =	sst s4  }
0xd: {  	[smem:$0x3FAF] =	sst s5  }
0xe: {  	[smem:$0x3FB0] =	sst s6  }
0xf: {  	[smem:$0x3FB1] =	sst s7  }
0x10: {  	[smem:$0x3FB2] =	sst s8  }
0x11: {  	[smem:$0x3FB3] =	sst s9;
	s0 =	simm.s32 @!p0 $0x0  }
0x12: {  	s1 =	sld [smem:$0x3F99];
	s0 =	simm.s32 @p0 $0x1  }
0x13: {  	[smem:$0x3FB4] =	sst s0;
	s0 =	simm.s32 @!p1 $0x0  }
0x14: {  	s2 =	sld [smem:$0x3F98];
	s0 =	simm.s32 @p1 $0x1  }
0x15: {  	[smem:$0x3FB5] =	sst s0;
	s0 =	simm.s32 @!p2 $0x0  }
0x16: {  	s3 =	sld [smem:$0x3FDB];
	s0 =	simm.s32 @p2 $0x1  }
0x17: {  	s4 =	simm.s32 $0x1BF5;
	[smem:$0x3FB7] =	sst s0  }
0x18: {  	s0 =	sld [smem:$0x3F9A];
	_ =	swait.ge [sflag:s4], $0x0  }
0x19: {  	s7 =	sld [smem:$0x3F9B]  }
0x1a: {  	s8 =	sadd.s32 $0xFFFFE003, lr  }
0x1b: {  	s9 =	sadd.s32 $0xFFFFFEF7, lr;
	s5 =	simm.s32 $0xFFFFFFFF;
	p2 =	slt.u32 s8, $0xFFFFF086  }
0x1c: {  	p1 =	slt.u32 s9, $0xF7A;
	s5 =	simm.s32 @!p2 $0x0  }
0x1d: {  	s5 =	simm.s32 @p1 $0x1;
	p0 =	seq.s32 s7, s2  }
0x1e: {  	s7 =	smul.u32 @!p0 $0xF7A, s2;
	p2 =	seq.s32 @!p0 s5, $0x0  }
0x1f: {  	s9 =	smul.u32 $0xF7A, s1;
	s8 =	simm.s32 @!p0 $0x1BF5;
	p2 =	por !p2, p0  }
0x20: {  	[sflag:s8] =	ssyncset.s32 @!p0 $0xFFFFF086;
	s6 =	sadd.s32 @!p0 s3, s7;
	s7 =	simm.s32 @!p0 $0x108  }
0x21: {  	s3 =	sadd.s32 s3, s9;
	s6 =	sadd.s32 @!p0 $0x88, s6;
	s7 =	simm.s32 @p2 $0x1082  }
0x22: {  	[simem:s7], [sflag:s8] =	dma.local @!p0 [hbm:s6], $0xF7A  }
0x23: {  	s9 =	sor.u32 $0xD0000000, s2;
	s6 =	simm.s32 $0x108;
	_ =	swait.ge @!p0 [sflag:s8], $0x0  }
0x24: {  	s3 =	sadd.s32 $0x88, s3;
	s6 =	simm.s32 @!p1 $0x1082;
	[sflag:s4] =	ssyncset.s32 $0xFFFFF086  }
0x25: {  	[simem:s6], [sflag:s4] =	dma.local [hbm:s3], $0xF7A  }
0x26: {  	[smem:$0x3F9B] =	sst s1;
	(tag) =	ssettag s2;
	_ =	strace s9  }
0x27: {  	s1 =	sld [smem:$0x3FAB]  }
0x28: {  	s2 =	sld [smem:$0x3FAC]  }
0x29: {  	s4 =	sld [smem:$0x3FAE]  }
0x2a: {  	p0 =	seq.s32 s5, $0x0;
	s5 =	sld [smem:$0x3FAF]  }
0x2b: {  	s6 =	sld [smem:$0x3FB0]  }
0x2c: {  	s7 =	sld [smem:$0x3FB1]  }
0x2d: {  	s3 =	simm.s32 $0x108;
	s8 =	sld [smem:$0x3FB2]  }
0x2e: {  	s3 =	simm.s32 @!p0 $0x1082;
	s9 =	sld [smem:$0x3FB3]  }
0x2f: {  	lr =	sadd.s32 s0, s3;
	s0 =	sld [smem:$0x3FAA]  }
0x30: {  	s3 =	sld [smem:$0x3FAD]  }
0x31: {  	[smem:$0x3FB6] =	sst s10  }
0x32: {  	s10 =	sld [smem:$0x3FB4];
	_ =	sdelay $0x3  }
0x33: {  	p0 =	seq.s32 s10, $0x1;
	s10 =	sld [smem:$0x3FB6];
	_ =	sdelay $0x3  }
0x34: {  	[smem:$0x3FB6] =	sst s10  }
0x35: {  	s10 =	sld [smem:$0x3FB5];
	_ =	sdelay $0x3  }
0x36: {  	p1 =	seq.s32 s10, $0x1;
	s10 =	sld [smem:$0x3FB6];
	_ =	sdelay $0x3  }
0x37: {  	[smem:$0x3FB6] =	sst s10  }
0x38: {  	s10 =	sld [smem:$0x3FB7]  }
0x39: {  	_ = 	snop;
	(pc) =	sbr.ind lr, $3  }
0x3a: {  	_ = 	snop  }
0x3b: {  	_ = 	snop  }
0x3c: {  	p2 =	seq.s32 s10, $0x1;
	s10 =	sld [smem:$0x3FB6]  }
0x3d: {  	_ =	shalt  }
0x3e: {  	_ =	shalt  }
0x3f: {  	_ =	shalt  }
0x40: {  	_ =	shalt  }
0x41: {  	_ =	shalt  }
0x42: {  	_ =	shalt  }
0x43: {  	_ =	shalt  }
0x44: {  	_ =	shalt  }
0x45: {  	_ =	shalt  }
0x46: {  	_ =	shalt  }
0x47: {  	_ =	shalt  }
0x48: {  	_ =	shalt  }
0x49: {  	_ =	shalt  }
0x4a: {  	_ =	shalt  }
0x4b: {  	_ =	shalt  }
0x4c: {  	_ =	shalt  }
0x4d: {  	_ =	shalt  }
0x4e: {  	_ =	shalt  }
0x4f: {  	_ =	shalt  }
0x50: {  	_ =	shalt  }
0x51: {  	_ =	shalt  }
0x52: {  	_ =	shalt  }
0x53: {  	_ =	shalt  }
0x54: {  	_ =	shalt  }
0x55: {  	_ =	shalt  }
0x56: {  	_ =	shalt  }
0x57: {  	_ =	shalt  }
0x58: {  	_ =	shalt  }
0x59: {  	_ =	shalt  }
0x5a: {  	_ =	shalt  }
0x5b: {  	_ =	shalt  }
0x5c: {  	_ =	shalt  }
0x5d: {  	_ =	shalt  }
0x5e: {  	_ =	shalt  }
0x5f: {  	_ =	shalt  }
0x60: {  	_ =	shalt  }
0x61: {  	_ =	shalt  }
0x62: {  	_ =	shalt  }
0x63: {  	_ =	shalt  }
0x64: {  	_ =	shalt  }
0x65: {  	_ =	shalt  }
0x66: {  	_ =	shalt  }
0x67: {  	_ =	shalt  }
0x68: {  	_ =	shalt  }
0x69: {  	_ =	shalt  }
0x6a: {  	_ =	shalt  }
0x6b: {  	_ =	shalt  }
0x6c: {  	_ =	shalt  }
0x6d: {  	_ =	shalt  }
0x6e: {  	_ =	shalt  }
0x6f: {  	_ =	shalt  }
0x70: {  	_ =	shalt  }
0x71: {  	_ =	shalt  }
0x72: {  	_ =	shalt  }
0x73: {  	_ =	shalt  }
0x74: {  	_ =	shalt  }
0x75: {  	_ =	shalt  }
0x76: {  	_ =	shalt  }
0x77: {  	_ =	shalt  }
0x78: {  	_ =	shalt  }
0x79: {  	_ =	shalt  }
0x7a: {  	_ =	shalt  }
0x7b: {  	_ =	shalt  }
0x7c: {  	_ =	shalt  }
0x7d: {  	_ =	shalt  }
0x7e: {  	_ =	shalt  }
0x7f: {  	_ =	shalt  }
0x80: {  	_ =	shalt  }
0x81: {  	_ =	shalt  }
0x82: {  	_ =	shalt  }
0x83: {  	_ =	shalt  }
0x84: {  	_ =	shalt  }
0x85: {  	_ =	shalt  }
0x86: {  	_ =	shalt  }
0x87: {  	_ =	shalt  }
.Lfunc_end0:
.L_simem_size_0:
called_computation.1_lowered:
.L_overlay_start_0:
0x88: {  	s2 =	sld [smem:$0x3FD9]  }
0x89: {  	s3 =	sld [smem:$0x3FFE];
	_ =	sdelay $0x1  }
0x8a: {  	s1 =	srdreg.scid  }
0x8b: {  	s0 =	sand.u32 $0x1, s1  }
0x8c: {  	s17 =	sshll.u32 s0, $0xA;
	s2 =	sadd.s32 s3, s2  }
0x8d: {  	s2 =	sadd.s32 s2, s17  }
0x8e: {  	[smem:$0x3FC2] =	sst s2  }
0x8f: {  	_ = 	snop  }
0x90: {  	s2 =	sld [smem:$0x3FC7]  }
0x91: {  	s18 =	sld [smem:$0x3FD0];
	(tm) =	ssettm $0x1  }
0x92: {  	s4 =	sld [smem:$0x3FFB];
	_ =	sdelay $0x3  }
0x93: {  	_ =	strace s4  }
0x94: {  	s4 =	sld [smem:$0x3FFC];
	_ =	sdelay $0x3  }
0x95: {  	_ =	strace s4  }
0x96: {  	s4 =	sld [smem:$0x3FFD];
	_ =	sdelay $0x3  }
0x97: {  	_ =	strace s4  }
0x98: {  	_ =	strace $0x8FFFFFFF  }
0x99: {  	s19 =	sld [smem:$0x3FDB];
	_ =	sdelay $0x1  }
0x9a: {  	s5 =	simm.s32 $_scs_section_size  }
0x9b: {  	s6 =	simm.s32 $_size__tile_overlayer_lowered;
	s7 =	simm.s32 $_tile_overlayer_lowered  }
0x9c: {  	s22 =	simm.s32 $0x1BFF;
	s21 =	sshll.u32 s7, $0x1;
	s4 =	sadd.s32 s5, s19  }
0x9d: {  	s8 =	simm.s32 $0x0;
	s20 =	sshll.u32 s6, $0x1;
	s6 =	sadd.s32 s21, s4  }
0x9e: {  	[timem:s8], [sflag:s22] =	dma.local [hbm:s6], s20  }
0x9f: {  	_ =	swait.ge [sflag:s22], s20  }
0xa0: {  	s5 =	ssub.s32 $0x0, s20;
	[sflag:s22] =	ssyncset.done $0x0  }
0xa1: {  	[sflag:s22] =	ssyncadd.s32 s5;
	_ =	sdelay $0x1  }
0xa2: {  	s23 =	simm.s32 $0x1B8B  }
0xa3: {  	_ =	swait.ge [sflag:s23], $0x1  }
0xa4: {  	[sflag:s23] =	ssyncset.done $0x0  }
0xa5: {  	s25 =	simm.s32 $0x1B8E;
	s24 =	sld [smem:$0x3FFE];
	[sflag:s23] =	ssyncadd.s32 $0xFFFFFFFF  }
0xa6: {  	s26 =	simm.s32 $execute0_lowered;
	[smem:$0x3FD2] =	sst s25  }
0xa7: {  	s6 =	sshll.u32 s26, $0x1;
	_ =	strace $0x80000046;
	[dreg:$0x1] =	wrdreg $0xFFFFFFFF  }
0xa8: {  	s28 =	simm.s32 $_size_execute0_lowered;
	s4 =	sadd.s32 s4, s6;
	[dreg:$0x0] =	wrdreg $0x0  }
0xa9: {  	s6 =	sshll.u32 s28, $0x1;
	[dreg:$0x2] =	wrdreg s4  }
0xaa: {  	[dreg:$0x3] =	wrdreg s6  }
0xab: {  	[dreg:$0x4] =	wrdreg $0xC0  }
0xac: {  	_ =	task [dreg:s8], $0x5FFFF  }
0xad: {  	[dreg:$0x1] =	wrdreg $0xFFFFFFFF  }
0xae: {  	[dreg:$0x0] =	wrdreg $0x60  }
0xaf: {  	[dreg:$0x2] =	wrdreg s2  }
0xb0: {  	[dreg:$0x3] =	wrdreg s24  }
0xb1: {  	[dreg:$0x4] =	wrdreg s18  }
0xb2: {  	[dreg:$0x5] =	wrdreg $0x9  }
0xb3: {  	_ =	task.clear_ibuf [dreg:s8], $0x6FFFF;
	_ =	strace $0x90000046  }
0xb4: {  	s29 =	simm.s32 $0x9;
	_ =	strace $0x80000048  }
0xb5: {  	_ =	swait.ge [sflag:s29], $0x1  }
0xb6: {  	[sflag:s29] =	ssyncadd.s32 $0xFFFFFFFF  }
0xb7: {  	_ =	strace $0x90000048  }
0xb8: {  	_ =	sfence  }
0xb9: {  	s30 =	sld [smem:$0x0];
	_ =	sdelay $0x2  }
0xba: {  	s31 =	sshll.u32 s1, $0xD;
	s1 =	sshrl.u32 s1, $0x2  }
0xbb: {  	s3 =	sand.u32 $0x4000, s31;
	s1 =	sadd.s32 s1, s30  }
0xbc: {  	s0 =	sor.u32 s3, s0;
	s1 =	sshll.u32 s1, $0x11  }
0xbd: {  	s0 =	sor.u32 s1, s0  }
0xbe: {  	s0 =	sadd.s32 $0x8F2B, s0  }
0xbf: {  	[sflag:s0] =	ssyncadd.remote.s32 $0x1  }
0xc0: {  	_ =	sfence.sel $0xFFFF  }
0xc1: {  	[dreg:$0x0] =	wrdreg $0xFFFFFFFF;
	(pc) =	sbr.abs _section_cstart, $3  }
0xc2: {  	[dreg:$0x1] =	wrdreg $0xFFFFFFFF  }
0xc3: {  	_ =	task.clear_ibuf [dreg:s8], $0x2FFFF;
	_ =	strace $0x9FFFFFFF  }
0xc4: {  	(tm) =	ssettm $0x7FFFFFFF  }
0xc5: {  	_ =	shalt  }
tec
execute0_lowered:
.L_overlay_start_1:
0x0: {  	(tag) =	ssettag $0x1  }
0x1: {  	s0 =	srdreg.scid;
	s1 =	stileid.u32  }
0x2: {  	s0 =	sand.u32 $0x1, s0;
	s1 =	sshll.u32 s1, $0x1  }
0x3: {  	s1 =	sor.u32 s0, s1  }
0x4: {  	s2 =	rddreg [dreg:$0x0];
	s5 =	smul.u32 $0x180, s1  }
0x5: {  	s3 =	rddreg [dreg:$0x1];
	s23 =	simm.s32 $0x0;
	s6 =	smul.u32 $0x64000, s1  }
0x6: {  	[smem:$0x7FF] =	sst s23;
	s1 =	smul.u32 $0xC800, s1  }
0x7: {  	s4 =	rddreg [dreg:$0x2];
	_ =	strace $0x80000047  }
0x8: {  	s3 =	sadd.s32 s5, s3;
	s6 =	sshrl.u32 s6, $0x3;
	s1 =	sadd.s32 s4, s1  }
0x9: {  	s3 =	sadd.s32 $0x1000, s3;
	s7 =	sadd.s32 s4, s6;
	[dreg:$0x5] =	wrdreg s1  }
0xa: {  	[dreg:$0x4] =	wrdreg s3;
	s8 =	sadd.s32 $0xA00, s7  }
0xb: {  	s31 =	simm.s32 $0x80;
	s9 =	sadd.s32 $0x1400, s7;
	[dreg:$0x6] =	wrdreg s8  }
0xc: {  	s30 =	simm.s32 $0x100;
	s10 =	sadd.s32 $0x1E00, s7;
	[dreg:$0x7] =	wrdreg s9  }
0xd: {  	s29 =	simm.s32 $0x180;
	s11 =	sadd.s32 $0x2800, s7;
	[dreg:$0x8] =	wrdreg s10  }
0xe: {  	s28 =	simm.s32 $0x200;
	s12 =	sadd.s32 $0x3200, s7;
	[dreg:$0x9] =	wrdreg s11  }
0xf: {  	p0 =	por $0x0, $0x0;
	s13 =	sadd.s32 $0x3C00, s7;
	[dreg:$0xa] =	wrdreg s12  }
0x10: {  	s0 =	ssub.s32 $0x2, s0;
	s14 =	sadd.s32 $0x4600, s7;
	[dreg:$0xb] =	wrdreg s13  }
0x11: {  	s24 =	sshrl.u32 s0, $0x1;
	s15 =	sadd.s32 $0x5000, s7;
	[dreg:$0xc] =	wrdreg s14  }
0x12: {  	s0 =	ssub.s32 s0, s24;
	s16 =	sadd.s32 $0x5A00, s7;
	[dreg:$0xd] =	wrdreg s15  }
0x13: {  	s24 =	simm.s32 $0x380;
	s17 =	sadd.s32 $0x6400, s7;
	[dreg:$0xe] =	wrdreg s16  }
0x14: {  	s0 =	smax.u32 s0, $0x1;
	s18 =	sadd.s32 $0x6E00, s7;
	[dreg:$0xf] =	wrdreg s17  }
0x15: {  	s6 =	simm.s32 $0x3400;
	s19 =	sadd.s32 $0x7800, s7;
	[dreg:$0x10] =	wrdreg s18  }
0x16: {  	p1 =	sne.s32 s0, $0x1;
	s20 =	sadd.s32 $0x8200, s7;
	[dreg:$0x11] =	wrdreg s19  }
0x17: {  	s1 =	sadd.s32 $0xFFFFFFFF, s0;
	s21 =	sadd.s32 $0x8C00, s7;
	[dreg:$0x12] =	wrdreg s20  }
0x18: {  	s22 =	sadd.s32 $0x9600, s7;
	s25 =	sadd.s32 $0xA000, s7;
	[dreg:$0x13] =	wrdreg s21  }
0x19: {  	s26 =	sadd.s32 $0xAA00, s7;
	s5 =	sadd.s32 $0xB400, s7;
	[dreg:$0x14] =	wrdreg s22  }
0x1a: {  	s4 =	sadd.s32 $0xBE00, s7;
	s3 =	simm.s32 $0x3;
	[dreg:$0x15] =	wrdreg s25  }
0x1b: {  	s7 =	simm.s32 $0x400;
	[dreg:$0x16] =	wrdreg s26;
	s11 =	simm.s32 $0x50  }
0x1c: {  	s9 =	simm.s32 $0xC00;
	s12 =	simm.s32 $0x1;
	s8 =	simm.s32 $0x800  }
.Ltmp0:
0x1d: {  	s10 =	simm.s32 $0x2;
	s26 =	simm.s32 $0x280;
	(pc) =	sbr.rel @!p1 .LBB2_3-.Ltmp0, $4  }
0x1e: {  	s25 =	simm.s32 $0x300;
	s22 =	simm.s32 $0x480;
	s21 =	simm.s32 $0x500  }
0x1f: {  	s20 =	simm.s32 $0x580;
	s19 =	simm.s32 $0x600;
	s18 =	simm.s32 $0x680  }
0x20: {  	s17 =	simm.s32 $0x700;
	s16 =	simm.s32 $0x780;
	s15 =	simm.s32 $0x880  }
0x21: {  	s14 =	simm.s32 $0x900;
	s13 =	simm.s32 $0x980;
	s0 =	rddreg [dreg:$0x4]  }
0x22: {  	[tilespmem:s23], [sflag:$0x3] =	stream.linear.gather [hbm4b:s0+s23], $0xA00, $0x38;
	[tilespmem:$0x5C00] =	vst v63  }
0x23: {  	_ =	swait.ge [sflag:s3], $0xA00  }
0x24: {  	[sflag:s3] =	ssyncset.done $0x0  }
0x25: {  	[sflag:s3] =	ssyncadd.s32 $0xFFFFF600  }
0x26: {  	[tilespmem:s9], [sflag:$0x1] =	stream.indirect.gather [hbm4b:s2+s11], $0x80, s23, s11, $0xb8;
	[tilespmem:$0x5C00] =	vst v63  }
0x27: {  	_ = 	snop  }
0x28: {  	[tilespmem:s6], [sflag:$0x2] =	stream.indirect.gather [hbm4b:s2+s11], $0x80, s31, s11, $0xb8;
	[tilespmem:$0x5C00] =	vst v63  }
0x29: {  	_ =	swait.ge [sflag:s12], $0x2800  }
0x2a: {  	[sflag:s12] =	ssyncset.done $0x0  }
0x2b: {  	s0 =	rddreg [dreg:$0x5];
	[sflag:s12] =	ssyncadd.s32 $0xFFFFD800  }
0x2c: {  	[hbm4b:s0+s7] =	stream.strided.scatter [tilespmem:s9], [sflag:$0x3], $0x2800, s8, s7, $0x38;
	[tilespmem:$0x5C00] =	vst v63  }
0x2d: {  	_ =	swait.ge [sflag:s3], $0x2800  }
0x2e: {  	[sflag:s3] =	ssyncset.done $0x0  }
0x2f: {  	[sflag:s3] =	ssyncadd.s32 $0xFFFFD800  }
0x30: {  	[tilespmem:s9], [sflag:$0x1] =	stream.indirect.gather [hbm4b:s2+s11], $0x80, s30, s11, $0xb8;
	[tilespmem:$0x5C00] =	vst v63  }
0x31: {  	_ =	swait.ge [sflag:s10], $0x2800  }
0x32: {  	[sflag:s10] =	ssyncset.done $0x0  }
0x33: {  	s0 =	rddreg [dreg:$0x6];
	[sflag:s10] =	ssyncadd.s32 $0xFFFFD800  }
0x34: {  	[hbm4b:s0+s7] =	stream.strided.scatter [tilespmem:s6], [sflag:$0x3], $0x2800, s8, s7, $0x38;
	[tilespmem:$0x5C00] =	vst v63  }
0x35: {  	_ =	swait.ge [sflag:s3], $0x2800  }
0x36: {  	[sflag:s3] =	ssyncset.done $0x0  }
0x37: {  	[sflag:s3] =	ssyncadd.s32 $0xFFFFD800  }
0x38: {  	[tilespmem:s6], [sflag:$0x2] =	stream.indirect.gather [hbm4b:s2+s11], $0x80, s29, s11, $0xb8;
	[tilespmem:$0x5C00] =	vst v63  }
0x39: {  	_ =	swait.ge [sflag:s12], $0x2800  }
0x3a: {  	[sflag:s12] =	ssyncset.done $0x0  }
0x3b: {  	s0 =	rddreg [dreg:$0x7];
	[sflag:s12] =	ssyncadd.s32 $0xFFFFD800  }
0x3c: {  	[hbm4b:s0+s7] =	stream.strided.scatter [tilespmem:s9], [sflag:$0x3], $0x2800, s8, s7, $0x38;
	[tilespmem:$0x5C00] =	vst v63  }
0x3d: {  	_ =	swait.ge [sflag:s3], $0x2800  }
0x3e: {  	[sflag:s3] =	ssyncset.done $0x0  }
0x3f: {  	[sflag:s3] =	ssyncadd.s32 $0xFFFFD800  }
0x40: {  	[tilespmem:s9], [sflag:$0x1] =	stream.indirect.gather [hbm4b:s2+s11], $0x80, s28, s11, $0xb8;
	[tilespmem:$0x5C00] =	vst v63  }
0x41: {  	_ =	swait.ge [sflag:s10], $0x2800  }
0x42: {  	[sflag:s10] =	ssyncset.done $0x0  }
0x43: {  	s0 =	rddreg [dreg:$0x8];
	[sflag:s10] =	ssyncadd.s32 $0xFFFFD800  }
0x44: {  	[hbm4b:s0+s7] =	stream.strided.scatter [tilespmem:s6], [sflag:$0x3], $0x2800, s8, s7, $0x38;
	[tilespmem:$0x5C00] =	vst v63  }
0x45: {  	_ =	swait.ge [sflag:s3], $0x2800  }
0x46: {  	[sflag:s3] =	ssyncset.done $0x0  }
0x47: {  	[sflag:s3] =	ssyncadd.s32 $0xFFFFD800  }
0x48: {  	[tilespmem:s6], [sflag:$0x2] =	stream.indirect.gather [hbm4b:s2+s11], $0x80, s26, s11, $0xb8;
	[tilespmem:$0x5C00] =	vst v63  }
0x49: {  	_ =	swait.ge [sflag:s12], $0x2800  }
0x4a: {  	[sflag:s12] =	ssyncset.done $0x0  }
0x4b: {  	s0 =	rddreg [dreg:$0x9];
	[sflag:s12] =	ssyncadd.s32 $0xFFFFD800  }
0x4c: {  	[hbm4b:s0+s7] =	stream.strided.scatter [tilespmem:s9], [sflag:$0x3], $0x2800, s8, s7, $0x38;
	[tilespmem:$0x5C00] =	vst v63  }
0x4d: {  	_ =	swait.ge [sflag:s3], $0x2800  }
0x4e: {  	[sflag:s3] =	ssyncset.done $0x0  }
0x4f: {  	[sflag:s3] =	ssyncadd.s32 $0xFFFFD800  }
0x50: {  	[tilespmem:s9], [sflag:$0x1] =	stream.indirect.gather [hbm4b:s2+s11], $0x80, s25, s11, $0xb8;
	[tilespmem:$0x5C00] =	vst v63  }
0x51: {  	_ =	swait.ge [sflag:s10], $0x2800  }
0x52: {  	[sflag:s10] =	ssyncset.done $0x0  }
0x53: {  	s0 =	rddreg [dreg:$0xa];
	[sflag:s10] =	ssyncadd.s32 $0xFFFFD800  }
0x54: {  	[hbm4b:s0+s7] =	stream.strided.scatter [tilespmem:s6], [sflag:$0x3], $0x2800, s8, s7, $0x38;
	[tilespmem:$0x5C00] =	vst v63  }
0x55: {  	_ =	swait.ge [sflag:s3], $0x2800  }
0x56: {  	[sflag:s3] =	ssyncset.done $0x0  }
0x57: {  	[sflag:s3] =	ssyncadd.s32 $0xFFFFD800  }
0x58: {  	[tilespmem:s6], [sflag:$0x2] =	stream.indirect.gather [hbm4b:s2+s11], $0x80, s24, s11, $0xb8;
	[tilespmem:$0x5C00] =	vst v63  }
0x59: {  	_ =	swait.ge [sflag:s12], $0x2800  }
0x5a: {  	[sflag:s12] =	ssyncset.done $0x0  }
0x5b: {  	s0 =	rddreg [dreg:$0xb];
	[sflag:s12] =	ssyncadd.s32 $0xFFFFD800  }
0x5c: {  	[hbm4b:s0+s7] =	stream.strided.scatter [tilespmem:s9], [sflag:$0x3], $0x2800, s8, s7, $0x38;
	[tilespmem:$0x5C00] =	vst v63  }
0x5d: {  	_ =	swait.ge [sflag:s3], $0x2800  }
0x5e: {  	[sflag:s3] =	ssyncset.done $0x0  }
0x5f: {  	[sflag:s3] =	ssyncadd.s32 $0xFFFFD800  }
0x60: {  	[tilespmem:s9], [sflag:$0x1] =	stream.indirect.gather [hbm4b:s2+s11], $0x80, s7, s11, $0xb8;
	[tilespmem:$0x5C00] =	vst v63  }
0x61: {  	_ =	swait.ge [sflag:s10], $0x2800  }
0x62: {  	[sflag:s10] =	ssyncset.done $0x0  }
0x63: {  	s0 =	rddreg [dreg:$0xc];
	[sflag:s10] =	ssyncadd.s32 $0xFFFFD800  }
0x64: {  	[hbm4b:s0+s7] =	stream.strided.scatter [tilespmem:s6], [sflag:$0x3], $0x2800, s8, s7, $0x38;
	[tilespmem:$0x5C00] =	vst v63  }
0x65: {  	_ =	swait.ge [sflag:s3], $0x2800  }
0x66: {  	[sflag:s3] =	ssyncset.done $0x0  }
0x67: {  	[sflag:s3] =	ssyncadd.s32 $0xFFFFD800  }
0x68: {  	[tilespmem:s6], [sflag:$0x2] =	stream.indirect.gather [hbm4b:s2+s11], $0x80, s22, s11, $0xb8;
	[tilespmem:$0x5C00] =	vst v63  }
0x69: {  	_ =	swait.ge [sflag:s12], $0x2800  }
0x6a: {  	[sflag:s12] =	ssyncset.done $0x0  }
0x6b: {  	s0 =	rddreg [dreg:$0xd];
	[sflag:s12] =	ssyncadd.s32 $0xFFFFD800  }
0x6c: {  	[hbm4b:s0+s7] =	stream.strided.scatter [tilespmem:s9], [sflag:$0x3], $0x2800, s8, s7, $0x38;
	[tilespmem:$0x5C00] =	vst v63  }
0x6d: {  	_ =	swait.ge [sflag:s3], $0x2800  }
0x6e: {  	[sflag:s3] =	ssyncset.done $0x0  }
0x6f: {  	[sflag:s3] =	ssyncadd.s32 $0xFFFFD800  }
0x70: {  	[tilespmem:s9], [sflag:$0x1] =	stream.indirect.gather [hbm4b:s2+s11], $0x80, s21, s11, $0xb8;
	[tilespmem:$0x5C00] =	vst v63  }
0x71: {  	_ =	swait.ge [sflag:s10], $0x2800  }
0x72: {  	[sflag:s10] =	ssyncset.done $0x0  }
0x73: {  	s0 =	rddreg [dreg:$0xe];
	[sflag:s10] =	ssyncadd.s32 $0xFFFFD800  }
0x74: {  	[hbm4b:s0+s7] =	stream.strided.scatter [tilespmem:s6], [sflag:$0x3], $0x2800, s8, s7, $0x38;
	[tilespmem:$0x5C00] =	vst v63  }
0x75: {  	_ =	swait.ge [sflag:s3], $0x2800  }
0x76: {  	[sflag:s3] =	ssyncset.done $0x0  }
0x77: {  	[sflag:s3] =	ssyncadd.s32 $0xFFFFD800  }
0x78: {  	[tilespmem:s6], [sflag:$0x2] =	stream.indirect.gather [hbm4b:s2+s11], $0x80, s20, s11, $0xb8;
	[tilespmem:$0x5C00] =	vst v63  }
0x79: {  	_ =	swait.ge [sflag:s12], $0x2800  }
0x7a: {  	[sflag:s12] =	ssyncset.done $0x0  }
0x7b: {  	s0 =	rddreg [dreg:$0xf];
	[sflag:s12] =	ssyncadd.s32 $0xFFFFD800  }
0x7c: {  	[hbm4b:s0+s7] =	stream.strided.scatter [tilespmem:s9], [sflag:$0x3], $0x2800, s8, s7, $0x38;
	[tilespmem:$0x5C00] =	vst v63  }
0x7d: {  	_ =	swait.ge [sflag:s3], $0x2800  }
0x7e: {  	[sflag:s3] =	ssyncset.done $0x0  }
0x7f: {  	[sflag:s3] =	ssyncadd.s32 $0xFFFFD800  }
0x80: {  	[tilespmem:s9], [sflag:$0x1] =	stream.indirect.gather [hbm4b:s2+s11], $0x80, s19, s11, $0xb8;
	[tilespmem:$0x5C00] =	vst v63  }
0x81: {  	_ =	swait.ge [sflag:s10], $0x2800  }
0x82: {  	[sflag:s10] =	ssyncset.done $0x0  }
0x83: {  	s0 =	rddreg [dreg:$0x10];
	[sflag:s10] =	ssyncadd.s32 $0xFFFFD800  }
0x84: {  	[hbm4b:s0+s7] =	stream.strided.scatter [tilespmem:s6], [sflag:$0x3], $0x2800, s8, s7, $0x38;
	[tilespmem:$0x5C00] =	vst v63  }
0x85: {  	_ =	swait.ge [sflag:s3], $0x2800  }
0x86: {  	[sflag:s3] =	ssyncset.done $0x0  }
0x87: {  	[sflag:s3] =	ssyncadd.s32 $0xFFFFD800  }
0x88: {  	[tilespmem:s6], [sflag:$0x2] =	stream.indirect.gather [hbm4b:s2+s11], $0x80, s18, s11, $0xb8;
	[tilespmem:$0x5C00] =	vst v63  }
0x89: {  	_ =	swait.ge [sflag:s12], $0x2800  }
0x8a: {  	[sflag:s12] =	ssyncset.done $0x0  }
0x8b: {  	s0 =	rddreg [dreg:$0x11];
	[sflag:s12] =	ssyncadd.s32 $0xFFFFD800  }
0x8c: {  	[hbm4b:s0+s7] =	stream.strided.scatter [tilespmem:s9], [sflag:$0x3], $0x2800, s8, s7, $0x38;
	[tilespmem:$0x5C00] =	vst v63  }
0x8d: {  	_ =	swait.ge [sflag:s3], $0x2800  }
0x8e: {  	[sflag:s3] =	ssyncset.done $0x0  }
0x8f: {  	[sflag:s3] =	ssyncadd.s32 $0xFFFFD800  }
0x90: {  	[tilespmem:s9], [sflag:$0x1] =	stream.indirect.gather [hbm4b:s2+s11], $0x80, s17, s11, $0xb8;
	[tilespmem:$0x5C00] =	vst v63  }
0x91: {  	_ =	swait.ge [sflag:s10], $0x2800  }
0x92: {  	[sflag:s10] =	ssyncset.done $0x0  }
0x93: {  	s0 =	rddreg [dreg:$0x12];
	[sflag:s10] =	ssyncadd.s32 $0xFFFFD800  }
0x94: {  	[hbm4b:s0+s7] =	stream.strided.scatter [tilespmem:s6], [sflag:$0x3], $0x2800, s8, s7, $0x38;
	[tilespmem:$0x5C00] =	vst v63  }
0x95: {  	_ =	swait.ge [sflag:s3], $0x2800  }
0x96: {  	[sflag:s3] =	ssyncset.done $0x0  }
0x97: {  	[sflag:s3] =	ssyncadd.s32 $0xFFFFD800  }
0x98: {  	[tilespmem:s6], [sflag:$0x2] =	stream.indirect.gather [hbm4b:s2+s11], $0x80, s16, s11, $0xb8;
	[tilespmem:$0x5C00] =	vst v63  }
0x99: {  	_ =	swait.ge [sflag:s12], $0x2800  }
0x9a: {  	[sflag:s12] =	ssyncset.done $0x0  }
0x9b: {  	s0 =	rddreg [dreg:$0x13];
	[sflag:s12] =	ssyncadd.s32 $0xFFFFD800  }
0x9c: {  	[hbm4b:s0+s7] =	stream.strided.scatter [tilespmem:s9], [sflag:$0x3], $0x2800, s8, s7, $0x38;
	[tilespmem:$0x5C00] =	vst v63  }
0x9d: {  	_ =	swait.ge [sflag:s3], $0x2800  }
0x9e: {  	[sflag:s3] =	ssyncset.done $0x0  }
0x9f: {  	[sflag:s3] =	ssyncadd.s32 $0xFFFFD800  }
0xa0: {  	[tilespmem:s9], [sflag:$0x1] =	stream.indirect.gather [hbm4b:s2+s11], $0x80, s8, s11, $0xb8;
	[tilespmem:$0x5C00] =	vst v63  }
0xa1: {  	_ =	swait.ge [sflag:s10], $0x2800  }
0xa2: {  	[sflag:s10] =	ssyncset.done $0x0  }
0xa3: {  	s0 =	rddreg [dreg:$0x14];
	[sflag:s10] =	ssyncadd.s32 $0xFFFFD800  }
0xa4: {  	[hbm4b:s0+s7] =	stream.strided.scatter [tilespmem:s6], [sflag:$0x3], $0x2800, s8, s7, $0x38;
	[tilespmem:$0x5C00] =	vst v63  }
0xa5: {  	_ =	swait.ge [sflag:s3], $0x2800  }
0xa6: {  	[sflag:s3] =	ssyncset.done $0x0  }
0xa7: {  	[sflag:s3] =	ssyncadd.s32 $0xFFFFD800  }
0xa8: {  	[tilespmem:s6], [sflag:$0x2] =	stream.indirect.gather [hbm4b:s2+s11], $0x80, s15, s11, $0xb8;
	[tilespmem:$0x5C00] =	vst v63  }
0xa9: {  	_ =	swait.ge [sflag:s12], $0x2800  }
0xaa: {  	[sflag:s12] =	ssyncset.done $0x0  }
0xab: {  	s0 =	rddreg [dreg:$0x15];
	[sflag:s12] =	ssyncadd.s32 $0xFFFFD800  }
0xac: {  	[hbm4b:s0+s7] =	stream.strided.scatter [tilespmem:s9], [sflag:$0x3], $0x2800, s8, s7, $0x38;
	[tilespmem:$0x5C00] =	vst v63  }
0xad: {  	_ =	swait.ge [sflag:s3], $0x2800  }
0xae: {  	[sflag:s3] =	ssyncset.done $0x0  }
0xaf: {  	[sflag:s3] =	ssyncadd.s32 $0xFFFFD800  }
0xb0: {  	[tilespmem:s9], [sflag:$0x1] =	stream.indirect.gather [hbm4b:s2+s11], $0x80, s14, s11, $0xb8;
	[tilespmem:$0x5C00] =	vst v63  }
0xb1: {  	_ =	swait.ge [sflag:s10], $0x2800  }
0xb2: {  	[sflag:s10] =	ssyncset.done $0x0  }
0xb3: {  	s0 =	rddreg [dreg:$0x16];
	[sflag:s10] =	ssyncadd.s32 $0xFFFFD800  }
0xb4: {  	[hbm4b:s0+s7] =	stream.strided.scatter [tilespmem:s6], [sflag:$0x3], $0x2800, s8, s7, $0x38;
	[tilespmem:$0x5C00] =	vst v63  }
0xb5: {  	_ =	swait.ge [sflag:s3], $0x2800  }
0xb6: {  	[sflag:s3] =	ssyncset.done $0x0  }
0xb7: {  	[sflag:s3] =	ssyncadd.s32 $0xFFFFD800  }
0xb8: {  	[tilespmem:s6], [sflag:$0x2] =	stream.indirect.gather [hbm4b:s2+s11], $0x80, s13, s11, $0xb8;
	[tilespmem:$0x5C00] =	vst v63  }
0xb9: {  	_ =	swait.ge [sflag:s12], $0x2800  }
0xba: {  	[sflag:s12] =	ssyncset.done $0x0  }
0xbb: {  	[sflag:s12] =	ssyncadd.s32 $0xFFFFD800  }
0xbc: {  	[hbm4b:s5+s7] =	stream.strided.scatter [tilespmem:s9], [sflag:$0x3], $0x2800, s8, s7, $0x38;
	[tilespmem:$0x5C00] =	vst v63  }
0xbd: {  	_ =	swait.ge [sflag:s3], $0x2800  }
0xbe: {  	[sflag:s3] =	ssyncset.done $0x0  }
0xbf: {  	[sflag:s3] =	ssyncadd.s32 $0xFFFFD800  }
0xc0: {  	p1 =	sne.s32 s1, $0x1;
	_ =	swait.ge [sflag:s10], $0x2800  }
.Ltmp1:
0xc1: {  	[sflag:s10] =	ssyncset.done $0x0;
	(pc) =	sbr.rel @!p1 .LBB2_3-.Ltmp1, $4  }
0xc2: {  	[sflag:s10] =	ssyncadd.s32 $0xFFFFD800  }
0xc3: {  	[hbm4b:s4+s7] =	stream.strided.scatter [tilespmem:s6], [sflag:$0x3], $0x2800, s8, s7, $0x38;
	[tilespmem:$0x5C00] =	vst v63  }
0xc4: {  	s1 =	sadd.s32 $0xFFFFFFFF, s1;
	_ =	swait.ge [sflag:s3], $0x2800  }
0xc5: {  	p0 =	por $0x1, $0x1;
	s0 =	rddreg [dreg:$0x4];
	[sflag:s3] =	ssyncset.done $0x0  }
.LBB2_2:
0xc6: {  	[sflag:s3] =	ssyncadd.s32 $0xFFFFD800  }
0xc7: {  	[tilespmem:s23], [sflag:$0x3] =	stream.linear.gather [hbm4b:s0+s23], $0xA00, $0x38;
	[tilespmem:$0x5C00] =	vst v63  }
0xc8: {  	_ =	swait.ge [sflag:s3], $0xA00  }
0xc9: {  	[sflag:s3] =	ssyncset.done $0x0  }
0xca: {  	[sflag:s3] =	ssyncadd.s32 $0xFFFFF600  }
0xcb: {  	[tilespmem:s9], [sflag:$0x1] =	stream.indirect.gather [hbm4b:s2+s11], $0x80, s23, s11, $0xb8;
	[tilespmem:$0x5C00] =	vst v63  }
0xcc: {  	_ = 	snop  }
0xcd: {  	[tilespmem:s6], [sflag:$0x2] =	stream.indirect.gather [hbm4b:s2+s11], $0x80, s31, s11, $0xb8;
	[tilespmem:$0x5C00] =	vst v63  }
0xce: {  	_ =	swait.ge [sflag:s12], $0x2800  }
0xcf: {  	[sflag:s12] =	ssyncset.done $0x0  }
0xd0: {  	s0 =	rddreg [dreg:$0x5];
	[sflag:s12] =	ssyncadd.s32 $0xFFFFD800  }
0xd1: {  	[hbm4b:s0+s7] =	stream.strided.scatter [tilespmem:s9], [sflag:$0x3], $0x2800, s8, s7, $0x38;
	[tilespmem:$0x5C00] =	vst v63  }
0xd2: {  	_ =	swait.ge [sflag:s3], $0x2800  }
0xd3: {  	[sflag:s3] =	ssyncset.done $0x0  }
0xd4: {  	[sflag:s3] =	ssyncadd.s32 $0xFFFFD800  }
0xd5: {  	[tilespmem:s9], [sflag:$0x1] =	stream.indirect.gather [hbm4b:s2+s11], $0x80, s30, s11, $0xb8;
	[tilespmem:$0x5C00] =	vst v63  }
0xd6: {  	_ =	swait.ge [sflag:s10], $0x2800  }
0xd7: {  	[sflag:s10] =	ssyncset.done $0x0  }
0xd8: {  	s0 =	rddreg [dreg:$0x6];
	[sflag:s10] =	ssyncadd.s32 $0xFFFFD800  }
0xd9: {  	[hbm4b:s0+s7] =	stream.strided.scatter [tilespmem:s6], [sflag:$0x3], $0x2800, s8, s7, $0x38;
	[tilespmem:$0x5C00] =	vst v63  }
0xda: {  	_ =	swait.ge [sflag:s3], $0x2800  }
0xdb: {  	[sflag:s3] =	ssyncset.done $0x0  }
0xdc: {  	[sflag:s3] =	ssyncadd.s32 $0xFFFFD800  }
0xdd: {  	[tilespmem:s6], [sflag:$0x2] =	stream.indirect.gather [hbm4b:s2+s11], $0x80, s29, s11, $0xb8;
	[tilespmem:$0x5C00] =	vst v63  }
0xde: {  	_ =	swait.ge [sflag:s12], $0x2800  }
0xdf: {  	[sflag:s12] =	ssyncset.done $0x0  }
0xe0: {  	s0 =	rddreg [dreg:$0x7];
	[sflag:s12] =	ssyncadd.s32 $0xFFFFD800  }
0xe1: {  	[hbm4b:s0+s7] =	stream.strided.scatter [tilespmem:s9], [sflag:$0x3], $0x2800, s8, s7, $0x38;
	[tilespmem:$0x5C00] =	vst v63  }
0xe2: {  	_ =	swait.ge [sflag:s3], $0x2800  }
0xe3: {  	[sflag:s3] =	ssyncset.done $0x0  }
0xe4: {  	[sflag:s3] =	ssyncadd.s32 $0xFFFFD800  }
0xe5: {  	[tilespmem:s9], [sflag:$0x1] =	stream.indirect.gather [hbm4b:s2+s11], $0x80, s28, s11, $0xb8;
	[tilespmem:$0x5C00] =	vst v63  }
0xe6: {  	_ =	swait.ge [sflag:s10], $0x2800  }
0xe7: {  	[sflag:s10] =	ssyncset.done $0x0  }
0xe8: {  	s0 =	rddreg [dreg:$0x8];
	[sflag:s10] =	ssyncadd.s32 $0xFFFFD800  }
0xe9: {  	[hbm4b:s0+s7] =	stream.strided.scatter [tilespmem:s6], [sflag:$0x3], $0x2800, s8, s7, $0x38;
	[tilespmem:$0x5C00] =	vst v63  }
0xea: {  	_ =	swait.ge [sflag:s3], $0x2800  }
0xeb: {  	[sflag:s3] =	ssyncset.done $0x0  }
0xec: {  	[sflag:s3] =	ssyncadd.s32 $0xFFFFD800  }
0xed: {  	[tilespmem:s6], [sflag:$0x2] =	stream.indirect.gather [hbm4b:s2+s11], $0x80, s26, s11, $0xb8;
	[tilespmem:$0x5C00] =	vst v63  }
0xee: {  	_ =	swait.ge [sflag:s12], $0x2800  }
0xef: {  	[sflag:s12] =	ssyncset.done $0x0  }
0xf0: {  	s0 =	rddreg [dreg:$0x9];
	[sflag:s12] =	ssyncadd.s32 $0xFFFFD800  }
0xf1: {  	[hbm4b:s0+s7] =	stream.strided.scatter [tilespmem:s9], [sflag:$0x3], $0x2800, s8, s7, $0x38;
	[tilespmem:$0x5C00] =	vst v63  }
0xf2: {  	_ =	swait.ge [sflag:s3], $0x2800  }
0xf3: {  	[sflag:s3] =	ssyncset.done $0x0  }
0xf4: {  	[sflag:s3] =	ssyncadd.s32 $0xFFFFD800  }
0xf5: {  	[tilespmem:s9], [sflag:$0x1] =	stream.indirect.gather [hbm4b:s2+s11], $0x80, s25, s11, $0xb8;
	[tilespmem:$0x5C00] =	vst v63  }
0xf6: {  	_ =	swait.ge [sflag:s10], $0x2800  }
0xf7: {  	[sflag:s10] =	ssyncset.done $0x0  }
0xf8: {  	s0 =	rddreg [dreg:$0xa];
	[sflag:s10] =	ssyncadd.s32 $0xFFFFD800  }
0xf9: {  	[hbm4b:s0+s7] =	stream.strided.scatter [tilespmem:s6], [sflag:$0x3], $0x2800, s8, s7, $0x38;
	[tilespmem:$0x5C00] =	vst v63  }
0xfa: {  	_ =	swait.ge [sflag:s3], $0x2800  }
0xfb: {  	[sflag:s3] =	ssyncset.done $0x0  }
0xfc: {  	[sflag:s3] =	ssyncadd.s32 $0xFFFFD800  }
0xfd: {  	[tilespmem:s6], [sflag:$0x2] =	stream.indirect.gather [hbm4b:s2+s11], $0x80, s24, s11, $0xb8;
	[tilespmem:$0x5C00] =	vst v63  }
0xfe: {  	_ =	swait.ge [sflag:s12], $0x2800  }
0xff: {  	[sflag:s12] =	ssyncset.done $0x0  }
0x100: {  	s0 =	rddreg [dreg:$0xb];
	[sflag:s12] =	ssyncadd.s32 $0xFFFFD800  }
0x101: {  	[hbm4b:s0+s7] =	stream.strided.scatter [tilespmem:s9], [sflag:$0x3], $0x2800, s8, s7, $0x38;
	[tilespmem:$0x5C00] =	vst v63  }
0x102: {  	_ =	swait.ge [sflag:s3], $0x2800  }
0x103: {  	[sflag:s3] =	ssyncset.done $0x0  }
0x104: {  	[sflag:s3] =	ssyncadd.s32 $0xFFFFD800  }
0x105: {  	[tilespmem:s9], [sflag:$0x1] =	stream.indirect.gather [hbm4b:s2+s11], $0x80, s7, s11, $0xb8;
	[tilespmem:$0x5C00] =	vst v63  }
0x106: {  	_ =	swait.ge [sflag:s10], $0x2800  }
0x107: {  	[sflag:s10] =	ssyncset.done $0x0  }
0x108: {  	s0 =	rddreg [dreg:$0xc];
	[sflag:s10] =	ssyncadd.s32 $0xFFFFD800  }
0x109: {  	[hbm4b:s0+s7] =	stream.strided.scatter [tilespmem:s6], [sflag:$0x3], $0x2800, s8, s7, $0x38;
	[tilespmem:$0x5C00] =	vst v63  }
0x10a: {  	_ =	swait.ge [sflag:s3], $0x2800  }
0x10b: {  	[sflag:s3] =	ssyncset.done $0x0  }
0x10c: {  	[sflag:s3] =	ssyncadd.s32 $0xFFFFD800  }
0x10d: {  	[tilespmem:s6], [sflag:$0x2] =	stream.indirect.gather [hbm4b:s2+s11], $0x80, s22, s11, $0xb8;
	[tilespmem:$0x5C00] =	vst v63  }
0x10e: {  	_ =	swait.ge [sflag:s12], $0x2800  }
0x10f: {  	[sflag:s12] =	ssyncset.done $0x0  }
0x110: {  	s0 =	rddreg [dreg:$0xd];
	[sflag:s12] =	ssyncadd.s32 $0xFFFFD800  }
0x111: {  	[hbm4b:s0+s7] =	stream.strided.scatter [tilespmem:s9], [sflag:$0x3], $0x2800, s8, s7, $0x38;
	[tilespmem:$0x5C00] =	vst v63  }
0x112: {  	_ =	swait.ge [sflag:s3], $0x2800  }
0x113: {  	[sflag:s3] =	ssyncset.done $0x0  }
0x114: {  	[sflag:s3] =	ssyncadd.s32 $0xFFFFD800  }
0x115: {  	[tilespmem:s9], [sflag:$0x1] =	stream.indirect.gather [hbm4b:s2+s11], $0x80, s21, s11, $0xb8;
	[tilespmem:$0x5C00] =	vst v63  }
0x116: {  	_ =	swait.ge [sflag:s10], $0x2800  }
0x117: {  	[sflag:s10] =	ssyncset.done $0x0  }
0x118: {  	s0 =	rddreg [dreg:$0xe];
	[sflag:s10] =	ssyncadd.s32 $0xFFFFD800  }
0x119: {  	[hbm4b:s0+s7] =	stream.strided.scatter [tilespmem:s6], [sflag:$0x3], $0x2800, s8, s7, $0x38;
	[tilespmem:$0x5C00] =	vst v63  }
0x11a: {  	_ =	swait.ge [sflag:s3], $0x2800  }
0x11b: {  	[sflag:s3] =	ssyncset.done $0x0  }
0x11c: {  	[sflag:s3] =	ssyncadd.s32 $0xFFFFD800  }
0x11d: {  	[tilespmem:s6], [sflag:$0x2] =	stream.indirect.gather [hbm4b:s2+s11], $0x80, s20, s11, $0xb8;
	[tilespmem:$0x5C00] =	vst v63  }
0x11e: {  	_ =	swait.ge [sflag:s12], $0x2800  }
0x11f: {  	[sflag:s12] =	ssyncset.done $0x0  }
0x120: {  	s0 =	rddreg [dreg:$0xf];
	[sflag:s12] =	ssyncadd.s32 $0xFFFFD800  }
0x121: {  	[hbm4b:s0+s7] =	stream.strided.scatter [tilespmem:s9], [sflag:$0x3], $0x2800, s8, s7, $0x38;
	[tilespmem:$0x5C00] =	vst v63  }
0x122: {  	_ =	swait.ge [sflag:s3], $0x2800  }
0x123: {  	[sflag:s3] =	ssyncset.done $0x0  }
0x124: {  	[sflag:s3] =	ssyncadd.s32 $0xFFFFD800  }
0x125: {  	[tilespmem:s9], [sflag:$0x1] =	stream.indirect.gather [hbm4b:s2+s11], $0x80, s19, s11, $0xb8;
	[tilespmem:$0x5C00] =	vst v63  }
0x126: {  	_ =	swait.ge [sflag:s10], $0x2800  }
0x127: {  	[sflag:s10] =	ssyncset.done $0x0  }
0x128: {  	s0 =	rddreg [dreg:$0x10];
	[sflag:s10] =	ssyncadd.s32 $0xFFFFD800  }
0x129: {  	[hbm4b:s0+s7] =	stream.strided.scatter [tilespmem:s6], [sflag:$0x3], $0x2800, s8, s7, $0x38;
	[tilespmem:$0x5C00] =	vst v63  }
0x12a: {  	_ =	swait.ge [sflag:s3], $0x2800  }
0x12b: {  	[sflag:s3] =	ssyncset.done $0x0  }
0x12c: {  	[sflag:s3] =	ssyncadd.s32 $0xFFFFD800  }
0x12d: {  	[tilespmem:s6], [sflag:$0x2] =	stream.indirect.gather [hbm4b:s2+s11], $0x80, s18, s11, $0xb8;
	[tilespmem:$0x5C00] =	vst v63  }
0x12e: {  	_ =	swait.ge [sflag:s12], $0x2800  }
0x12f: {  	[sflag:s12] =	ssyncset.done $0x0  }
0x130: {  	s0 =	rddreg [dreg:$0x11];
	[sflag:s12] =	ssyncadd.s32 $0xFFFFD800  }
0x131: {  	[hbm4b:s0+s7] =	stream.strided.scatter [tilespmem:s9], [sflag:$0x3], $0x2800, s8, s7, $0x38;
	[tilespmem:$0x5C00] =	vst v63  }
0x132: {  	_ =	swait.ge [sflag:s3], $0x2800  }
0x133: {  	[sflag:s3] =	ssyncset.done $0x0  }
0x134: {  	[sflag:s3] =	ssyncadd.s32 $0xFFFFD800  }
0x135: {  	[tilespmem:s9], [sflag:$0x1] =	stream.indirect.gather [hbm4b:s2+s11], $0x80, s17, s11, $0xb8;
	[tilespmem:$0x5C00] =	vst v63  }
0x136: {  	_ =	swait.ge [sflag:s10], $0x2800  }
0x137: {  	[sflag:s10] =	ssyncset.done $0x0  }
0x138: {  	s0 =	rddreg [dreg:$0x12];
	[sflag:s10] =	ssyncadd.s32 $0xFFFFD800  }
0x139: {  	[hbm4b:s0+s7] =	stream.strided.scatter [tilespmem:s6], [sflag:$0x3], $0x2800, s8, s7, $0x38;
	[tilespmem:$0x5C00] =	vst v63  }
0x13a: {  	_ =	swait.ge [sflag:s3], $0x2800  }
0x13b: {  	[sflag:s3] =	ssyncset.done $0x0  }
0x13c: {  	[sflag:s3] =	ssyncadd.s32 $0xFFFFD800  }
0x13d: {  	[tilespmem:s6], [sflag:$0x2] =	stream.indirect.gather [hbm4b:s2+s11], $0x80, s16, s11, $0xb8;
	[tilespmem:$0x5C00] =	vst v63  }
0x13e: {  	_ =	swait.ge [sflag:s12], $0x2800  }
0x13f: {  	[sflag:s12] =	ssyncset.done $0x0  }
0x140: {  	s0 =	rddreg [dreg:$0x13];
	[sflag:s12] =	ssyncadd.s32 $0xFFFFD800  }
0x141: {  	[hbm4b:s0+s7] =	stream.strided.scatter [tilespmem:s9], [sflag:$0x3], $0x2800, s8, s7, $0x38;
	[tilespmem:$0x5C00] =	vst v63  }
0x142: {  	_ =	swait.ge [sflag:s3], $0x2800  }
0x143: {  	[sflag:s3] =	ssyncset.done $0x0  }
0x144: {  	[sflag:s3] =	ssyncadd.s32 $0xFFFFD800  }
0x145: {  	[tilespmem:s9], [sflag:$0x1] =	stream.indirect.gather [hbm4b:s2+s11], $0x80, s8, s11, $0xb8;
	[tilespmem:$0x5C00] =	vst v63  }
0x146: {  	_ =	swait.ge [sflag:s10], $0x2800  }
0x147: {  	[sflag:s10] =	ssyncset.done $0x0  }
0x148: {  	s0 =	rddreg [dreg:$0x14];
	[sflag:s10] =	ssyncadd.s32 $0xFFFFD800  }
0x149: {  	[hbm4b:s0+s7] =	stream.strided.scatter [tilespmem:s6], [sflag:$0x3], $0x2800, s8, s7, $0x38;
	[tilespmem:$0x5C00] =	vst v63  }
0x14a: {  	_ =	swait.ge [sflag:s3], $0x2800  }
0x14b: {  	[sflag:s3] =	ssyncset.done $0x0  }
0x14c: {  	[sflag:s3] =	ssyncadd.s32 $0xFFFFD800  }
0x14d: {  	[tilespmem:s6], [sflag:$0x2] =	stream.indirect.gather [hbm4b:s2+s11], $0x80, s15, s11, $0xb8;
	[tilespmem:$0x5C00] =	vst v63  }
0x14e: {  	_ =	swait.ge [sflag:s12], $0x2800  }
0x14f: {  	[sflag:s12] =	ssyncset.done $0x0  }
0x150: {  	s0 =	rddreg [dreg:$0x15];
	[sflag:s12] =	ssyncadd.s32 $0xFFFFD800  }
0x151: {  	[hbm4b:s0+s7] =	stream.strided.scatter [tilespmem:s9], [sflag:$0x3], $0x2800, s8, s7, $0x38;
	[tilespmem:$0x5C00] =	vst v63  }
0x152: {  	_ =	swait.ge [sflag:s3], $0x2800  }
0x153: {  	[sflag:s3] =	ssyncset.done $0x0  }
0x154: {  	[sflag:s3] =	ssyncadd.s32 $0xFFFFD800  }
0x155: {  	[tilespmem:s9], [sflag:$0x1] =	stream.indirect.gather [hbm4b:s2+s11], $0x80, s14, s11, $0xb8;
	[tilespmem:$0x5C00] =	vst v63  }
0x156: {  	_ =	swait.ge [sflag:s10], $0x2800  }
0x157: {  	[sflag:s10] =	ssyncset.done $0x0  }
0x158: {  	s0 =	rddreg [dreg:$0x16];
	[sflag:s10] =	ssyncadd.s32 $0xFFFFD800  }
0x159: {  	[hbm4b:s0+s7] =	stream.strided.scatter [tilespmem:s6], [sflag:$0x3], $0x2800, s8, s7, $0x38;
	[tilespmem:$0x5C00] =	vst v63  }
0x15a: {  	_ =	swait.ge [sflag:s3], $0x2800  }
0x15b: {  	[sflag:s3] =	ssyncset.done $0x0  }
0x15c: {  	[sflag:s3] =	ssyncadd.s32 $0xFFFFD800  }
0x15d: {  	[tilespmem:s6], [sflag:$0x2] =	stream.indirect.gather [hbm4b:s2+s11], $0x80, s13, s11, $0xb8;
	[tilespmem:$0x5C00] =	vst v63  }
0x15e: {  	_ =	swait.ge [sflag:s12], $0x2800  }
0x15f: {  	[sflag:s12] =	ssyncset.done $0x0  }
0x160: {  	[sflag:s12] =	ssyncadd.s32 $0xFFFFD800  }
0x161: {  	[hbm4b:s5+s7] =	stream.strided.scatter [tilespmem:s9], [sflag:$0x3], $0x2800, s8, s7, $0x38;
	[tilespmem:$0x5C00] =	vst v63  }
0x162: {  	_ =	swait.ge [sflag:s3], $0x2800  }
0x163: {  	[sflag:s3] =	ssyncset.done $0x0  }
0x164: {  	[sflag:s3] =	ssyncadd.s32 $0xFFFFD800  }
0x165: {  	p1 =	sne.s32 s1, $0x1;
	_ =	swait.ge [sflag:s10], $0x2800  }
.Ltmp2:
0x166: {  	[sflag:s10] =	ssyncset.done $0x0;
	(pc) =	sbr.rel @p1 .LBB2_2-.Ltmp2, $4  }
0x167: {  	[sflag:s10] =	ssyncadd.s32 $0xFFFFD800  }
0x168: {  	[hbm4b:s4+s7] =	stream.strided.scatter [tilespmem:s6], [sflag:$0x3], $0x2800, s8, s7, $0x38;
	[tilespmem:$0x5C00] =	vst v63  }
0x169: {  	_ =	swait.ge [sflag:s3], $0x2800  }
0x16a: {  	s1 =	sadd.s32 $0xFFFFFFFF, s1;
	s0 =	rddreg [dreg:$0x4];
	[sflag:s3] =	ssyncset.done $0x0  }
.LBB2_3:
0x16b: {  	[sflag:s3] =	ssyncadd.s32 @p0 $0xFFFFD800  }
0x16c: {  	[tilespmem:s23], [sflag:$0x3] =	stream.linear.gather [hbm4b:s0+s23], $0xA00, $0x38;
	[tilespmem:$0x5C00] =	vst v63  }
0x16d: {  	_ =	swait.ge [sflag:s3], $0xA00  }
0x16e: {  	[sflag:s3] =	ssyncset.done $0x0  }
0x16f: {  	[sflag:s3] =	ssyncadd.s32 $0xFFFFF600  }
0x170: {  	[tilespmem:s9], [sflag:$0x1] =	stream.indirect.gather [hbm4b:s2+s11], $0x80, s23, s11, $0xb8;
	[tilespmem:$0x5C00] =	vst v63  }
0x171: {  	_ = 	snop  }
0x172: {  	[tilespmem:s6], [sflag:$0x2] =	stream.indirect.gather [hbm4b:s2+s11], $0x80, s31, s11, $0xb8;
	[tilespmem:$0x5C00] =	vst v63  }
0x173: {  	_ =	swait.ge [sflag:s12], $0x2800  }
0x174: {  	[sflag:s12] =	ssyncset.done $0x0  }
0x175: {  	s23 =	rddreg [dreg:$0x5];
	[sflag:s12] =	ssyncadd.s32 $0xFFFFD800  }
0x176: {  	[hbm4b:s23+s7] =	stream.strided.scatter [tilespmem:s9], [sflag:$0x3], $0x2800, s8, s7, $0x38;
	[tilespmem:$0x5C00] =	vst v63  }
0x177: {  	_ =	swait.ge [sflag:s3], $0x2800  }
0x178: {  	[sflag:s3] =	ssyncset.done $0x0  }
0x179: {  	[sflag:s3] =	ssyncadd.s32 $0xFFFFD800  }
0x17a: {  	[tilespmem:s9], [sflag:$0x1] =	stream.indirect.gather [hbm4b:s2+s11], $0x80, s30, s11, $0xb8;
	[tilespmem:$0x5C00] =	vst v63  }
0x17b: {  	_ =	swait.ge [sflag:s10], $0x2800  }
0x17c: {  	[sflag:s10] =	ssyncset.done $0x0  }
0x17d: {  	s31 =	rddreg [dreg:$0x6];
	[sflag:s10] =	ssyncadd.s32 $0xFFFFD800  }
0x17e: {  	[hbm4b:s31+s7] =	stream.strided.scatter [tilespmem:s6], [sflag:$0x3], $0x2800, s8, s7, $0x38;
	[tilespmem:$0x5C00] =	vst v63  }
0x17f: {  	_ =	swait.ge [sflag:s3], $0x2800  }
0x180: {  	[sflag:s3] =	ssyncset.done $0x0  }
0x181: {  	[sflag:s3] =	ssyncadd.s32 $0xFFFFD800  }
0x182: {  	[tilespmem:s6], [sflag:$0x2] =	stream.indirect.gather [hbm4b:s2+s11], $0x80, s29, s11, $0xb8;
	[tilespmem:$0x5C00] =	vst v63  }
0x183: {  	_ =	swait.ge [sflag:s12], $0x2800  }
0x184: {  	[sflag:s12] =	ssyncset.done $0x0  }
0x185: {  	s1 =	rddreg [dreg:$0x7];
	[sflag:s12] =	ssyncadd.s32 $0xFFFFD800  }
0x186: {  	[hbm4b:s1+s7] =	stream.strided.scatter [tilespmem:s9], [sflag:$0x3], $0x2800, s8, s7, $0x38;
	[tilespmem:$0x5C00] =	vst v63  }
0x187: {  	_ =	swait.ge [sflag:s3], $0x2800  }
0x188: {  	[sflag:s3] =	ssyncset.done $0x0  }
0x189: {  	[sflag:s3] =	ssyncadd.s32 $0xFFFFD800  }
0x18a: {  	[tilespmem:s9], [sflag:$0x1] =	stream.indirect.gather [hbm4b:s2+s11], $0x80, s28, s11, $0xb8;
	[tilespmem:$0x5C00] =	vst v63  }
0x18b: {  	_ =	swait.ge [sflag:s10], $0x2800  }
0x18c: {  	[sflag:s10] =	ssyncset.done $0x0  }
0x18d: {  	s23 =	rddreg [dreg:$0x8];
	[sflag:s10] =	ssyncadd.s32 $0xFFFFD800  }
0x18e: {  	[hbm4b:s23+s7] =	stream.strided.scatter [tilespmem:s6], [sflag:$0x3], $0x2800, s8, s7, $0x38;
	[tilespmem:$0x5C00] =	vst v63  }
0x18f: {  	_ =	swait.ge [sflag:s3], $0x2800  }
0x190: {  	[sflag:s3] =	ssyncset.done $0x0  }
0x191: {  	[sflag:s3] =	ssyncadd.s32 $0xFFFFD800  }
0x192: {  	[tilespmem:s6], [sflag:$0x2] =	stream.indirect.gather [hbm4b:s2+s11], $0x80, s26, s11, $0xb8;
	[tilespmem:$0x5C00] =	vst v63  }
0x193: {  	_ =	swait.ge [sflag:s12], $0x2800  }
0x194: {  	[sflag:s12] =	ssyncset.done $0x0  }
0x195: {  	s28 =	rddreg [dreg:$0x9];
	[sflag:s12] =	ssyncadd.s32 $0xFFFFD800  }
0x196: {  	[hbm4b:s28+s7] =	stream.strided.scatter [tilespmem:s9], [sflag:$0x3], $0x2800, s8, s7, $0x38;
	[tilespmem:$0x5C00] =	vst v63  }
0x197: {  	_ =	swait.ge [sflag:s3], $0x2800  }
0x198: {  	[sflag:s3] =	ssyncset.done $0x0  }
0x199: {  	[sflag:s3] =	ssyncadd.s32 $0xFFFFD800  }
0x19a: {  	[tilespmem:s9], [sflag:$0x1] =	stream.indirect.gather [hbm4b:s2+s11], $0x80, s25, s11, $0xb8;
	[tilespmem:$0x5C00] =	vst v63  }
0x19b: {  	_ =	swait.ge [sflag:s10], $0x2800  }
0x19c: {  	[sflag:s10] =	ssyncset.done $0x0  }
0x19d: {  	s29 =	rddreg [dreg:$0xa];
	[sflag:s10] =	ssyncadd.s32 $0xFFFFD800  }
0x19e: {  	[hbm4b:s29+s7] =	stream.strided.scatter [tilespmem:s6], [sflag:$0x3], $0x2800, s8, s7, $0x38;
	[tilespmem:$0x5C00] =	vst v63  }
0x19f: {  	_ =	swait.ge [sflag:s3], $0x2800  }
0x1a0: {  	[sflag:s3] =	ssyncset.done $0x0  }
0x1a1: {  	[sflag:s3] =	ssyncadd.s32 $0xFFFFD800  }
0x1a2: {  	[tilespmem:s6], [sflag:$0x2] =	stream.indirect.gather [hbm4b:s2+s11], $0x80, s24, s11, $0xb8;
	[tilespmem:$0x5C00] =	vst v63  }
0x1a3: {  	_ =	swait.ge [sflag:s12], $0x2800  }
0x1a4: {  	[sflag:s12] =	ssyncset.done $0x0  }
0x1a5: {  	s30 =	rddreg [dreg:$0xb];
	[sflag:s12] =	ssyncadd.s32 $0xFFFFD800  }
0x1a6: {  	[hbm4b:s30+s7] =	stream.strided.scatter [tilespmem:s9], [sflag:$0x3], $0x2800, s8, s7, $0x38;
	[tilespmem:$0x5C00] =	vst v63  }
0x1a7: {  	_ =	swait.ge [sflag:s3], $0x2800  }
0x1a8: {  	[sflag:s3] =	ssyncset.done $0x0  }
0x1a9: {  	[sflag:s3] =	ssyncadd.s32 $0xFFFFD800  }
0x1aa: {  	[tilespmem:s9], [sflag:$0x1] =	stream.indirect.gather [hbm4b:s2+s11], $0x80, s7, s11, $0xb8;
	[tilespmem:$0x5C00] =	vst v63  }
0x1ab: {  	_ =	swait.ge [sflag:s10], $0x2800  }
0x1ac: {  	[sflag:s10] =	ssyncset.done $0x0  }
0x1ad: {  	s31 =	rddreg [dreg:$0xc];
	[sflag:s10] =	ssyncadd.s32 $0xFFFFD800  }
0x1ae: {  	[hbm4b:s31+s7] =	stream.strided.scatter [tilespmem:s6], [sflag:$0x3], $0x2800, s8, s7, $0x38;
	[tilespmem:$0x5C00] =	vst v63  }
0x1af: {  	_ =	swait.ge [sflag:s3], $0x2800  }
0x1b0: {  	[sflag:s3] =	ssyncset.done $0x0  }
0x1b1: {  	[sflag:s3] =	ssyncadd.s32 $0xFFFFD800  }
0x1b2: {  	[tilespmem:s6], [sflag:$0x2] =	stream.indirect.gather [hbm4b:s2+s11], $0x80, s22, s11, $0xb8;
	[tilespmem:$0x5C00] =	vst v63  }
0x1b3: {  	_ =	swait.ge [sflag:s12], $0x2800  }
0x1b4: {  	[sflag:s12] =	ssyncset.done $0x0  }
0x1b5: {  	s1 =	rddreg [dreg:$0xd];
	[sflag:s12] =	ssyncadd.s32 $0xFFFFD800  }
0x1b6: {  	[hbm4b:s1+s7] =	stream.strided.scatter [tilespmem:s9], [sflag:$0x3], $0x2800, s8, s7, $0x38;
	[tilespmem:$0x5C00] =	vst v63  }
0x1b7: {  	_ =	swait.ge [sflag:s3], $0x2800  }
0x1b8: {  	[sflag:s3] =	ssyncset.done $0x0  }
0x1b9: {  	[sflag:s3] =	ssyncadd.s32 $0xFFFFD800  }
0x1ba: {  	[tilespmem:s9], [sflag:$0x1] =	stream.indirect.gather [hbm4b:s2+s11], $0x80, s21, s11, $0xb8;
	[tilespmem:$0x5C00] =	vst v63  }
0x1bb: {  	_ =	swait.ge [sflag:s10], $0x2800  }
0x1bc: {  	[sflag:s10] =	ssyncset.done $0x0  }
0x1bd: {  	s21 =	rddreg [dreg:$0xe];
	[sflag:s10] =	ssyncadd.s32 $0xFFFFD800  }
0x1be: {  	[hbm4b:s21+s7] =	stream.strided.scatter [tilespmem:s6], [sflag:$0x3], $0x2800, s8, s7, $0x38;
	[tilespmem:$0x5C00] =	vst v63  }
0x1bf: {  	_ =	swait.ge [sflag:s3], $0x2800  }
0x1c0: {  	[sflag:s3] =	ssyncset.done $0x0  }
0x1c1: {  	[sflag:s3] =	ssyncadd.s32 $0xFFFFD800  }
0x1c2: {  	[tilespmem:s6], [sflag:$0x2] =	stream.indirect.gather [hbm4b:s2+s11], $0x80, s20, s11, $0xb8;
	[tilespmem:$0x5C00] =	vst v63  }
0x1c3: {  	_ =	swait.ge [sflag:s12], $0x2800  }
0x1c4: {  	[sflag:s12] =	ssyncset.done $0x0  }
0x1c5: {  	s22 =	rddreg [dreg:$0xf];
	[sflag:s12] =	ssyncadd.s32 $0xFFFFD800  }
0x1c6: {  	[hbm4b:s22+s7] =	stream.strided.scatter [tilespmem:s9], [sflag:$0x3], $0x2800, s8, s7, $0x38;
	[tilespmem:$0x5C00] =	vst v63  }
0x1c7: {  	_ =	swait.ge [sflag:s3], $0x2800  }
0x1c8: {  	[sflag:s3] =	ssyncset.done $0x0  }
0x1c9: {  	[sflag:s3] =	ssyncadd.s32 $0xFFFFD800  }
0x1ca: {  	[tilespmem:s9], [sflag:$0x1] =	stream.indirect.gather [hbm4b:s2+s11], $0x80, s19, s11, $0xb8;
	[tilespmem:$0x5C00] =	vst v63  }
0x1cb: {  	_ =	swait.ge [sflag:s10], $0x2800  }
0x1cc: {  	[sflag:s10] =	ssyncset.done $0x0  }
0x1cd: {  	s23 =	rddreg [dreg:$0x10];
	[sflag:s10] =	ssyncadd.s32 $0xFFFFD800  }
0x1ce: {  	[hbm4b:s23+s7] =	stream.strided.scatter [tilespmem:s6], [sflag:$0x3], $0x2800, s8, s7, $0x38;
	[tilespmem:$0x5C00] =	vst v63  }
0x1cf: {  	_ =	swait.ge [sflag:s3], $0x2800  }
0x1d0: {  	[sflag:s3] =	ssyncset.done $0x0  }
0x1d1: {  	[sflag:s3] =	ssyncadd.s32 $0xFFFFD800  }
0x1d2: {  	[tilespmem:s6], [sflag:$0x2] =	stream.indirect.gather [hbm4b:s2+s11], $0x80, s18, s11, $0xb8;
	[tilespmem:$0x5C00] =	vst v63  }
0x1d3: {  	_ =	swait.ge [sflag:s12], $0x2800  }
0x1d4: {  	[sflag:s12] =	ssyncset.done $0x0  }
0x1d5: {  	s24 =	rddreg [dreg:$0x11];
	[sflag:s12] =	ssyncadd.s32 $0xFFFFD800  }
0x1d6: {  	[hbm4b:s24+s7] =	stream.strided.scatter [tilespmem:s9], [sflag:$0x3], $0x2800, s8, s7, $0x38;
	[tilespmem:$0x5C00] =	vst v63  }
0x1d7: {  	_ =	swait.ge [sflag:s3], $0x2800  }
0x1d8: {  	[sflag:s3] =	ssyncset.done $0x0  }
0x1d9: {  	[sflag:s3] =	ssyncadd.s32 $0xFFFFD800  }
0x1da: {  	[tilespmem:s9], [sflag:$0x1] =	stream.indirect.gather [hbm4b:s2+s11], $0x80, s17, s11, $0xb8;
	[tilespmem:$0x5C00] =	vst v63  }
0x1db: {  	_ =	swait.ge [sflag:s10], $0x2800  }
0x1dc: {  	[sflag:s10] =	ssyncset.done $0x0  }
0x1dd: {  	s25 =	rddreg [dreg:$0x12];
	[sflag:s10] =	ssyncadd.s32 $0xFFFFD800  }
0x1de: {  	[hbm4b:s25+s7] =	stream.strided.scatter [tilespmem:s6], [sflag:$0x3], $0x2800, s8, s7, $0x38;
	[tilespmem:$0x5C00] =	vst v63  }
0x1df: {  	_ =	swait.ge [sflag:s3], $0x2800  }
0x1e0: {  	[sflag:s3] =	ssyncset.done $0x0  }
0x1e1: {  	[sflag:s3] =	ssyncadd.s32 $0xFFFFD800  }
0x1e2: {  	[tilespmem:s6], [sflag:$0x2] =	stream.indirect.gather [hbm4b:s2+s11], $0x80, s16, s11, $0xb8;
	[tilespmem:$0x5C00] =	vst v63  }
0x1e3: {  	_ =	swait.ge [sflag:s12], $0x2800  }
0x1e4: {  	[sflag:s12] =	ssyncset.done $0x0  }
0x1e5: {  	s26 =	rddreg [dreg:$0x13];
	[sflag:s12] =	ssyncadd.s32 $0xFFFFD800  }
0x1e6: {  	[hbm4b:s26+s7] =	stream.strided.scatter [tilespmem:s9], [sflag:$0x3], $0x2800, s8, s7, $0x38;
	[tilespmem:$0x5C00] =	vst v63  }
0x1e7: {  	_ =	swait.ge [sflag:s3], $0x2800  }
0x1e8: {  	[sflag:s3] =	ssyncset.done $0x0  }
0x1e9: {  	[sflag:s3] =	ssyncadd.s32 $0xFFFFD800  }
0x1ea: {  	[tilespmem:s9], [sflag:$0x1] =	stream.indirect.gather [hbm4b:s2+s11], $0x80, s8, s11, $0xb8;
	[tilespmem:$0x5C00] =	vst v63  }
0x1eb: {  	_ =	swait.ge [sflag:s10], $0x2800  }
0x1ec: {  	[sflag:s10] =	ssyncset.done $0x0  }
0x1ed: {  	s28 =	rddreg [dreg:$0x14];
	[sflag:s10] =	ssyncadd.s32 $0xFFFFD800  }
0x1ee: {  	[hbm4b:s28+s7] =	stream.strided.scatter [tilespmem:s6], [sflag:$0x3], $0x2800, s8, s7, $0x38;
	[tilespmem:$0x5C00] =	vst v63  }
0x1ef: {  	_ =	swait.ge [sflag:s3], $0x2800  }
0x1f0: {  	[sflag:s3] =	ssyncset.done $0x0  }
0x1f1: {  	[sflag:s3] =	ssyncadd.s32 $0xFFFFD800  }
0x1f2: {  	[tilespmem:s6], [sflag:$0x2] =	stream.indirect.gather [hbm4b:s2+s11], $0x80, s15, s11, $0xb8;
	[tilespmem:$0x5C00] =	vst v63  }
0x1f3: {  	_ =	swait.ge [sflag:s12], $0x2800  }
0x1f4: {  	[sflag:s12] =	ssyncset.done $0x0  }
0x1f5: {  	s29 =	rddreg [dreg:$0x15];
	[sflag:s12] =	ssyncadd.s32 $0xFFFFD800  }
0x1f6: {  	[hbm4b:s29+s7] =	stream.strided.scatter [tilespmem:s9], [sflag:$0x3], $0x2800, s8, s7, $0x38;
	[tilespmem:$0x5C00] =	vst v63  }
0x1f7: {  	_ =	swait.ge [sflag:s3], $0x2800  }
0x1f8: {  	[sflag:s3] =	ssyncset.done $0x0  }
0x1f9: {  	[sflag:s3] =	ssyncadd.s32 $0xFFFFD800  }
0x1fa: {  	[tilespmem:s9], [sflag:$0x1] =	stream.indirect.gather [hbm4b:s2+s11], $0x80, s14, s11, $0xb8;
	[tilespmem:$0x5C00] =	vst v63  }
0x1fb: {  	_ =	swait.ge [sflag:s10], $0x2800  }
0x1fc: {  	[sflag:s10] =	ssyncset.done $0x0  }
0x1fd: {  	s30 =	rddreg [dreg:$0x16];
	[sflag:s10] =	ssyncadd.s32 $0xFFFFD800  }
0x1fe: {  	[hbm4b:s30+s7] =	stream.strided.scatter [tilespmem:s6], [sflag:$0x3], $0x2800, s8, s7, $0x38;
	[tilespmem:$0x5C00] =	vst v63  }
0x1ff: {  	_ =	swait.ge [sflag:s3], $0x2800  }
0x200: {  	[sflag:s3] =	ssyncset.done $0x0  }
0x201: {  	[sflag:s3] =	ssyncadd.s32 $0xFFFFD800  }
0x202: {  	[tilespmem:s6], [sflag:$0x2] =	stream.indirect.gather [hbm4b:s2+s11], $0x80, s13, s11, $0xb8;
	[tilespmem:$0x5C00] =	vst v63  }
0x203: {  	_ =	swait.ge [sflag:s12], $0x2800  }
0x204: {  	[sflag:s12] =	ssyncset.done $0x0  }
0x205: {  	[sflag:s12] =	ssyncadd.s32 $0xFFFFD800  }
0x206: {  	[hbm4b:s5+s7] =	stream.strided.scatter [tilespmem:s9], [sflag:$0x3], $0x2800, s8, s7, $0x38;
	[tilespmem:$0x5C00] =	vst v63  }
0x207: {  	_ =	swait.ge [sflag:s3], $0x2800  }
0x208: {  	[sflag:s3] =	ssyncset.done $0x0  }
0x209: {  	[sflag:s3] =	ssyncadd.s32 $0xFFFFD800  }
0x20a: {  	_ =	swait.ge [sflag:s10], $0x2800  }
0x20b: {  	[sflag:s10] =	ssyncset.done $0x0  }
0x20c: {  	[sflag:s10] =	ssyncadd.s32 $0xFFFFD800  }
0x20d: {  	[hbm4b:s4+s7] =	stream.strided.scatter [tilespmem:s6], [sflag:$0x3], $0x2800, s8, s7, $0x38;
	[tilespmem:$0x5C00] =	vst v63  }
0x20e: {  	_ =	swait.ge [sflag:s3], $0x2800  }
0x20f: {  	[sflag:s3] =	ssyncset.done $0x0  }
0x210: {  	[sflag:s3] =	ssyncadd.s32 $0xFFFFD800  }
0x211: {  	_ =	sfence.sel $0x180000  }
0x212: {  	[bflag:$0x0] =	sbarrier.arrive $0xFFFF  }
0x213: {  	_ =	strace $0x90000047  }
0x214: {  	s31 =	stileid.u32;
	[bflag:$0x2] =	sbarrier.arrive $0xFFFF  }
0x215: {  	p0 =	sne.s32 s31, $0x0;
	s0 =	rddreg [dreg:$0x3]  }
0x216: {  	s0 =	sadd.s32 @!p0 $0x100000, s0  }
0x217: {  	[sflag:s0] =	ssyncadd.tile.s32 @!p0 $0x1;
	_ =	shalt  }
.Lfunc_end2:
_tile_overlayer_lowered:
.L_overlay_start_2:
0x218: {  	(tag) =	ssettag $0x2  }
0x219: {  	s0 =	rddreg [dreg:$0x0];
	s2 =	stileid.u32  }
0x21a: {  	s1 =	rddreg [dreg:$0x1];
	p0 =	sne.s32 s2, $0x0  }
0x21b: {  	s3 =	rddreg [dreg:$0x2];
	[bflag:$0x3] =	sbarrier.arrive $0xFFFF;
	s2 =	simm.s32 @!p0 $0x1C03  }
0x21c: {  	[timem:s3], [sflag:s2] =	dma.local @!p0 [hbm:s0], s1  }
0x21d: {  	s0 =	simm.s32 @!p0 $0x3  }
0x21e: {  	_ =	swait.ge @!p0 [sflag:s0], s1  }
0x21f: {  	s1 =	ssub.s32 @!p0 $0x0, s1;
	[sflag:s0] =	ssyncset.done @!p0 $0x0  }
0x220: {  	[sflag:s0] =	ssyncadd.s32 @!p0 s1  }
0x221: {  	[bflag:$0x3] =	sbarrier.arrive $0xFFFF  }
0x222: {  	_ =	shalt  }

// kernel: sparse-core-data-format-call.cloned.1.call-start
scs
called_computation_lowered:
.L_overlay_start_0:
0x0: {  	s2 =	sld [smem:$0x3FD9]  }
0x1: {  	s3 =	sld [smem:$0x3FFE];
	_ =	sdelay $0x1  }
0x2: {  	s1 =	srdreg.scid  }
0x3: {  	s0 =	sand.u32 $0x1, s1  }
0x4: {  	s18 =	sshll.u32 s0, $0xA;
	s2 =	sadd.s32 s3, s2  }
0x5: {  	s2 =	sadd.s32 s2, s18  }
0x6: {  	[smem:$0x3FC2] =	sst s2  }
0x7: {  	_ = 	snop  }
0x8: {  	s2 =	sld [smem:$0x3FD0];
	(tm) =	ssettm $0x1  }
0x9: {  	s19 =	sld [smem:$0x3FFB];
	_ =	sdelay $0x3  }
0xa: {  	_ =	strace s19  }
0xb: {  	s3 =	sld [smem:$0x3FFC];
	_ =	sdelay $0x3  }
0xc: {  	_ =	strace s3  }
0xd: {  	s3 =	sld [smem:$0x3FFD];
	_ =	sdelay $0x3  }
0xe: {  	_ =	strace s3  }
0xf: {  	_ =	strace $0x8FFFFFFF  }
0x10: {  	s20 =	sld [smem:$0x3FDB];
	_ =	sdelay $0x1  }
0x11: {  	s4 =	simm.s32 $_scs_section_size  }
0x12: {  	s5 =	simm.s32 $_size__tile_overlayer_lowered;
	s6 =	simm.s32 $_tile_overlayer_lowered  }
0x13: {  	s23 =	simm.s32 $0x1BFF;
	s22 =	sshll.u32 s6, $0x1;
	s3 =	sadd.s32 s4, s20  }
0x14: {  	s7 =	simm.s32 $0x0;
	s21 =	sshll.u32 s5, $0x1;
	s5 =	sadd.s32 s22, s3  }
0x15: {  	[timem:s7], [sflag:s23] =	dma.local [hbm:s5], s21  }
0x16: {  	_ =	swait.ge [sflag:s23], s21  }
0x17: {  	s4 =	ssub.s32 $0x0, s21;
	[sflag:s23] =	ssyncset.done $0x0  }
0x18: {  	[sflag:s23] =	ssyncadd.s32 s4;
	_ =	sdelay $0x1  }
0x19: {  	s24 =	simm.s32 $0x1B8B  }
0x1a: {  	_ =	swait.ge [sflag:s24], $0x1  }
0x1b: {  	[sflag:s24] =	ssyncset.done $0x0  }
0x1c: {  	s26 =	simm.s32 $0x1B8E;
	s25 =	sld [smem:$0x3FFE];
	[sflag:s24] =	ssyncadd.s32 $0xFFFFFFFF  }
0x1d: {  	s27 =	simm.s32 $execute0_lowered;
	[smem:$0x3FD2] =	sst s26  }
0x1e: {  	s5 =	sshll.u32 s27, $0x1;
	_ =	strace $0x80000049;
	[dreg:$0x1] =	wrdreg $0xFFFFFFFF  }
0x1f: {  	s28 =	simm.s32 $_size_execute0_lowered;
	s3 =	sadd.s32 s3, s5;
	[dreg:$0x0] =	wrdreg $0x0  }
0x20: {  	s5 =	sshll.u32 s28, $0x1;
	[dreg:$0x2] =	wrdreg s3  }
0x21: {  	[dreg:$0x3] =	wrdreg s5  }
0x22: {  	[dreg:$0x4] =	wrdreg $0xC0  }
0x23: {  	_ =	task [dreg:s7], $0x5FFFF  }
0x24: {  	[dreg:$0x1] =	wrdreg $0xFFFFFFFF  }
0x25: {  	[dreg:$0x0] =	wrdreg $0x60  }
0x26: {  	[dreg:$0x2] =	wrdreg s25  }
0x27: {  	[dreg:$0x3] =	wrdreg s2  }
0x28: {  	[dreg:$0x4] =	wrdreg $0x9  }
0x29: {  	_ =	task.clear_ibuf [dreg:s7], $0x5FFFF;
	_ =	strace $0x90000049  }
0x2a: {  	s29 =	simm.s32 $0x9;
	_ =	strace $0x8000004B  }
0x2b: {  	_ =	swait.ge [sflag:s29], $0x1  }
0x2c: {  	[sflag:s29] =	ssyncadd.s32 $0xFFFFFFFF  }
0x2d: {  	_ =	strace $0x9000004B  }
0x2e: {  	_ =	sfence  }
0x2f: {  	s30 =	sld [smem:$0x0];
	_ =	sdelay $0x2  }
0x30: {  	s31 =	sshll.u32 s1, $0xD;
	s1 =	sshrl.u32 s1, $0x2  }
0x31: {  	s3 =	sand.u32 $0x4000, s31;
	s1 =	sadd.s32 s1, s30  }
0x32: {  	s0 =	sor.u32 s3, s0;
	s1 =	sshll.u32 s1, $0x11  }
0x33: {  	s0 =	sor.u32 s1, s0  }
0x34: {  	s0 =	sadd.s32 $0x8F2B, s0  }
0x35: {  	[sflag:s0] =	ssyncadd.remote.s32 $0x1  }
0x36: {  	_ =	sfence.sel $0xFFFF  }
0x37: {  	[dreg:$0x0] =	wrdreg $0xFFFFFFFF;
	(pc) =	sbr.abs _section_cstart, $3  }
0x38: {  	[dreg:$0x1] =	wrdreg $0xFFFFFFFF  }
0x39: {  	_ =	task.clear_ibuf [dreg:s7], $0x2FFFF;
	_ =	strace $0x9FFFFFFF  }
0x3a: {  	(tm) =	ssettm $0x7FFFFFFF  }
0x3b: {  	_ =	shalt  }
tec
execute0_lowered:
.L_overlay_start_1:
0x0: {  	(tag) =	ssettag $0x1  }
0x1: {  	s0 =	stileid.u32;
	s8 =	rddreg [dreg:$0x0]  }
0x2: {  	s2 =	rddreg [dreg:$0x1];
	s5 =	srdreg.scid  }
0x3: {  	s31 =	simm.s32 $0x2;
	s19 =	simm.s32 $0x0;
	s12 =	simm.s32 $0x800  }
0x4: {  	s13 =	simm.s32 $0x0;
	s17 =	simm.s32 $0x0;
	s1 =	sshll.u32 s0, $0x7  }
0x5: {  	s18 =	simm.s32 $0x0;
	s16 =	simm.s32 $0x0;
	s3 =	sand.u32 $0x380, s1  }
0x6: {  	s4 =	sshrl.u32 s0, $0x3;
	s5 =	sshll.u32 s5, $0x7;
	s6 =	ssub.s32 $0x400, s3  }
0x7: {  	s5 =	sand.u32 $0x80, s5;
	s9 =	ssub.s32 $0x32, s4;
	s7 =	sand.u32 $0x380, s6  }
0x8: {  	s10 =	sshrl.u32 s9, $0x1;
	p0 =	sne.s32 s7, $0x0;
	s7 =	simm.s32 $0x1  }
0x9: {  	s9 =	sand.u32 $0x1, s9;
	s6 =	sshrl.u32 s6, $0xA;
	s7 =	simm.s32 @!p0 $0x0  }
0xa: {  	s11 =	ssub.s32 $0x100, s5;
	s28 =	sadd.s32 s9, s10;
	s6 =	sadd.s32 s7, s6  }
0xb: {  	s8 =	sadd.s32 $0x1000, s8;
	s29 =	sshrl.u32 s11, $0x7;
	s7 =	smul.u32 s28, s6  }
.Ltmp0:
0xc: {  	s30 =	sshrl.u32 s11, $0x8;
	s9 =	sand.u32 $0x1, s29;
	(pc) =	sbr.rel .LBB1_1-.Ltmp0, $4  }
0xd: {  	s1 =	rddreg [dreg:$0x2];
	_ =	strace $0x8000004A;
	s9 =	sadd.s32 s30, s9  }
0xe: {  	s14 =	smov.u32 s4;
	s6 =	simm.s32 $0x1;
	s7 =	smul.u32 s9, s7  }
0xf: {  	s15 =	smov.u32 s3;
	s11 =	simm.s32 $0x400;
	[sflag:s6] =	ssyncpa.u1 $0x0  }
0x10: {  	[sflag:s31] =	ssyncpa.u1 $0x0;
	s9 =	sshll.u32 s5, $0x3;
	s10 =	sadd.s32 $0x1, s7  }
.LBB1_4:
0x11: {  	_ =	sdelay $0x3  }
0x12: {  	[tilespmem:v0+s22+$0xFFFFFFD0 ss:$0x1] =	vst.idx.msk $0xffff, v6  }
0x13: {  	v56 =	vld.idx.msk [tilespmem:v1+s21+$0x0 ss:$0x1], $0xffff;
	[tilespmem:v0+s22+$0xFFFFFFE0 ss:$0x1] =	vst.idx.msk $0xffff, v4  }
0x14: {  	v57 =	vld.idx.msk [tilespmem:v1+s21+$0xFFFFFF90 ss:$0x1], $0xffff;
	[tilespmem:v0+s22+$0xFFFFFFF0 ss:$0x1] =	vst.idx.msk $0xffff, v2  }
0x15: {  	v58 =	vld.idx.msk [tilespmem:v1+s21+$0xFFFFFFA0 ss:$0x1], $0xffff;
	[tilespmem:v0+s22+$0x0 ss:$0x1] =	vst.idx.msk $0xffff, v3  }
0x16: {  	v59 =	vld.idx.msk [tilespmem:v1+s21+$0xFFFFFFB0 ss:$0x1], $0xffff;
	[tilespmem:v0+s22+$0x10 ss:$0x1] =	vst.idx.msk $0xffff, v5  }
0x17: {  	v60 =	vld.idx.msk [tilespmem:v1+s21+$0xFFFFFFC0 ss:$0x1], $0xffff;
	[tilespmem:v0+s22+$0x20 ss:$0x1] =	vst.idx.msk $0xffff, v7  }
0x18: {  	v61 =	vld.idx.msk [tilespmem:v1+s21+$0xFFFFFFD0 ss:$0x1], $0xffff;
	[tilespmem:v0+s21+$0x30 ss:$0x1] =	vst.idx.msk $0xffff, v56  }
0x19: {  	v62 =	vld.idx.msk [tilespmem:v1+s21+$0xFFFFFFE0 ss:$0x1], $0xffff;
	s29 =	sshll.u32 s18, $0x8;
	[tilespmem:v0+s21+$0xFFFFFFC0 ss:$0x1] =	vst.idx.msk $0xffff, v57  }
0x1a: {  	v63 =	vld.idx.msk [tilespmem:v1+s21+$0xFFFFFFF0 ss:$0x1], $0xffff;
	s19 =	sshll.u32 s19, $0x3;
	s23 =	sshll.u32 s18, $0x7;
	s22 =	sand.u32 $0x3F800, s29;
	[tilespmem:v0+s21+$0xFFFFFFD0 ss:$0x1] =	vst.idx.msk $0xffff, v58  }
0x1b: {  	s30 =	sand.u32 $0x300, s23;
	s19 =	sor.u32 s22, s19;
	[tilespmem:v0+s21+$0xFFFFFFE0 ss:$0x1] =	vst.idx.msk $0xffff, v59  }
0x1c: {  	s17 =	sshll.u32 s17, $0xF;
	s31 =	sshll.u32 s18, $0x4;
	s19 =	sor.u32 s30, s19;
	[tilespmem:v0+s21+$0xFFFFFFF0 ss:$0x1] =	vst.idx.msk $0xffff, v60  }
0x1d: {  	s18 =	sand.u32 $0x10, s31;
	s17 =	sadd.s32 s2, s17;
	s19 =	sshrl.u32 s19, $0x3;
	[tilespmem:v0+s21+$0x0 ss:$0x1] =	vst.idx.msk $0xffff, v61  }
0x1e: {  	s17 =	sadd.s32 s18, s17;
	[tilespmem:v0+s21+$0x10 ss:$0x1] =	vst.idx.msk $0xffff, v62;
	s19 =	sand.u32 $0x7FE0, s19  }
0x1f: {  	[tilespmem:v0+s21+$0x20 ss:$0x1] =	vst.idx.msk $0xffff, v63;
	s17 =	sadd.s32 s19, s17  }
0x20: {  	[hbm4b:s17+s11] =	stream.strided.scatter [tilespmem:s20], [sflag:$0x2], $0x4000, s12, s11, $0x38;
	[tilespmem:$0x10000] =	vst v63  }
.LBB1_5:
0x21: {  	s20 =	sadd.s32 $0x2, s14  }
0x22: {  	s17 =	sadd.s32 $0x400, s15;
	s21 =	smov.u32 s15;
	p1 =	sgt.s32 s20, $0x31  }
0x23: {  	s21 =	smov.u32 @p1 s17  }
0x24: {  	s20 =	smov.u32 @p1 s4;
	p1 =	sgt.s32 s21, $0x3FF  }
0x25: {  	s21 =	smov.u32 @p1 s3;
	p1 =	sne.s32 s16, s10  }
.Ltmp1:
0x26: {  	p0 =	slt.u32 s16, $0x2;
	(pc) =	sbr.rel @!p1 .LBB1_6-.Ltmp1, $4  }
0x27: {  	s18 =	smov.u32 s15;
	s19 =	simm.s32 @!p0 $0x2  }
0x28: {  	s13 =	sadd.s32 $0x4000, s13;
	_ =	swait.ge @!p0 [sflag:s19], $0x4000;
	s17 =	smov.u32 s14  }
0x29: {  	[sflag:s19] =	ssyncset.done @!p0 $0x0;
	s14 =	smov.u32 s20;
	s16 =	sadd.s32 $0x1, s16  }
0x2a: {  	[sflag:s19] =	ssyncadd.s32 @!p0 $0xFFFFC000;
	s19 =	smov.u32 s5;
	s15 =	smov.u32 s21  }
.LBB1_1:
0x2b: {  	p0 =	sge.u32 s16, s7  }
0x2c: {  	s20 =	sshll.u32 @!p0 s14, $0x8  }
0x2d: {  	s21 =	sshll.u32 @!p0 s14, $0x7;
	s20 =	sand.u32 @!p0 $0xFFFFF800, s20  }
0x2e: {  	s21 =	sand.u32 @!p0 $0x300, s21;
	s20 =	sor.u32 @!p0 s9, s20  }
0x2f: {  	s20 =	sor.u32 @!p0 s21, s20  }
0x30: {  	s20 =	sshrl.u32 @!p0 s20, $0x8  }
0x31: {  	s21 =	smulhi.u32 @!p0 $0x4924925, s20;
	_ =	sdelay $0x1  }
0x32: {  	s21 =	smul.u32 @!p0 $0x38, s21  }
0x33: {  	s31 =	sadd.s32 $0xFFFFFFFF, s16;
	s22 =	smul.u32 @!p0 $0x700, s15  }
0x34: {  	s23 =	sxor.u32 @!p0 $0xFFFFFFFF, s16;
	s20 =	ssub.s32 @!p0 s20, s21;
	s21 =	sshll.u32 @!p0 s14, $0x4  }
0x35: {  	s23 =	sshll.u32 @!p0 s23, $0xE;
	s22 =	sadd.s32 @!p0 s8, s22;
	s21 =	sand.u32 @!p0 $0x10, s21  }
0x36: {  	s23 =	sand.u32 @!p0 $0x4000, s23;
	s20 =	sshll.u32 @!p0 s20, $0x5;
	s21 =	sadd.s32 @!p0 s21, s22  }
0x37: {  	s22 =	simm.s32 @!p0 $0x3800;
	s20 =	sadd.s32 @!p0 s20, s21;
	s21 =	simm.s32 @!p0 $0x80  }
0x38: {  	[tilespmem:s23], [sflag:$0x1] =	stream.strided.gather @!p0 [hbm4b:s20+s21], $0x4000, s22, s21, $0x38;
	[tilespmem:$0x10000] =	vst v63  }
0x39: {  	p0 =	sge.u32 s31, s7  }
.Ltmp2:
0x3a: {  	_ = 	snop;
	(pc) =	sbr.rel @p0 .LBB1_5-.Ltmp2, $1  }
0x3b: {  	_ =	sdelay $0x3  }
0x3c: {  	s20 =	sand.u32 $0x4000, s13  }
0x3d: {  	s21 =	sor.u32 $0x70, s20  }
0x3e: {  	v1 =	vmov s21;
	_ =	sdelay $0x1  }
0x3f: {  	_ =	swait.ge [sflag:s6], $0x4000  }
0x40: {  	[sflag:s6] =	ssyncset.done $0x0  }
0x41: {  	s22 =	simm.s32 $0x0;
	[sflag:s6] =	ssyncadd.s32 $0xFFFFC000  }
0x42: {  	s20 =	sor.u32 $0x8040, s20;
	v7 =	vld.idx.msk [tilespmem:v1+s22+$0x0 ss:$0x1], $0xffff  }
0x43: {  	v0 =	vmov s20;
	v8 =	vld.idx.msk [tilespmem:v1+s22+$0xFFFFFF90 ss:$0x1], $0xffff  }
0x44: {  	v6 =	vld.idx.msk [tilespmem:v1+s22+$0xFFFFFFA0 ss:$0x1], $0xffff  }
0x45: {  	v4 =	vld.idx.msk [tilespmem:v1+s22+$0xFFFFFFB0 ss:$0x1], $0xffff  }
0x46: {  	v2 =	vld.idx.msk [tilespmem:v1+s22+$0xFFFFFFC0 ss:$0x1], $0xffff  }
0x47: {  	s31 =	sshll.u32 s16, $0xE;
	v3 =	vld.idx.msk [tilespmem:v1+s22+$0xFFFFFFD0 ss:$0x1], $0xffff  }
0x48: {  	s20 =	sand.u32 $0x4000, s31;
	v5 =	vld.idx.msk [tilespmem:v1+s22+$0xFFFFFFE0 ss:$0x1], $0xffff;
	[tilespmem:v0+s22+$0x30 ss:$0x1] =	vst.idx.msk $0xffff, v7  }
0x49: {  	s23 =	simm.s32 $0x400;
	s21 =	simm.s32 $0x80;
	s20 =	sor.u32 $0x8000, s20;
	[tilespmem:v0+s22+$0xFFFFFFC0 ss:$0x1] =	vst.idx.msk $0xffff, v8;
	v7 =	vld.idx.msk [tilespmem:v1+s22+$0xFFFFFFF0 ss:$0x1], $0xffff  }
.LBB1_3:
0x4a: {  	p0 =	sne.s32 s23, $0xFE00;
	v8 =	vld.idx.msk [tilespmem:v1+s21+$0x0 ss:$0x1], $0xffff;
	[tilespmem:v0+s22+$0xFFFFFFD0 ss:$0x1] =	vst.idx.msk $0xffff, v6  }
0x4b: {  	v9 =	vld.idx.msk [tilespmem:v1+s21+$0xFFFFFF90 ss:$0x1], $0xffff;
	[tilespmem:v0+s22+$0xFFFFFFE0 ss:$0x1] =	vst.idx.msk $0xffff, v4  }
0x4c: {  	v6 =	vld.idx.msk [tilespmem:v1+s21+$0xFFFFFFA0 ss:$0x1], $0xffff;
	[tilespmem:v0+s22+$0xFFFFFFF0 ss:$0x1] =	vst.idx.msk $0xffff, v2  }
.Ltmp3:
0x4d: {  	v4 =	vld.idx.msk [tilespmem:v1+s21+$0xFFFFFFB0 ss:$0x1], $0xffff;
	[tilespmem:v0+s22+$0x0 ss:$0x1] =	vst.idx.msk $0xffff, v3;
	(pc) =	sbr.rel @p0 .LBB1_3-.Ltmp3, $4  }
0x4e: {  	v2 =	vld.idx.msk [tilespmem:v1+s21+$0xFFFFFFC0 ss:$0x1], $0xffff;
	[tilespmem:v0+s22+$0x10 ss:$0x1] =	vst.idx.msk $0xffff, v5  }
0x4f: {  	v3 =	vld.idx.msk [tilespmem:v1+s21+$0xFFFFFFD0 ss:$0x1], $0xffff;
	[tilespmem:v0+s22+$0x20 ss:$0x1] =	vst.idx.msk $0xffff, v7;
	s22 =	smov.u32 s21  }
0x50: {  	v5 =	vld.idx.msk [tilespmem:v1+s22+$0xFFFFFFE0 ss:$0x1], $0xffff;
	[tilespmem:v0+s22+$0x30 ss:$0x1] =	vst.idx.msk $0xffff, v8  }
0x51: {  	s21 =	sshra.s32 s23, $0x2;
	s23 =	sadd.s32 $0x200, s23;
	[tilespmem:v0+s22+$0xFFFFFFC0 ss:$0x1] =	vst.idx.msk $0xffff, v9;
	v7 =	vld.idx.msk [tilespmem:v1+s22+$0xFFFFFFF0 ss:$0x1], $0xffff  }
.Ltmp4:
0x52: {  	_ = 	snop;
	(pc) =	sbr.rel .LBB1_4-.Ltmp4, $1  }
0x53: {  	_ =	sdelay $0x3  }
.LBB1_6:
0x54: {  	_ =	sfence.sel $0x180000  }
0x55: {  	s2 =	simm.s32 $0x1;
	[bflag:$0x0] =	sbarrier.arrive $0xFFFF  }
0x56: {  	s31 =	simm.s32 $0x2;
	[sflag:s2] =	ssyncpa.u1 $0x1  }
0x57: {  	[sflag:s31] =	ssyncpa.u1 $0x1  }
0x58: {  	p0 =	sne.s32 s0, $0x0;
	_ =	strace $0x9000004A  }
0x59: {  	s0 =	sadd.s32 @!p0 $0x100000, s1;
	[bflag:$0x2] =	sbarrier.arrive $0xFFFF  }
0x5a: {  	[sflag:s0] =	ssyncadd.tile.s32 @!p0 $0x1;
	_ =	shalt  }
.Lfunc_end1:
_tile_overlayer_lowered:
.L_overlay_start_2:
0x5b: {  	(tag) =	ssettag $0x2  }
0x5c: {  	s0 =	rddreg [dreg:$0x0];
	s2 =	stileid.u32  }
0x5d: {  	s1 =	rddreg [dreg:$0x1];
	p0 =	sne.s32 s2, $0x0  }
0x5e: {  	s3 =	rddreg [dreg:$0x2];
	[bflag:$0x3] =	sbarrier.arrive $0xFFFF;
	s2 =	simm.s32 @!p0 $0x1C01  }
0x5f: {  	[timem:s3], [sflag:s2] =	dma.local @!p0 [hbm:s0], s1  }
0x60: {  	s0 =	simm.s32 @!p0 $0x1  }
0x61: {  	_ =	swait.ge @!p0 [sflag:s0], s1  }
0x62: {  	s1 =	ssub.s32 @!p0 $0x0, s1;
	[sflag:s0] =	ssyncset.done @!p0 $0x0  }
0x63: {  	[sflag:s0] =	ssyncadd.s32 @!p0 s1  }
0x64: {  	[bflag:$0x3] =	sbarrier.arrive $0xFFFF  }
0x65: {  	_ =	shalt  }

</sc_bundles>
